<compile_context>
chip_gen: v7x
topology: tpu7x:2x2x1
jax: 0.10.2.dev20260603
libtpu: 0.0.44.dev20260713+nightly
codegen_flags: <defaults>
</compile_context>

<pallas_src>
import functools

import jax
import jax.numpy as jnp
from jax import lax
from jax.experimental import pallas as pl
from jax.experimental.pallas import tpu as pltpu
from jax.experimental.pallas import tpu_sc as plsc

B, N, F_DIM, H_DIM, E = 4, 2500, 128, 128, 80000
NV = B * N
NPAD = 10240
ET = B * E
NC, NS = 2, 16
NWORK = NC * NS
EPW = ET // NWORK
W_E = 80
NWIN = EPW // W_E
NBUF = 5
MBUF = 2
RPT = NPAD // NS


def _sc_mesh():
    return plsc.VectorSubcoreMesh(
        core_axis_name="c", subcore_axis_name="s", num_cores=NC, num_subcores=NS)


def _fix_all(srcw, dstflat, dstw, off):
    trash = NV + lax.iota(jnp.int32, 16)

    def row(w, carry):
        for k in range(W_E // 16):
            fsl = pl.ds(w * W_E + k * 16, 16)
            sv = srcw[fsl] + off
            dv = dstflat[fsl] + off
            bad = (sv == 0) & (dv == 0)
            srcw[fsl] = sv
            dstw[w, pl.ds(k * 16, 16)] = jnp.where(bad, trash, dv)
        return carry

    lax.fori_loop(0, NWIN, row, 0)


def _sc_degree_body(ei_hbm, zdeg_hbm, upd_hbm, degpart_hbm,
                    srcfix_hbm, dstfix_hbm, srcw, dstflat, dstw, upd, degacc,
                    gsem, *ssems):
    c = lax.axis_index("c")
    s = lax.axis_index("s")
    wid = c * NS + s
    g = wid // (NWORK // B)
    part = wid % (NWORK // B)
    sbase = g * 2 * E + part * EPW
    dbase = sbase + E
    pltpu.async_copy(ei_hbm.at[pl.ds(sbase, EPW)], srcw, gsem)
    pltpu.async_copy(ei_hbm.at[pl.ds(dbase, EPW)], dstflat, gsem)
    rb = s * RPT
    pltpu.sync_copy(zdeg_hbm.at[pl.ds(rb, RPT)], degacc.at[pl.ds(rb, RPT)])
    pltpu.make_async_copy(ei_hbm.at[pl.ds(sbase, EPW)], srcw, gsem).wait()
    pltpu.make_async_copy(ei_hbm.at[pl.ds(dbase, EPW)], dstflat, gsem).wait()
    pltpu.sync_copy(upd_hbm, upd)
    _fix_all(srcw, dstflat, dstw, g * N)
    pltpu.async_copy(dstw, dstfix_hbm.at[wid], gsem)
    pltpu.async_copy(srcw, srcfix_hbm.at[wid], gsem)
    plsc.subcore_barrier()

    def it(i, carry):
        for b in range(NBUF):
            w = i * NBUF + b
            @pl.when(w >= NBUF)
            def _():
                pltpu.make_async_copy(
                    upd, degpart_hbm.at[c, pl.ds(0, W_E)], ssems[b]).wait()
            pltpu.async_copy(upd, degacc.at[dstw.at[w]], ssems[b], add=True)
        return carry

    lax.fori_loop(0, NWIN // NBUF, it, 0)
    for b in range(NBUF):
        pltpu.make_async_copy(
            upd, degpart_hbm.at[c, pl.ds(0, W_E)], ssems[b]).wait()
    pltpu.make_async_copy(dstw, dstfix_hbm.at[wid], gsem).wait()
    pltpu.make_async_copy(srcw, srcfix_hbm.at[wid], gsem).wait()
    plsc.subcore_barrier()
    pltpu.sync_copy(degacc.at[pl.ds(rb, RPT)],
                    degpart_hbm.at[c, pl.ds(rb, RPT)])


def _sc_degree(ei, zdeg, upd):
    return pl.kernel(
        _sc_degree_body,
        out_type=[jax.ShapeDtypeStruct((NC, NPAD), jnp.float32),
                  jax.ShapeDtypeStruct((NWORK, EPW), jnp.int32),
                  jax.ShapeDtypeStruct((NWORK, NWIN, W_E), jnp.int32)],
        mesh=_sc_mesh(),
        scratch_types=[
            pltpu.VMEM((EPW,), jnp.int32),
            pltpu.VMEM((EPW,), jnp.int32),
            pltpu.VMEM((NWIN, W_E), jnp.int32),
            pltpu.VMEM((W_E,), jnp.float32),
            pltpu.VMEM_SHARED((NPAD,), jnp.float32),
            pltpu.SemaphoreType.DMA,
        ] + [pltpu.SemaphoreType.DMA] * NBUF,
    )(ei, zdeg, upd)


def _sc_msg_body(g_hbm, src_hbm, dst_hbm, msgpart_hbm,
                 srcw, dstw, acc, rows, gsems, ssems):
    c = lax.axis_index("c")
    s = lax.axis_index("s")
    wid = c * NS + s
    rb = s * RPT
    pltpu.async_copy(src_hbm.at[wid], srcw, gsems[0])
    pltpu.async_copy(dst_hbm.at[wid], dstw, gsems[0])
    @pl.when(c == 0)
    def _():
        pltpu.async_copy(g_hbm.at[pl.ds(rb, RPT)], acc.at[pl.ds(rb, RPT)],
                         ssems[1])

    @pl.when(c == 1)
    def _():
        z16 = jnp.zeros((16,), jnp.float32)

        def zrow(r, carry):
            for k in range(H_DIM // 16):
                rows[1, r, pl.ds(k * 16, 16)] = z16
            return carry

        lax.fori_loop(0, W_E, zrow, 0)
        for j in range(RPT // W_E):
            pltpu.sync_copy(rows.at[1], acc.at[pl.ds(rb + j * W_E, W_E)])
    pltpu.make_async_copy(src_hbm.at[wid], srcw, gsems[0]).wait()
    pltpu.make_async_copy(dst_hbm.at[wid], dstw, gsems[0]).wait()

    @pl.when(c == 0)
    def _():
        pltpu.make_async_copy(g_hbm.at[pl.ds(rb, RPT)], acc.at[pl.ds(rb, RPT)],
                              ssems[1]).wait()
    plsc.subcore_barrier()

    pltpu.async_copy(g_hbm.at[srcw.at[pl.ds(0, W_E)]], rows.at[0], gsems[0])

    def slot(w, b):
        bn = (b + 1) % MBUF
        @pl.when(w + 1 < NWIN)
        def _():
            @pl.when(w >= 1)
            def _():
                pltpu.make_async_copy(
                    rows.at[bn], msgpart_hbm.at[c, pl.ds(0, W_E)],
                    ssems[bn]).wait()
            pltpu.async_copy(g_hbm.at[srcw.at[pl.ds((w + 1) * W_E, W_E)]],
                             rows.at[bn], gsems[bn])
        pltpu.make_async_copy(g_hbm.at[srcw.at[pl.ds(w * W_E, W_E)]],
                              rows.at[b], gsems[b]).wait()
        pltpu.async_copy(rows.at[b], acc.at[dstw.at[w]], ssems[b], add=True)

    def it(i, carry):
        for b in range(MBUF):
            slot(i * MBUF + b, b)
        return carry

    lax.fori_loop(0, NWIN // MBUF, it, 0)
    slot(NWIN - 1, (NWIN - 1) % MBUF)
    for b in range(MBUF):
        pltpu.make_async_copy(
            rows.at[b], msgpart_hbm.at[c, pl.ds(0, W_E)], ssems[b]).wait()
    plsc.subcore_barrier()
    pltpu.sync_copy(acc.at[pl.ds(rb, RPT)], msgpart_hbm.at[c, pl.ds(rb, RPT)])


def _sc_msg(g, src3, dst3):
    return pl.kernel(
        _sc_msg_body,
        out_type=jax.ShapeDtypeStruct((NC, NPAD, H_DIM), jnp.float32),
        mesh=_sc_mesh(),
        scratch_types=[
            pltpu.VMEM((EPW,), jnp.int32),
            pltpu.VMEM((NWIN, W_E), jnp.int32),
            pltpu.VMEM_SHARED((NPAD, H_DIM), jnp.float32),
            pltpu.VMEM((MBUF, W_E, H_DIM), jnp.float32),
            [pltpu.SemaphoreType.DMA] * MBUF,
            [pltpu.SemaphoreType.DMA] * MBUF,
        ],
    )(g, src3, dst3)


def _tc_b1_body(xf_ref, w1_ref, h_ref):
    h_ref[...] = jnp.dot(xf_ref[...], w1_ref[...],
                         preferred_element_type=jnp.float32)


def _tc_b1(xf, W1):
    return pl.pallas_call(
        _tc_b1_body,
        out_shape=jax.ShapeDtypeStruct((NPAD, H_DIM), jnp.float32),
    )(xf, W1)


def _tc_b2_body(degpart_ref, h_ref, g1_ref, dinv_ref):
    deg = lax.dot_general(
        degpart_ref[...], jnp.ones((NC, 1), jnp.float32),
        (((0,), (0,)), ((), ())), preferred_element_type=jnp.float32) + 1.0
    dinv = lax.rsqrt(deg)
    g1_ref[...] = dinv * h_ref[...]
    dinv_ref[...] = dinv


def _tc_b2(degpart, h):
    return pl.pallas_call(
        _tc_b2_body,
        out_shape=[
            jax.ShapeDtypeStruct((NPAD, H_DIM), jnp.float32),
            jax.ShapeDtypeStruct((NPAD, 1), jnp.float32),
        ],
    )(degpart, h)


def _tc_d_body(msgpart_ref, dinv_ref, b1_ref, w2_ref, g2_ref):
    m = msgpart_ref[0] + msgpart_ref[1]
    h1 = jnp.maximum(dinv_ref[...] * m + b1_ref[...], 0.0)
    g2_ref[...] = dinv_ref[...] * jnp.dot(
        h1, w2_ref[...], preferred_element_type=jnp.float32)


def _tc_d(msgpart, dinv, b1, W2):
    return pl.pallas_call(
        _tc_d_body,
        out_shape=jax.ShapeDtypeStruct((NPAD, H_DIM), jnp.float32),
    )(msgpart, dinv, b1, W2)


def _tc_e_body(msgpart_ref, dinv_ref, b2_ref, out_ref):
    m = msgpart_ref[0] + msgpart_ref[1]
    h2 = jnp.maximum(dinv_ref[...] * m + b2_ref[...], 0.0)
    rows = lax.broadcasted_iota(jnp.int32, (B, NPAD), 0)
    cols = lax.broadcasted_iota(jnp.int32, (B, NPAD), 1)
    pool = jnp.where((cols // N == rows) & (cols < NV), 1.0 / N, 0.0)
    out_ref[...] = lax.dot_general(
        pool, h2, (((1,), (0,)), ((), ())),
        preferred_element_type=jnp.float32)


def _tc_e(msgpart, dinv, b2):
    return pl.pallas_call(
        _tc_e_body,
        out_shape=jax.ShapeDtypeStruct((B, H_DIM), jnp.float32),
    )(msgpart, dinv, b2)


def kernel(x, edge_index, batch, W1, b1, W2, b2):
    ei1 = edge_index.reshape(-1)
    xf = jnp.pad(x.reshape(NV, F_DIM), ((0, NPAD - NV), (0, 0)))
    zdeg = jnp.zeros((NPAD,), jnp.float32)
    upd = jnp.ones((W_E,), jnp.float32)
    b1r = b1.reshape(1, H_DIM)
    b2r = b2.reshape(1, H_DIM)

    degpart, srcfix, dstfix = _sc_degree(ei1, zdeg, upd)
    h0 = _tc_b1(xf, W1)
    g1, dinv = _tc_b2(degpart, h0)
    msg1 = _sc_msg(g1, srcfix, dstfix)
    g2 = _tc_d(msg1, dinv, b1r, W2)
    msg2 = _sc_msg(g2, srcfix, dstfix)
    return _tc_e(msg2, dinv, b2r)

# --- scband reference (transcript-rebuilt; emitter-appended) ---
"""Pipeline reference for scband-simple-gnn-18751827214494 (READ-ONLY COPY).

The authoritative reference and input builder live on the scoring server;
editing this copy changes nothing except your own understanding.
"""

import jax, jax.numpy as jnp
import numpy as np

B, N, F_DIM, H_DIM, E = 4, 2500, 128, 128, 80000

def _gcn_conv(x, src, dst, W, b, num_nodes, ew):
    # PyG GCNConv: linear transform, add self-loops, sym-normalized scatter-add, bias
    h = x @ W
    loop = jnp.arange(num_nodes, dtype=src.dtype)
    src2 = jnp.concatenate([src, loop])
    dst2 = jnp.concatenate([dst, loop])
    ew2 = jnp.concatenate([ew, jnp.ones((num_nodes,), jnp.float32)])
    deg = jnp.zeros((num_nodes,), jnp.float32).at[dst2].add(ew2)
    dinv = jnp.where(deg > 0, 1.0 / jnp.sqrt(deg), 0.0)
    norm = dinv[src2] * dinv[dst2]
    msg = h[src2] * (norm * ew2)[:, None]
    out = jnp.zeros((num_nodes, h.shape[1]), h.dtype).at[dst2].add(msg)
    return out + b

def setup_inputs(seed: int = 0):
    key = jax.random.key(seed)
    ks = jax.random.split(key, 6)
    x = jax.random.normal(ks[0], (B, N, F_DIM), dtype=jnp.float32)
    edge_index = jax.random.randint(ks[1], (B, 2, E), 0, N, dtype=jnp.int32)
    batch = jnp.zeros((B * N,), dtype=jnp.int32)
    W1 = jax.random.normal(ks[2], (F_DIM, H_DIM), dtype=jnp.float32) * (1.0 / np.sqrt(F_DIM))
    b1 = jnp.zeros((H_DIM,), jnp.float32)
    W2 = jax.random.normal(ks[3], (H_DIM, H_DIM), dtype=jnp.float32) * (1.0 / np.sqrt(H_DIM))
    b2 = jnp.zeros((H_DIM,), jnp.float32)
    return {"x": x, "edge_index": edge_index, "batch": batch, "W1": W1, "b1": b1, "W2": W2, "b2": b2}

def reference(x, edge_index, batch, W1, b1, W2, b2):
    Bb, Nn, Ff = x.shape
    xf = x.reshape(Bb * Nn, Ff)
    # offset per-graph edge indices into the flattened node space (loop in torch -> vectorized)
    offsets = (jnp.arange(Bb, dtype=edge_index.dtype) * Nn)[:, None, None]
    ei = edge_index + offsets                      # [B, 2, E]
    ei = jnp.transpose(ei, (1, 0, 2)).reshape(2, -1)  # torch.cat(dim=1) ordering
    valid = (ei[0] != 0) | (ei[1] != 0)
    ew = valid.astype(jnp.float32)
    num_nodes = Bb * Nn
    batch_ids = jnp.repeat(jnp.arange(Bb), Nn)
    h = jax.nn.relu(_gcn_conv(xf, ei[0], ei[1], W1, b1, num_nodes, ew))
    h = jax.nn.relu(_gcn_conv(h, ei[0], ei[1], W2, b2, num_nodes, ew))
    # global_mean_pool
    sums = jnp.zeros((Bb, h.shape[1]), h.dtype).at[batch_ids].add(h)
    counts = jnp.zeros((Bb,), h.dtype).at[batch_ids].add(1.0)
    return sums / counts[:, None]

if __name__ == "__main__":
    import jax
    _d = setup_inputs()
    print(jax.jit(kernel)(*tuple(_d.values())))

</pallas_src>

<mosaic_0001>
#map = affine_map<(d0, d1) -> (0, 0)>
#map1 = affine_map<(d0, d1) -> (0, 0, 0)>
module attributes {stable_mosaic.version = 14 : i64} {
  func.func @_sc_msg_body(%arg0: i32, %arg1: i32, %arg2: memref<10240x128xf32, #tpu.memory_space<hbm>>, %arg3: memref<32x10000xi32, #tpu.memory_space<hbm>>, %arg4: memref<32x125x80xi32, #tpu.memory_space<hbm>>, %arg5: memref<2x10240x128xf32, #tpu.memory_space<hbm>>, %arg6: memref<10000xi32, #tpu.memory_space<vmem>>, %arg7: memref<125x80xi32, #tpu.memory_space<vmem>>, %arg8: memref<10240x128xf32, #tpu.memory_space<vmem_shared>>, %arg9: memref<2x80x128xf32, #tpu.memory_space<vmem>>, %arg10: memref<!tpu.dma_semaphore, #tpu.memory_space<semaphore_mem>>, %arg11: memref<!tpu.dma_semaphore, #tpu.memory_space<semaphore_mem>>, %arg12: memref<!tpu.dma_semaphore, #tpu.memory_space<semaphore_mem>>, %arg13: memref<!tpu.dma_semaphore, #tpu.memory_space<semaphore_mem>>) attributes {dimension_semantics = [#tpu.dimension_semantics<core_parallel>, #tpu.dimension_semantics<subcore_parallel>], iteration_bounds = array<i64: 2, 16>, scalar_prefetch = 0 : i64, scratch_operands = 8 : i64, tpu.core_type = #tpu.core_type<sc_vector_subcore>, window_params = [{transform_indices = #map}, {transform_indices = #map}, {transform_indices = #map1}, {transform_indices = #map1}]} {
    %mul3A = arith.constant 16 : i32
    %mul3A_0 = arith.muli %arg0, %mul3A : i32
    %add3A = arith.addi %mul3A_0, %arg1 : i32
    %mul3A_1 = arith.constant 640 : i32
    %mul3A_2 = arith.muli %arg1, %mul3A_1 : i32
    %dma_start3A = arith.constant 0 : i32
    %dma_start3A_3 = tpu.memref_slice %arg3[%add3A, %dma_start3A] : memref<32x10000xi32, #tpu.memory_space<hbm>> -> memref<1x10000xi32, #tpu.memory_space<hbm>>
    %dma_start3A_4 = tpu.memref_squeeze %dma_start3A_3 : memref<1x10000xi32, #tpu.memory_space<hbm>> -> memref<10000xi32, #tpu.memory_space<hbm>>
    %dma_start3A_5 = arith.constant 0 : i32
    %dma_start3A_6 = tpu.memref_slice %arg3[%add3A, %dma_start3A_5] : memref<32x10000xi32, #tpu.memory_space<hbm>> -> memref<1x10000xi32, #tpu.memory_space<hbm>>
    %dma_start3A_7 = tpu.memref_squeeze %dma_start3A_6 : memref<1x10000xi32, #tpu.memory_space<hbm>> -> memref<10000xi32, #tpu.memory_space<hbm>>
    tpu.enqueue_dma source(%dma_start3A_7 : memref<10000xi32, #tpu.memory_space<hbm>>) target(%arg6 : memref<10000xi32, #tpu.memory_space<vmem>>) target_semaphore(%arg10 : memref<!tpu.dma_semaphore, #tpu.memory_space<semaphore_mem>>)
    %dma_start3A_8 = arith.constant 0 : i32
    %dma_start3A_9 = arith.constant 0 : i32
    %dma_start3A_10 = tpu.memref_slice %arg4[%add3A, %dma_start3A_8, %dma_start3A_9] : memref<32x125x80xi32, #tpu.memory_space<hbm>> -> memref<1x125x80xi32, #tpu.memory_space<hbm>>
    %dma_start3A_11 = tpu.memref_squeeze %dma_start3A_10 : memref<1x125x80xi32, #tpu.memory_space<hbm>> -> memref<125x80xi32, #tpu.memory_space<hbm>>
    %dma_start3A_12 = arith.constant 0 : i32
    %dma_start3A_13 = arith.constant 0 : i32
    %dma_start3A_14 = tpu.memref_slice %arg4[%add3A, %dma_start3A_12, %dma_start3A_13] : memref<32x125x80xi32, #tpu.memory_space<hbm>> -> memref<1x125x80xi32, #tpu.memory_space<hbm>>
    %dma_start3A_15 = tpu.memref_squeeze %dma_start3A_14 : memref<1x125x80xi32, #tpu.memory_space<hbm>> -> memref<125x80xi32, #tpu.memory_space<hbm>>
    tpu.enqueue_dma source(%dma_start3A_15 : memref<125x80xi32, #tpu.memory_space<hbm>>) target(%arg7 : memref<125x80xi32, #tpu.memory_space<vmem>>) target_semaphore(%arg10 : memref<!tpu.dma_semaphore, #tpu.memory_space<semaphore_mem>>)
    %eq3A = arith.constant 0 : i32
    %eq3A_16 = arith.cmpi eq, %arg0, %eq3A : i32
    %convert_element_type3A = arith.extui %eq3A_16 : i1 to i32
    %cond3A = arith.constant 0 : i32
    %cond3A_17 = arith.cmpi ne, %convert_element_type3A, %cond3A : i32
    scf.if %cond3A_17 {
      %dma_start3A_113 = arith.constant 0 : i32
      %dma_start3A_114 = tpu.memref_slice %arg8[%mul3A_2, %dma_start3A_113] : memref<10240x128xf32, #tpu.memory_space<vmem_shared>> -> memref<640x128xf32, #tpu.memory_space<vmem_shared>>
      %dma_start3A_115 = arith.constant 0 : i32
      %dma_start3A_116 = tpu.memref_slice %arg2[%mul3A_2, %dma_start3A_115] : memref<10240x128xf32, #tpu.memory_space<hbm>> -> memref<640x128xf32, #tpu.memory_space<hbm>>
      tpu.enqueue_dma source(%dma_start3A_116 : memref<640x128xf32, #tpu.memory_space<hbm>>) target(%dma_start3A_114 : memref<640x128xf32, #tpu.memory_space<vmem_shared>>) target_semaphore(%arg13 : memref<!tpu.dma_semaphore, #tpu.memory_space<semaphore_mem>>)
    } else {
    }
    %eq3A_18 = arith.constant 1 : i32
    %eq3A_19 = arith.cmpi eq, %arg0, %eq3A_18 : i32
    %convert_element_type3A_20 = arith.extui %eq3A_19 : i1 to i32
    %cond3A_21 = arith.constant 0 : i32
    %cond3A_22 = arith.cmpi ne, %convert_element_type3A_20, %cond3A_21 : i32
    scf.if %cond3A_22 {
      %broadcast_in_dim3A = arith.constant 0.000000e+00 : f32
      %broadcast_in_dim3A_113 = vector.broadcast %broadcast_in_dim3A : f32 to vector<16xf32>
      %scan3A_114 = arith.constant 0 : i32
      %scan3A_115 = arith.constant 0 : i32
      %scan3A_116 = arith.constant 80 : i32
      %scan3A_117 = arith.addi %scan3A_115, %scan3A_116 : i32
      %scan3A_118 = arith.constant 1 : i32
      scf.for %scan3A_143 = %scan3A_115 to %scan3A_117 step %scan3A_118  : i32 {
        %swap3A = arith.constant 1 : i32
        %swap3A_144 = arith.index_cast %swap3A : i32 to index
        %swap3A_145 = arith.index_cast %scan3A_143 : i32 to index
        %swap3A_146 = arith.constant 0 : index
        %swap3A_147 = tpu.vector_load %arg9[%swap3A_144, %swap3A_145, %swap3A_146] {strides = array<i32>} : memref<2x80x128xf32, #tpu.memory_space<vmem>>, vector<1x1x16xf32>,
        %swap3A_148 = vector.shape_cast %swap3A_147 : vector<1x1x16xf32> to vector<16xf32>
        %swap3A_149 = vector.shape_cast %broadcast_in_dim3A_113 : vector<16xf32> to vector<1x1x16xf32>
        tpu.vector_store %arg9[%swap3A_144, %swap3A_145, %swap3A_146], %swap3A_149 {strides = array<i32>} : memref<2x80x128xf32, #tpu.memory_space<vmem>>, vector<1x1x16xf32>,
        %swap3A_150 = arith.constant 1 : i32
        %swap3A_151 = arith.index_cast %swap3A_150 : i32 to index
        %swap3A_152 = arith.index_cast %scan3A_143 : i32 to index
        %swap3A_153 = arith.constant 16 : index
        %swap3A_154 = tpu.vector_load %arg9[%swap3A_151, %swap3A_152, %swap3A_153] {strides = array<i32>} : memref<2x80x128xf32, #tpu.memory_space<vmem>>, vector<1x1x16xf32>,
        %swap3A_155 = vector.shape_cast %swap3A_154 : vector<1x1x16xf32> to vector<16xf32>
        %swap3A_156 = vector.shape_cast %broadcast_in_dim3A_113 : vector<16xf32> to vector<1x1x16xf32>
        tpu.vector_store %arg9[%swap3A_151, %swap3A_152, %swap3A_153], %swap3A_156 {strides = array<i32>} : memref<2x80x128xf32, #tpu.memory_space<vmem>>, vector<1x1x16xf32>,
        %swap3A_157 = arith.constant 1 : i32
        %swap3A_158 = arith.index_cast %swap3A_157 : i32 to index
        %swap3A_159 = arith.index_cast %scan3A_143 : i32 to index
        %swap3A_160 = arith.constant 32 : index
        %swap3A_161 = tpu.vector_load %arg9[%swap3A_158, %swap3A_159, %swap3A_160] {strides = array<i32>} : memref<2x80x128xf32, #tpu.memory_space<vmem>>, vector<1x1x16xf32>,
        %swap3A_162 = vector.shape_cast %swap3A_161 : vector<1x1x16xf32> to vector<16xf32>
        %swap3A_163 = vector.shape_cast %broadcast_in_dim3A_113 : vector<16xf32> to vector<1x1x16xf32>
        tpu.vector_store %arg9[%swap3A_158, %swap3A_159, %swap3A_160], %swap3A_163 {strides = array<i32>} : memref<2x80x128xf32, #tpu.memory_space<vmem>>, vector<1x1x16xf32>,
        %swap3A_164 = arith.constant 1 : i32
        %swap3A_165 = arith.index_cast %swap3A_164 : i32 to index
        %swap3A_166 = arith.index_cast %scan3A_143 : i32 to index
        %swap3A_167 = arith.constant 48 : index
        %swap3A_168 = tpu.vector_load %arg9[%swap3A_165, %swap3A_166, %swap3A_167] {strides = array<i32>} : memref<2x80x128xf32, #tpu.memory_space<vmem>>, vector<1x1x16xf32>,
        %swap3A_169 = vector.shape_cast %swap3A_168 : vector<1x1x16xf32> to vector<16xf32>
        %swap3A_170 = vector.shape_cast %broadcast_in_dim3A_113 : vector<16xf32> to vector<1x1x16xf32>
        tpu.vector_store %arg9[%swap3A_165, %swap3A_166, %swap3A_167], %swap3A_170 {strides = array<i32>} : memref<2x80x128xf32, #tpu.memory_space<vmem>>, vector<1x1x16xf32>,
        %swap3A_171 = arith.constant 1 : i32
        %swap3A_172 = arith.index_cast %swap3A_171 : i32 to index
        %swap3A_173 = arith.index_cast %scan3A_143 : i32 to index
        %swap3A_174 = arith.constant 64 : index
        %swap3A_175 = tpu.vector_load %arg9[%swap3A_172, %swap3A_173, %swap3A_174] {strides = array<i32>} : memref<2x80x128xf32, #tpu.memory_space<vmem>>, vector<1x1x16xf32>,
        %swap3A_176 = vector.shape_cast %swap3A_175 : vector<1x1x16xf32> to vector<16xf32>
        %swap3A_177 = vector.shape_cast %broadcast_in_dim3A_113 : vector<16xf32> to vector<1x1x16xf32>
        tpu.vector_store %arg9[%swap3A_172, %swap3A_173, %swap3A_174], %swap3A_177 {strides = array<i32>} : memref<2x80x128xf32, #tpu.memory_space<vmem>>, vector<1x1x16xf32>,
        %swap3A_178 = arith.constant 1 : i32
        %swap3A_179 = arith.index_cast %swap3A_178 : i32 to index
        %swap3A_180 = arith.index_cast %scan3A_143 : i32 to index
        %swap3A_181 = arith.constant 80 : index
        %swap3A_182 = tpu.vector_load %arg9[%swap3A_179, %swap3A_180, %swap3A_181] {strides = array<i32>} : memref<2x80x128xf32, #tpu.memory_space<vmem>>, vector<1x1x16xf32>,
        %swap3A_183 = vector.shape_cast %swap3A_182 : vector<1x1x16xf32> to vector<16xf32>
        %swap3A_184 = vector.shape_cast %broadcast_in_dim3A_113 : vector<16xf32> to vector<1x1x16xf32>
        tpu.vector_store %arg9[%swap3A_179, %swap3A_180, %swap3A_181], %swap3A_184 {strides = array<i32>} : memref<2x80x128xf32, #tpu.memory_space<vmem>>, vector<1x1x16xf32>,
        %swap3A_185 = arith.constant 1 : i32
        %swap3A_186 = arith.index_cast %swap3A_185 : i32 to index
        %swap3A_187 = arith.index_cast %scan3A_143 : i32 to index
        %swap3A_188 = arith.constant 96 : index
        %swap3A_189 = tpu.vector_load %arg9[%swap3A_186, %swap3A_187, %swap3A_188] {strides = array<i32>} : memref<2x80x128xf32, #tpu.memory_space<vmem>>, vector<1x1x16xf32>,
        %swap3A_190 = vector.shape_cast %swap3A_189 : vector<1x1x16xf32> to vector<16xf32>
        %swap3A_191 = vector.shape_cast %broadcast_in_dim3A_113 : vector<16xf32> to vector<1x1x16xf32>
        tpu.vector_store %arg9[%swap3A_186, %swap3A_187, %swap3A_188], %swap3A_191 {strides = array<i32>} : memref<2x80x128xf32, #tpu.memory_space<vmem>>, vector<1x1x16xf32>,
        %swap3A_192 = arith.constant 1 : i32
        %swap3A_193 = arith.index_cast %swap3A_192 : i32 to index
        %swap3A_194 = arith.index_cast %scan3A_143 : i32 to index
        %swap3A_195 = arith.constant 112 : index
        %swap3A_196 = tpu.vector_load %arg9[%swap3A_193, %swap3A_194, %swap3A_195] {strides = array<i32>} : memref<2x80x128xf32, #tpu.memory_space<vmem>>, vector<1x1x16xf32>,
        %swap3A_197 = vector.shape_cast %swap3A_196 : vector<1x1x16xf32> to vector<16xf32>
        %swap3A_198 = vector.shape_cast %broadcast_in_dim3A_113 : vector<16xf32> to vector<1x1x16xf32>
        tpu.vector_store %arg9[%swap3A_193, %swap3A_194, %swap3A_195], %swap3A_198 {strides = array<i32>} : memref<2x80x128xf32, #tpu.memory_space<vmem>>, vector<1x1x16xf32>,
      }
      %scan3A_119 = arith.constant 80 : i32
      %add3A_120 = arith.constant 0 : i32
      %add3A_121 = arith.addi %mul3A_2, %add3A_120 : i32
      %run_scoped3A = arith.constant 1 : i32
      "tpu.region"() ({
        %run_scoped3A_143 = tpu.sem_alloc : memref<!tpu.dma_semaphore, #tpu.memory_space<semaphore_mem>>
        %dma_start3A_144 = arith.constant 0 : i32
        %dma_start3A_145 = arith.constant 0 : i32
        %dma_start3A_146 = tpu.memref_slice %arg9[%run_scoped3A, %dma_start3A_144, %dma_start3A_145] : memref<2x80x128xf32, #tpu.memory_space<vmem>> -> memref<1x80x128xf32, #tpu.memory_space<vmem>>
        %dma_start3A_147 = tpu.memref_squeeze %dma_start3A_146 : memref<1x80x128xf32, #tpu.memory_space<vmem>> -> memref<80x128xf32, #tpu.memory_space<vmem>>
        %dma_start3A_148 = arith.constant 0 : i32
        %dma_start3A_149 = tpu.memref_slice %arg8[%add3A_121, %dma_start3A_148] : memref<10240x128xf32, #tpu.memory_space<vmem_shared>> -> memref<80x128xf32, #tpu.memory_space<vmem_shared>>
        %dma_start3A_150 = arith.constant 0 : i32
        %dma_start3A_151 = tpu.memref_slice %arg8[%add3A_121, %dma_start3A_150] : memref<10240x128xf32, #tpu.memory_space<vmem_shared>> -> memref<80x128xf32, #tpu.memory_space<vmem_shared>>
        %dma_start3A_152 = arith.constant 0 : i32
        %dma_start3A_153 = arith.constant 0 : i32
        %dma_start3A_154 = tpu.memref_slice %arg9[%run_scoped3A, %dma_start3A_152, %dma_start3A_153] : memref<2x80x128xf32, #tpu.memory_space<vmem>> -> memref<1x80x128xf32, #tpu.memory_space<vmem>>
        %dma_start3A_155 = tpu.memref_squeeze %dma_start3A_154 : memref<1x80x128xf32, #tpu.memory_space<vmem>> -> memref<80x128xf32, #tpu.memory_space<vmem>>
        tpu.enqueue_dma source(%dma_start3A_155 : memref<80x128xf32, #tpu.memory_space<vmem>>) target(%dma_start3A_151 : memref<80x128xf32, #tpu.memory_space<vmem_shared>>) target_semaphore(%run_scoped3A_143 : memref<!tpu.dma_semaphore, #tpu.memory_space<semaphore_mem>>)
        %dma_wait3A_156 = arith.constant 0 : i32
        %dma_wait3A_157 = arith.constant 0 : i32
        %dma_wait3A_158 = tpu.memref_slice %arg9[%run_scoped3A, %dma_wait3A_156, %dma_wait3A_157] : memref<2x80x128xf32, #tpu.memory_space<vmem>> -> memref<1x80x128xf32, #tpu.memory_space<vmem>>
        %dma_wait3A_159 = tpu.memref_squeeze %dma_wait3A_158 : memref<1x80x128xf32, #tpu.memory_space<vmem>> -> memref<80x128xf32, #tpu.memory_space<vmem>>
        %dma_wait3A_160 = arith.constant 0 : i32
        %dma_wait3A_161 = tpu.memref_slice %arg8[%add3A_121, %dma_wait3A_160] : memref<10240x128xf32, #tpu.memory_space<vmem_shared>> -> memref<80x128xf32, #tpu.memory_space<vmem_shared>>
        %dma_wait3A_162 = arith.constant 0 : i32
        %dma_wait3A_163 = tpu.memref_slice %arg8[%add3A_121, %dma_wait3A_162] : memref<10240x128xf32, #tpu.memory_space<vmem_shared>> -> memref<80x128xf32, #tpu.memory_space<vmem_shared>>
        %dma_wait3A_164 = arith.constant 0 : i32
        %dma_wait3A_165 = arith.constant 0 : i32
        %dma_wait3A_166 = tpu.memref_slice %arg9[%run_scoped3A, %dma_wait3A_164, %dma_wait3A_165] : memref<2x80x128xf32, #tpu.memory_space<vmem>> -> memref<1x80x128xf32, #tpu.memory_space<vmem>>
        %dma_wait3A_167 = tpu.memref_squeeze %dma_wait3A_166 : memref<1x80x128xf32, #tpu.memory_space<vmem>> -> memref<80x128xf32, #tpu.memory_space<vmem>>
        tpu.wait_dma2 semaphore(%run_scoped3A_143 : memref<!tpu.dma_semaphore, #tpu.memory_space<semaphore_mem>>) src(%dma_wait3A_167 : memref<80x128xf32, #tpu.memory_space<vmem>>) dst(%dma_wait3A_163 : memref<80x128xf32, #tpu.memory_space<vmem_shared>>)
        tpu.yield
      }) : () -> ()
      %add3A_122 = arith.constant 80 : i32
      %add3A_123 = arith.addi %mul3A_2, %add3A_122 : i32
      %run_scoped3A_124 = arith.constant 1 : i32
      "tpu.region"() ({
        %run_scoped3A_143 = tpu.sem_alloc : memref<!tpu.dma_semaphore, #tpu.memory_space<semaphore_mem>>
        %dma_start3A_144 = arith.constant 0 : i32
        %dma_start3A_145 = arith.constant 0 : i32
        %dma_start3A_146 = tpu.memref_slice %arg9[%run_scoped3A_124, %dma_start3A_144, %dma_start3A_145] : memref<2x80x128xf32, #tpu.memory_space<vmem>> -> memref<1x80x128xf32, #tpu.memory_space<vmem>>
        %dma_start3A_147 = tpu.memref_squeeze %dma_start3A_146 : memref<1x80x128xf32, #tpu.memory_space<vmem>> -> memref<80x128xf32, #tpu.memory_space<vmem>>
        %dma_start3A_148 = arith.constant 0 : i32
        %dma_start3A_149 = tpu.memref_slice %arg8[%add3A_123, %dma_start3A_148] : memref<10240x128xf32, #tpu.memory_space<vmem_shared>> -> memref<80x128xf32, #tpu.memory_space<vmem_shared>>
        %dma_start3A_150 = arith.constant 0 : i32
        %dma_start3A_151 = tpu.memref_slice %arg8[%add3A_123, %dma_start3A_150] : memref<10240x128xf32, #tpu.memory_space<vmem_shared>> -> memref<80x128xf32, #tpu.memory_space<vmem_shared>>
        %dma_start3A_152 = arith.constant 0 : i32
        %dma_start3A_153 = arith.constant 0 : i32
        %dma_start3A_154 = tpu.memref_slice %arg9[%run_scoped3A_124, %dma_start3A_152, %dma_start3A_153] : memref<2x80x128xf32, #tpu.memory_space<vmem>> -> memref<1x80x128xf32, #tpu.memory_space<vmem>>
        %dma_start3A_155 = tpu.memref_squeeze %dma_start3A_154 : memref<1x80x128xf32, #tpu.memory_space<vmem>> -> memref<80x128xf32, #tpu.memory_space<vmem>>
        tpu.enqueue_dma source(%dma_start3A_155 : memref<80x128xf32, #tpu.memory_space<vmem>>) target(%dma_start3A_151 : memref<80x128xf32, #tpu.memory_space<vmem_shared>>) target_semaphore(%run_scoped3A_143 : memref<!tpu.dma_semaphore, #tpu.memory_space<semaphore_mem>>)
        %dma_wait3A_156 = arith.constant 0 : i32
        %dma_wait3A_157 = arith.constant 0 : i32
        %dma_wait3A_158 = tpu.memref_slice %arg9[%run_scoped3A_124, %dma_wait3A_156, %dma_wait3A_157] : memref<2x80x128xf32, #tpu.memory_space<vmem>> -> memref<1x80x128xf32, #tpu.memory_space<vmem>>
        %dma_wait3A_159 = tpu.memref_squeeze %dma_wait3A_158 : memref<1x80x128xf32, #tpu.memory_space<vmem>> -> memref<80x128xf32, #tpu.memory_space<vmem>>
        %dma_wait3A_160 = arith.constant 0 : i32
        %dma_wait3A_161 = tpu.memref_slice %arg8[%add3A_123, %dma_wait3A_160] : memref<10240x128xf32, #tpu.memory_space<vmem_shared>> -> memref<80x128xf32, #tpu.memory_space<vmem_shared>>
        %dma_wait3A_162 = arith.constant 0 : i32
        %dma_wait3A_163 = tpu.memref_slice %arg8[%add3A_123, %dma_wait3A_162] : memref<10240x128xf32, #tpu.memory_space<vmem_shared>> -> memref<80x128xf32, #tpu.memory_space<vmem_shared>>
        %dma_wait3A_164 = arith.constant 0 : i32
        %dma_wait3A_165 = arith.constant 0 : i32
        %dma_wait3A_166 = tpu.memref_slice %arg9[%run_scoped3A_124, %dma_wait3A_164, %dma_wait3A_165] : memref<2x80x128xf32, #tpu.memory_space<vmem>> -> memref<1x80x128xf32, #tpu.memory_space<vmem>>
        %dma_wait3A_167 = tpu.memref_squeeze %dma_wait3A_166 : memref<1x80x128xf32, #tpu.memory_space<vmem>> -> memref<80x128xf32, #tpu.memory_space<vmem>>
        tpu.wait_dma2 semaphore(%run_scoped3A_143 : memref<!tpu.dma_semaphore, #tpu.memory_space<semaphore_mem>>) src(%dma_wait3A_167 : memref<80x128xf32, #tpu.memory_space<vmem>>) dst(%dma_wait3A_163 : memref<80x128xf32, #tpu.memory_space<vmem_shared>>)
        tpu.yield
      }) : () -> ()
      %add3A_125 = arith.constant 160 : i32
      %add3A_126 = arith.addi %mul3A_2, %add3A_125 : i32
      %run_scoped3A_127 = arith.constant 1 : i32
      "tpu.region"() ({
        %run_scoped3A_143 = tpu.sem_alloc : memref<!tpu.dma_semaphore, #tpu.memory_space<semaphore_mem>>
        %dma_start3A_144 = arith.constant 0 : i32
        %dma_start3A_145 = arith.constant 0 : i32
        %dma_start3A_146 = tpu.memref_slice %arg9[%run_scoped3A_127, %dma_start3A_144, %dma_start3A_145] : memref<2x80x128xf32, #tpu.memory_space<vmem>> -> memref<1x80x128xf32, #tpu.memory_space<vmem>>
        %dma_start3A_147 = tpu.memref_squeeze %dma_start3A_146 : memref<1x80x128xf32, #tpu.memory_space<vmem>> -> memref<80x128xf32, #tpu.memory_space<vmem>>
        %dma_start3A_148 = arith.constant 0 : i32
        %dma_start3A_149 = tpu.memref_slice %arg8[%add3A_126, %dma_start3A_148] : memref<10240x128xf32, #tpu.memory_space<vmem_shared>> -> memref<80x128xf32, #tpu.memory_space<vmem_shared>>
        %dma_start3A_150 = arith.constant 0 : i32
        %dma_start3A_151 = tpu.memref_slice %arg8[%add3A_126, %dma_start3A_150] : memref<10240x128xf32, #tpu.memory_space<vmem_shared>> -> memref<80x128xf32, #tpu.memory_space<vmem_shared>>
        %dma_start3A_152 = arith.constant 0 : i32
        %dma_start3A_153 = arith.constant 0 : i32
        %dma_start3A_154 = tpu.memref_slice %arg9[%run_scoped3A_127, %dma_start3A_152, %dma_start3A_153] : memref<2x80x128xf32, #tpu.memory_space<vmem>> -> memref<1x80x128xf32, #tpu.memory_space<vmem>>
        %dma_start3A_155 = tpu.memref_squeeze %dma_start3A_154 : memref<1x80x128xf32, #tpu.memory_space<vmem>> -> memref<80x128xf32, #tpu.memory_space<vmem>>
        tpu.enqueue_dma source(%dma_start3A_155 : memref<80x128xf32, #tpu.memory_space<vmem>>) target(%dma_start3A_151 : memref<80x128xf32, #tpu.memory_space<vmem_shared>>) target_semaphore(%run_scoped3A_143 : memref<!tpu.dma_semaphore, #tpu.memory_space<semaphore_mem>>)
        %dma_wait3A_156 = arith.constant 0 : i32
        %dma_wait3A_157 = arith.constant 0 : i32
        %dma_wait3A_158 = tpu.memref_slice %arg9[%run_scoped3A_127, %dma_wait3A_156, %dma_wait3A_157] : memref<2x80x128xf32, #tpu.memory_space<vmem>> -> memref<1x80x128xf32, #tpu.memory_space<vmem>>
        %dma_wait3A_159 = tpu.memref_squeeze %dma_wait3A_158 : memref<1x80x128xf32, #tpu.memory_space<vmem>> -> memref<80x128xf32, #tpu.memory_space<vmem>>
        %dma_wait3A_160 = arith.constant 0 : i32
        %dma_wait3A_161 = tpu.memref_slice %arg8[%add3A_126, %dma_wait3A_160] : memref<10240x128xf32, #tpu.memory_space<vmem_shared>> -> memref<80x128xf32, #tpu.memory_space<vmem_shared>>
        %dma_wait3A_162 = arith.constant 0 : i32
        %dma_wait3A_163 = tpu.memref_slice %arg8[%add3A_126, %dma_wait3A_162] : memref<10240x128xf32, #tpu.memory_space<vmem_shared>> -> memref<80x128xf32, #tpu.memory_space<vmem_shared>>
        %dma_wait3A_164 = arith.constant 0 : i32
        %dma_wait3A_165 = arith.constant 0 : i32
        %dma_wait3A_166 = tpu.memref_slice %arg9[%run_scoped3A_127, %dma_wait3A_164, %dma_wait3A_165] : memref<2x80x128xf32, #tpu.memory_space<vmem>> -> memref<1x80x128xf32, #tpu.memory_space<vmem>>
        %dma_wait3A_167 = tpu.memref_squeeze %dma_wait3A_166 : memref<1x80x128xf32, #tpu.memory_space<vmem>> -> memref<80x128xf32, #tpu.memory_space<vmem>>
        tpu.wait_dma2 semaphore(%run_scoped3A_143 : memref<!tpu.dma_semaphore, #tpu.memory_space<semaphore_mem>>) src(%dma_wait3A_167 : memref<80x128xf32, #tpu.memory_space<vmem>>) dst(%dma_wait3A_163 : memref<80x128xf32, #tpu.memory_space<vmem_shared>>)
        tpu.yield
      }) : () -> ()
      %add3A_128 = arith.constant 240 : i32
      %add3A_129 = arith.addi %mul3A_2, %add3A_128 : i32
      %run_scoped3A_130 = arith.constant 1 : i32
      "tpu.region"() ({
        %run_scoped3A_143 = tpu.sem_alloc : memref<!tpu.dma_semaphore, #tpu.memory_space<semaphore_mem>>
        %dma_start3A_144 = arith.constant 0 : i32
        %dma_start3A_145 = arith.constant 0 : i32
        %dma_start3A_146 = tpu.memref_slice %arg9[%run_scoped3A_130, %dma_start3A_144, %dma_start3A_145] : memref<2x80x128xf32, #tpu.memory_space<vmem>> -> memref<1x80x128xf32, #tpu.memory_space<vmem>>
        %dma_start3A_147 = tpu.memref_squeeze %dma_start3A_146 : memref<1x80x128xf32, #tpu.memory_space<vmem>> -> memref<80x128xf32, #tpu.memory_space<vmem>>
        %dma_start3A_148 = arith.constant 0 : i32
        %dma_start3A_149 = tpu.memref_slice %arg8[%add3A_129, %dma_start3A_148] : memref<10240x128xf32, #tpu.memory_space<vmem_shared>> -> memref<80x128xf32, #tpu.memory_space<vmem_shared>>
        %dma_start3A_150 = arith.constant 0 : i32
        %dma_start3A_151 = tpu.memref_slice %arg8[%add3A_129, %dma_start3A_150] : memref<10240x128xf32, #tpu.memory_space<vmem_shared>> -> memref<80x128xf32, #tpu.memory_space<vmem_shared>>
        %dma_start3A_152 = arith.constant 0 : i32
        %dma_start3A_153 = arith.constant 0 : i32
        %dma_start3A_154 = tpu.memref_slice %arg9[%run_scoped3A_130, %dma_start3A_152, %dma_start3A_153] : memref<2x80x128xf32, #tpu.memory_space<vmem>> -> memref<1x80x128xf32, #tpu.memory_space<vmem>>
        %dma_start3A_155 = tpu.memref_squeeze %dma_start3A_154 : memref<1x80x128xf32, #tpu.memory_space<vmem>> -> memref<80x128xf32, #tpu.memory_space<vmem>>
        tpu.enqueue_dma source(%dma_start3A_155 : memref<80x128xf32, #tpu.memory_space<vmem>>) target(%dma_start3A_151 : memref<80x128xf32, #tpu.memory_space<vmem_shared>>) target_semaphore(%run_scoped3A_143 : memref<!tpu.dma_semaphore, #tpu.memory_space<semaphore_mem>>)
        %dma_wait3A_156 = arith.constant 0 : i32
        %dma_wait3A_157 = arith.constant 0 : i32
        %dma_wait3A_158 = tpu.memref_slice %arg9[%run_scoped3A_130, %dma_wait3A_156, %dma_wait3A_157] : memref<2x80x128xf32, #tpu.memory_space<vmem>> -> memref<1x80x128xf32, #tpu.memory_space<vmem>>
        %dma_wait3A_159 = tpu.memref_squeeze %dma_wait3A_158 : memref<1x80x128xf32, #tpu.memory_space<vmem>> -> memref<80x128xf32, #tpu.memory_space<vmem>>
        %dma_wait3A_160 = arith.constant 0 : i32
        %dma_wait3A_161 = tpu.memref_slice %arg8[%add3A_129, %dma_wait3A_160] : memref<10240x128xf32, #tpu.memory_space<vmem_shared>> -> memref<80x128xf32, #tpu.memory_space<vmem_shared>>
        %dma_wait3A_162 = arith.constant 0 : i32
        %dma_wait3A_163 = tpu.memref_slice %arg8[%add3A_129, %dma_wait3A_162] : memref<10240x128xf32, #tpu.memory_space<vmem_shared>> -> memref<80x128xf32, #tpu.memory_space<vmem_shared>>
        %dma_wait3A_164 = arith.constant 0 : i32
        %dma_wait3A_165 = arith.constant 0 : i32
        %dma_wait3A_166 = tpu.memref_slice %arg9[%run_scoped3A_130, %dma_wait3A_164, %dma_wait3A_165] : memref<2x80x128xf32, #tpu.memory_space<vmem>> -> memref<1x80x128xf32, #tpu.memory_space<vmem>>
        %dma_wait3A_167 = tpu.memref_squeeze %dma_wait3A_166 : memref<1x80x128xf32, #tpu.memory_space<vmem>> -> memref<80x128xf32, #tpu.memory_space<vmem>>
        tpu.wait_dma2 semaphore(%run_scoped3A_143 : memref<!tpu.dma_semaphore, #tpu.memory_space<semaphore_mem>>) src(%dma_wait3A_167 : memref<80x128xf32, #tpu.memory_space<vmem>>) dst(%dma_wait3A_163 : memref<80x128xf32, #tpu.memory_space<vmem_shared>>)
        tpu.yield
      }) : () -> ()
      %add3A_131 = arith.constant 320 : i32
      %add3A_132 = arith.addi %mul3A_2, %add3A_131 : i32
      %run_scoped3A_133 = arith.constant 1 : i32
      "tpu.region"() ({
        %run_scoped3A_143 = tpu.sem_alloc : memref<!tpu.dma_semaphore, #tpu.memory_space<semaphore_mem>>
        %dma_start3A_144 = arith.constant 0 : i32
        %dma_start3A_145 = arith.constant 0 : i32
        %dma_start3A_146 = tpu.memref_slice %arg9[%run_scoped3A_133, %dma_start3A_144, %dma_start3A_145] : memref<2x80x128xf32, #tpu.memory_space<vmem>> -> memref<1x80x128xf32, #tpu.memory_space<vmem>>
        %dma_start3A_147 = tpu.memref_squeeze %dma_start3A_146 : memref<1x80x128xf32, #tpu.memory_space<vmem>> -> memref<80x128xf32, #tpu.memory_space<vmem>>
        %dma_start3A_148 = arith.constant 0 : i32
        %dma_start3A_149 = tpu.memref_slice %arg8[%add3A_132, %dma_start3A_148] : memref<10240x128xf32, #tpu.memory_space<vmem_shared>> -> memref<80x128xf32, #tpu.memory_space<vmem_shared>>
        %dma_start3A_150 = arith.constant 0 : i32
        %dma_start3A_151 = tpu.memref_slice %arg8[%add3A_132, %dma_start3A_150] : memref<10240x128xf32, #tpu.memory_space<vmem_shared>> -> memref<80x128xf32, #tpu.memory_space<vmem_shared>>
        %dma_start3A_152 = arith.constant 0 : i32
        %dma_start3A_153 = arith.constant 0 : i32
        %dma_start3A_154 = tpu.memref_slice %arg9[%run_scoped3A_133, %dma_start3A_152, %dma_start3A_153] : memref<2x80x128xf32, #tpu.memory_space<vmem>> -> memref<1x80x128xf32, #tpu.memory_space<vmem>>
        %dma_start3A_155 = tpu.memref_squeeze %dma_start3A_154 : memref<1x80x128xf32, #tpu.memory_space<vmem>> -> memref<80x128xf32, #tpu.memory_space<vmem>>
        tpu.enqueue_dma source(%dma_start3A_155 : memref<80x128xf32, #tpu.memory_space<vmem>>) target(%dma_start3A_151 : memref<80x128xf32, #tpu.memory_space<vmem_shared>>) target_semaphore(%run_scoped3A_143 : memref<!tpu.dma_semaphore, #tpu.memory_space<semaphore_mem>>)
        %dma_wait3A_156 = arith.constant 0 : i32
        %dma_wait3A_157 = arith.constant 0 : i32
        %dma_wait3A_158 = tpu.memref_slice %arg9[%run_scoped3A_133, %dma_wait3A_156, %dma_wait3A_157] : memref<2x80x128xf32, #tpu.memory_space<vmem>> -> memref<1x80x128xf32, #tpu.memory_space<vmem>>
        %dma_wait3A_159 = tpu.memref_squeeze %dma_wait3A_158 : memref<1x80x128xf32, #tpu.memory_space<vmem>> -> memref<80x128xf32, #tpu.memory_space<vmem>>
        %dma_wait3A_160 = arith.constant 0 : i32
        %dma_wait3A_161 = tpu.memref_slice %arg8[%add3A_132, %dma_wait3A_160] : memref<10240x128xf32, #tpu.memory_space<vmem_shared>> -> memref<80x128xf32, #tpu.memory_space<vmem_shared>>
        %dma_wait3A_162 = arith.constant 0 : i32
        %dma_wait3A_163 = tpu.memref_slice %arg8[%add3A_132, %dma_wait3A_162] : memref<10240x128xf32, #tpu.memory_space<vmem_shared>> -> memref<80x128xf32, #tpu.memory_space<vmem_shared>>
        %dma_wait3A_164 = arith.constant 0 : i32
        %dma_wait3A_165 = arith.constant 0 : i32
        %dma_wait3A_166 = tpu.memref_slice %arg9[%run_scoped3A_133, %dma_wait3A_164, %dma_wait3A_165] : memref<2x80x128xf32, #tpu.memory_space<vmem>> -> memref<1x80x128xf32, #tpu.memory_space<vmem>>
        %dma_wait3A_167 = tpu.memref_squeeze %dma_wait3A_166 : memref<1x80x128xf32, #tpu.memory_space<vmem>> -> memref<80x128xf32, #tpu.memory_space<vmem>>
        tpu.wait_dma2 semaphore(%run_scoped3A_143 : memref<!tpu.dma_semaphore, #tpu.memory_space<semaphore_mem>>) src(%dma_wait3A_167 : memref<80x128xf32, #tpu.memory_space<vmem>>) dst(%dma_wait3A_163 : memref<80x128xf32, #tpu.memory_space<vmem_shared>>)
        tpu.yield
      }) : () -> ()
      %add3A_134 = arith.constant 400 : i32
      %add3A_135 = arith.addi %mul3A_2, %add3A_134 : i32
      %run_scoped3A_136 = arith.constant 1 : i32
      "tpu.region"() ({
        %run_scoped3A_143 = tpu.sem_alloc : memref<!tpu.dma_semaphore, #tpu.memory_space<semaphore_mem>>
        %dma_start3A_144 = arith.constant 0 : i32
        %dma_start3A_145 = arith.constant 0 : i32
        %dma_start3A_146 = tpu.memref_slice %arg9[%run_scoped3A_136, %dma_start3A_144, %dma_start3A_145] : memref<2x80x128xf32, #tpu.memory_space<vmem>> -> memref<1x80x128xf32, #tpu.memory_space<vmem>>
        %dma_start3A_147 = tpu.memref_squeeze %dma_start3A_146 : memref<1x80x128xf32, #tpu.memory_space<vmem>> -> memref<80x128xf32, #tpu.memory_space<vmem>>
        %dma_start3A_148 = arith.constant 0 : i32
        %dma_start3A_149 = tpu.memref_slice %arg8[%add3A_135, %dma_start3A_148] : memref<10240x128xf32, #tpu.memory_space<vmem_shared>> -> memref<80x128xf32, #tpu.memory_space<vmem_shared>>
        %dma_start3A_150 = arith.constant 0 : i32
        %dma_start3A_151 = tpu.memref_slice %arg8[%add3A_135, %dma_start3A_150] : memref<10240x128xf32, #tpu.memory_space<vmem_shared>> -> memref<80x128xf32, #tpu.memory_space<vmem_shared>>
        %dma_start3A_152 = arith.constant 0 : i32
        %dma_start3A_153 = arith.constant 0 : i32
        %dma_start3A_154 = tpu.memref_slice %arg9[%run_scoped3A_136, %dma_start3A_152, %dma_start3A_153] : memref<2x80x128xf32, #tpu.memory_space<vmem>> -> memref<1x80x128xf32, #tpu.memory_space<vmem>>
        %dma_start3A_155 = tpu.memref_squeeze %dma_start3A_154 : memref<1x80x128xf32, #tpu.memory_space<vmem>> -> memref<80x128xf32, #tpu.memory_space<vmem>>
        tpu.enqueue_dma source(%dma_start3A_155 : memref<80x128xf32, #tpu.memory_space<vmem>>) target(%dma_start3A_151 : memref<80x128xf32, #tpu.memory_space<vmem_shared>>) target_semaphore(%run_scoped3A_143 : memref<!tpu.dma_semaphore, #tpu.memory_space<semaphore_mem>>)
        %dma_wait3A_156 = arith.constant 0 : i32
        %dma_wait3A_157 = arith.constant 0 : i32
        %dma_wait3A_158 = tpu.memref_slice %arg9[%run_scoped3A_136, %dma_wait3A_156, %dma_wait3A_157] : memref<2x80x128xf32, #tpu.memory_space<vmem>> -> memref<1x80x128xf32, #tpu.memory_space<vmem>>
        %dma_wait3A_159 = tpu.memref_squeeze %dma_wait3A_158 : memref<1x80x128xf32, #tpu.memory_space<vmem>> -> memref<80x128xf32, #tpu.memory_space<vmem>>
        %dma_wait3A_160 = arith.constant 0 : i32
        %dma_wait3A_161 = tpu.memref_slice %arg8[%add3A_135, %dma_wait3A_160] : memref<10240x128xf32, #tpu.memory_space<vmem_shared>> -> memref<80x128xf32, #tpu.memory_space<vmem_shared>>
        %dma_wait3A_162 = arith.constant 0 : i32
        %dma_wait3A_163 = tpu.memref_slice %arg8[%add3A_135, %dma_wait3A_162] : memref<10240x128xf32, #tpu.memory_space<vmem_shared>> -> memref<80x128xf32, #tpu.memory_space<vmem_shared>>
        %dma_wait3A_164 = arith.constant 0 : i32
        %dma_wait3A_165 = arith.constant 0 : i32
        %dma_wait3A_166 = tpu.memref_slice %arg9[%run_scoped3A_136, %dma_wait3A_164, %dma_wait3A_165] : memref<2x80x128xf32, #tpu.memory_space<vmem>> -> memref<1x80x128xf32, #tpu.memory_space<vmem>>
        %dma_wait3A_167 = tpu.memref_squeeze %dma_wait3A_166 : memref<1x80x128xf32, #tpu.memory_space<vmem>> -> memref<80x128xf32, #tpu.memory_space<vmem>>
        tpu.wait_dma2 semaphore(%run_scoped3A_143 : memref<!tpu.dma_semaphore, #tpu.memory_space<semaphore_mem>>) src(%dma_wait3A_167 : memref<80x128xf32, #tpu.memory_space<vmem>>) dst(%dma_wait3A_163 : memref<80x128xf32, #tpu.memory_space<vmem_shared>>)
        tpu.yield
      }) : () -> ()
      %add3A_137 = arith.constant 480 : i32
      %add3A_138 = arith.addi %mul3A_2, %add3A_137 : i32
      %run_scoped3A_139 = arith.constant 1 : i32
      "tpu.region"() ({
        %run_scoped3A_143 = tpu.sem_alloc : memref<!tpu.dma_semaphore, #tpu.memory_space<semaphore_mem>>
        %dma_start3A_144 = arith.constant 0 : i32
        %dma_start3A_145 = arith.constant 0 : i32
        %dma_start3A_146 = tpu.memref_slice %arg9[%run_scoped3A_139, %dma_start3A_144, %dma_start3A_145] : memref<2x80x128xf32, #tpu.memory_space<vmem>> -> memref<1x80x128xf32, #tpu.memory_space<vmem>>
        %dma_start3A_147 = tpu.memref_squeeze %dma_start3A_146 : memref<1x80x128xf32, #tpu.memory_space<vmem>> -> memref<80x128xf32, #tpu.memory_space<vmem>>
        %dma_start3A_148 = arith.constant 0 : i32
        %dma_start3A_149 = tpu.memref_slice %arg8[%add3A_138, %dma_start3A_148] : memref<10240x128xf32, #tpu.memory_space<vmem_shared>> -> memref<80x128xf32, #tpu.memory_space<vmem_shared>>
        %dma_start3A_150 = arith.constant 0 : i32
        %dma_start3A_151 = tpu.memref_slice %arg8[%add3A_138, %dma_start3A_150] : memref<10240x128xf32, #tpu.memory_space<vmem_shared>> -> memref<80x128xf32, #tpu.memory_space<vmem_shared>>
        %dma_start3A_152 = arith.constant 0 : i32
        %dma_start3A_153 = arith.constant 0 : i32
        %dma_start3A_154 = tpu.memref_slice %arg9[%run_scoped3A_139, %dma_start3A_152, %dma_start3A_153] : memref<2x80x128xf32, #tpu.memory_space<vmem>> -> memref<1x80x128xf32, #tpu.memory_space<vmem>>
        %dma_start3A_155 = tpu.memref_squeeze %dma_start3A_154 : memref<1x80x128xf32, #tpu.memory_space<vmem>> -> memref<80x128xf32, #tpu.memory_space<vmem>>
        tpu.enqueue_dma source(%dma_start3A_155 : memref<80x128xf32, #tpu.memory_space<vmem>>) target(%dma_start3A_151 : memref<80x128xf32, #tpu.memory_space<vmem_shared>>) target_semaphore(%run_scoped3A_143 : memref<!tpu.dma_semaphore, #tpu.memory_space<semaphore_mem>>)
        %dma_wait3A_156 = arith.constant 0 : i32
        %dma_wait3A_157 = arith.constant 0 : i32
        %dma_wait3A_158 = tpu.memref_slice %arg9[%run_scoped3A_139, %dma_wait3A_156, %dma_wait3A_157] : memref<2x80x128xf32, #tpu.memory_space<vmem>> -> memref<1x80x128xf32, #tpu.memory_space<vmem>>
        %dma_wait3A_159 = tpu.memref_squeeze %dma_wait3A_158 : memref<1x80x128xf32, #tpu.memory_space<vmem>> -> memref<80x128xf32, #tpu.memory_space<vmem>>
        %dma_wait3A_160 = arith.constant 0 : i32
        %dma_wait3A_161 = tpu.memref_slice %arg8[%add3A_138, %dma_wait3A_160] : memref<10240x128xf32, #tpu.memory_space<vmem_shared>> -> memref<80x128xf32, #tpu.memory_space<vmem_shared>>
        %dma_wait3A_162 = arith.constant 0 : i32
        %dma_wait3A_163 = tpu.memref_slice %arg8[%add3A_138, %dma_wait3A_162] : memref<10240x128xf32, #tpu.memory_space<vmem_shared>> -> memref<80x128xf32, #tpu.memory_space<vmem_shared>>
        %dma_wait3A_164 = arith.constant 0 : i32
        %dma_wait3A_165 = arith.constant 0 : i32
        %dma_wait3A_166 = tpu.memref_slice %arg9[%run_scoped3A_139, %dma_wait3A_164, %dma_wait3A_165] : memref<2x80x128xf32, #tpu.memory_space<vmem>> -> memref<1x80x128xf32, #tpu.memory_space<vmem>>
        %dma_wait3A_167 = tpu.memref_squeeze %dma_wait3A_166 : memref<1x80x128xf32, #tpu.memory_space<vmem>> -> memref<80x128xf32, #tpu.memory_space<vmem>>
        tpu.wait_dma2 semaphore(%run_scoped3A_143 : memref<!tpu.dma_semaphore, #tpu.memory_space<semaphore_mem>>) src(%dma_wait3A_167 : memref<80x128xf32, #tpu.memory_space<vmem>>) dst(%dma_wait3A_163 : memref<80x128xf32, #tpu.memory_space<vmem_shared>>)
        tpu.yield
      }) : () -> ()
      %add3A_140 = arith.constant 560 : i32
      %add3A_141 = arith.addi %mul3A_2, %add3A_140 : i32
      %run_scoped3A_142 = arith.constant 1 : i32
      "tpu.region"() ({
        %run_scoped3A_143 = tpu.sem_alloc : memref<!tpu.dma_semaphore, #tpu.memory_space<semaphore_mem>>
        %dma_start3A_144 = arith.constant 0 : i32
        %dma_start3A_145 = arith.constant 0 : i32
        %dma_start3A_146 = tpu.memref_slice %arg9[%run_scoped3A_142, %dma_start3A_144, %dma_start3A_145] : memref<2x80x128xf32, #tpu.memory_space<vmem>> -> memref<1x80x128xf32, #tpu.memory_space<vmem>>
        %dma_start3A_147 = tpu.memref_squeeze %dma_start3A_146 : memref<1x80x128xf32, #tpu.memory_space<vmem>> -> memref<80x128xf32, #tpu.memory_space<vmem>>
        %dma_start3A_148 = arith.constant 0 : i32
        %dma_start3A_149 = tpu.memref_slice %arg8[%add3A_141, %dma_start3A_148] : memref<10240x128xf32, #tpu.memory_space<vmem_shared>> -> memref<80x128xf32, #tpu.memory_space<vmem_shared>>
        %dma_start3A_150 = arith.constant 0 : i32
        %dma_start3A_151 = tpu.memref_slice %arg8[%add3A_141, %dma_start3A_150] : memref<10240x128xf32, #tpu.memory_space<vmem_shared>> -> memref<80x128xf32, #tpu.memory_space<vmem_shared>>
        %dma_start3A_152 = arith.constant 0 : i32
        %dma_start3A_153 = arith.constant 0 : i32
        %dma_start3A_154 = tpu.memref_slice %arg9[%run_scoped3A_142, %dma_start3A_152, %dma_start3A_153] : memref<2x80x128xf32, #tpu.memory_space<vmem>> -> memref<1x80x128xf32, #tpu.memory_space<vmem>>
        %dma_start3A_155 = tpu.memref_squeeze %dma_start3A_154 : memref<1x80x128xf32, #tpu.memory_space<vmem>> -> memref<80x128xf32, #tpu.memory_space<vmem>>
        tpu.enqueue_dma source(%dma_start3A_155 : memref<80x128xf32, #tpu.memory_space<vmem>>) target(%dma_start3A_151 : memref<80x128xf32, #tpu.memory_space<vmem_shared>>) target_semaphore(%run_scoped3A_143 : memref<!tpu.dma_semaphore, #tpu.memory_space<semaphore_mem>>)
        %dma_wait3A_156 = arith.constant 0 : i32
        %dma_wait3A_157 = arith.constant 0 : i32
        %dma_wait3A_158 = tpu.memref_slice %arg9[%run_scoped3A_142, %dma_wait3A_156, %dma_wait3A_157] : memref<2x80x128xf32, #tpu.memory_space<vmem>> -> memref<1x80x128xf32, #tpu.memory_space<vmem>>
        %dma_wait3A_159 = tpu.memref_squeeze %dma_wait3A_158 : memref<1x80x128xf32, #tpu.memory_space<vmem>> -> memref<80x128xf32, #tpu.memory_space<vmem>>
        %dma_wait3A_160 = arith.constant 0 : i32
        %dma_wait3A_161 = tpu.memref_slice %arg8[%add3A_141, %dma_wait3A_160] : memref<10240x128xf32, #tpu.memory_space<vmem_shared>> -> memref<80x128xf32, #tpu.memory_space<vmem_shared>>
        %dma_wait3A_162 = arith.constant 0 : i32
        %dma_wait3A_163 = tpu.memref_slice %arg8[%add3A_141, %dma_wait3A_162] : memref<10240x128xf32, #tpu.memory_space<vmem_shared>> -> memref<80x128xf32, #tpu.memory_space<vmem_shared>>
        %dma_wait3A_164 = arith.constant 0 : i32
        %dma_wait3A_165 = arith.constant 0 : i32
        %dma_wait3A_166 = tpu.memref_slice %arg9[%run_scoped3A_142, %dma_wait3A_164, %dma_wait3A_165] : memref<2x80x128xf32, #tpu.memory_space<vmem>> -> memref<1x80x128xf32, #tpu.memory_space<vmem>>
        %dma_wait3A_167 = tpu.memref_squeeze %dma_wait3A_166 : memref<1x80x128xf32, #tpu.memory_space<vmem>> -> memref<80x128xf32, #tpu.memory_space<vmem>>
        tpu.wait_dma2 semaphore(%run_scoped3A_143 : memref<!tpu.dma_semaphore, #tpu.memory_space<semaphore_mem>>) src(%dma_wait3A_167 : memref<80x128xf32, #tpu.memory_space<vmem>>) dst(%dma_wait3A_163 : memref<80x128xf32, #tpu.memory_space<vmem_shared>>)
        tpu.yield
      }) : () -> ()
    } else {
    }
    %dma_wait3A = arith.constant 0 : i32
    %dma_wait3A_23 = tpu.memref_slice %arg3[%add3A, %dma_wait3A] : memref<32x10000xi32, #tpu.memory_space<hbm>> -> memref<1x10000xi32, #tpu.memory_space<hbm>>
    %dma_wait3A_24 = tpu.memref_squeeze %dma_wait3A_23 : memref<1x10000xi32, #tpu.memory_space<hbm>> -> memref<10000xi32, #tpu.memory_space<hbm>>
    %dma_wait3A_25 = arith.constant 0 : i32
    %dma_wait3A_26 = tpu.memref_slice %arg3[%add3A, %dma_wait3A_25] : memref<32x10000xi32, #tpu.memory_space<hbm>> -> memref<1x10000xi32, #tpu.memory_space<hbm>>
    %dma_wait3A_27 = tpu.memref_squeeze %dma_wait3A_26 : memref<1x10000xi32, #tpu.memory_space<hbm>> -> memref<10000xi32, #tpu.memory_space<hbm>>
    tpu.wait_dma2 semaphore(%arg10 : memref<!tpu.dma_semaphore, #tpu.memory_space<semaphore_mem>>) src(%dma_wait3A_27 : memref<10000xi32, #tpu.memory_space<hbm>>) dst(%arg6 : memref<10000xi32, #tpu.memory_space<vmem>>)
    %dma_wait3A_28 = arith.constant 0 : i32
    %dma_wait3A_29 = arith.constant 0 : i32
    %dma_wait3A_30 = tpu.memref_slice %arg4[%add3A, %dma_wait3A_28, %dma_wait3A_29] : memref<32x125x80xi32, #tpu.memory_space<hbm>> -> memref<1x125x80xi32, #tpu.memory_space<hbm>>
    %dma_wait3A_31 = tpu.memref_squeeze %dma_wait3A_30 : memref<1x125x80xi32, #tpu.memory_space<hbm>> -> memref<125x80xi32, #tpu.memory_space<hbm>>
    %dma_wait3A_32 = arith.constant 0 : i32
    %dma_wait3A_33 = arith.constant 0 : i32
    %dma_wait3A_34 = tpu.memref_slice %arg4[%add3A, %dma_wait3A_32, %dma_wait3A_33] : memref<32x125x80xi32, #tpu.memory_space<hbm>> -> memref<1x125x80xi32, #tpu.memory_space<hbm>>
    %dma_wait3A_35 = tpu.memref_squeeze %dma_wait3A_34 : memref<1x125x80xi32, #tpu.memory_space<hbm>> -> memref<125x80xi32, #tpu.memory_space<hbm>>
    tpu.wait_dma2 semaphore(%arg10 : memref<!tpu.dma_semaphore, #tpu.memory_space<semaphore_mem>>) src(%dma_wait3A_35 : memref<125x80xi32, #tpu.memory_space<hbm>>) dst(%arg7 : memref<125x80xi32, #tpu.memory_space<vmem>>)
    %eq3A_36 = arith.constant 0 : i32
    %eq3A_37 = arith.cmpi eq, %arg0, %eq3A_36 : i32
    %convert_element_type3A_38 = arith.extui %eq3A_37 : i1 to i32
    %cond3A_39 = arith.constant 0 : i32
    %cond3A_40 = arith.cmpi ne, %convert_element_type3A_38, %cond3A_39 : i32
    scf.if %cond3A_40 {
      %dma_wait3A_113 = arith.constant 0 : i32
      %dma_wait3A_114 = tpu.memref_slice %arg8[%mul3A_2, %dma_wait3A_113] : memref<10240x128xf32, #tpu.memory_space<vmem_shared>> -> memref<640x128xf32, #tpu.memory_space<vmem_shared>>
      %dma_wait3A_115 = arith.constant 0 : i32
      %dma_wait3A_116 = tpu.memref_slice %arg2[%mul3A_2, %dma_wait3A_115] : memref<10240x128xf32, #tpu.memory_space<hbm>> -> memref<640x128xf32, #tpu.memory_space<hbm>>
      tpu.wait_dma2 semaphore(%arg13 : memref<!tpu.dma_semaphore, #tpu.memory_space<semaphore_mem>>) src(%dma_wait3A_116 : memref<640x128xf32, #tpu.memory_space<hbm>>) dst(%dma_wait3A_114 : memref<640x128xf32, #tpu.memory_space<vmem_shared>>)
    } else {
    }
    %barrier3A = arith.constant 0 : index
    tpu.barrier barrier_id(%barrier3A)
    %dma_start3A_41 = arith.constant 0 : i32
    %dma_start3A_42 = arith.constant 0 : i32
    %dma_start3A_43 = arith.constant 0 : i32
    %dma_start3A_44 = tpu.memref_slice %arg9[%dma_start3A_41, %dma_start3A_42, %dma_start3A_43] : memref<2x80x128xf32, #tpu.memory_space<vmem>> -> memref<1x80x128xf32, #tpu.memory_space<vmem>>
    %dma_start3A_45 = tpu.memref_squeeze %dma_start3A_44 : memref<1x80x128xf32, #tpu.memory_space<vmem>> -> memref<80x128xf32, #tpu.memory_space<vmem>>
    %dma_start3A_46 = arith.constant 0 : i32
    %dma_start3A_47 = tpu.memref_slice %arg6[%dma_start3A_46] : memref<10000xi32, #tpu.memory_space<vmem>> -> memref<80xi32, #tpu.memory_space<vmem>>
    %dma_start3A_48 = arith.constant 0 : i32
    %dma_start3A_49 = arith.constant 0 : i32
    %dma_start3A_50 = tpu.memref_slice %arg2[%dma_start3A_48, %dma_start3A_49] : memref<10240x128xf32, #tpu.memory_space<hbm>> -> memref<10240x128xf32, #tpu.memory_space<hbm>>
    tpu.enqueue_indirect_dma source(%dma_start3A_50 : memref<10240x128xf32, #tpu.memory_space<hbm>>) target(%dma_start3A_45 : memref<80x128xf32, #tpu.memory_space<vmem>>) offsets(%dma_start3A_47 : memref<80xi32, #tpu.memory_space<vmem>>) semaphore(%arg10 : memref<!tpu.dma_semaphore, #tpu.memory_space<semaphore_mem>>)
    %scan3A = arith.constant 0 : i32
    %scan3A_51 = arith.constant 0 : i32
    %scan3A_52 = arith.constant 62 : i32
    %scan3A_53 = arith.addi %scan3A_51, %scan3A_52 : i32
    %scan3A_54 = arith.constant 1 : i32
    scf.for %scan3A_113 = %scan3A_51 to %scan3A_53 step %scan3A_54  : i32 {
      %mul3A_114 = arith.constant 2 : i32
      %mul3A_115 = arith.muli %scan3A_113, %mul3A_114 : i32
      %add3A_116 = arith.constant 0 : i32
      %add3A_117 = arith.addi %mul3A_115, %add3A_116 : i32
      %add3A_118 = arith.constant 1 : i32
      %add3A_119 = arith.addi %add3A_117, %add3A_118 : i32
      %lt3A = arith.constant 125 : i32
      %lt3A_120 = arith.cmpi slt, %add3A_119, %lt3A : i32
      %convert_element_type3A_121 = arith.extui %lt3A_120 : i1 to i32
      %cond3A_122 = arith.constant 0 : i32
      %cond3A_123 = arith.cmpi ne, %convert_element_type3A_121, %cond3A_122 : i32
      scf.if %cond3A_123 {
        %ge3A = arith.constant 1 : i32
        %ge3A_179 = arith.cmpi sge, %add3A_117, %ge3A : i32
        %convert_element_type3A_180 = arith.extui %ge3A_179 : i1 to i32
        %cond3A_181 = arith.constant 0 : i32
        %cond3A_182 = arith.cmpi ne, %convert_element_type3A_180, %cond3A_181 : i32
        scf.if %cond3A_182 {
          %dma_wait3A_196 = arith.constant 1 : i32
          %dma_wait3A_197 = arith.constant 0 : i32
          %dma_wait3A_198 = arith.constant 0 : i32
          %dma_wait3A_199 = tpu.memref_slice %arg9[%dma_wait3A_196, %dma_wait3A_197, %dma_wait3A_198] : memref<2x80x128xf32, #tpu.memory_space<vmem>> -> memref<1x80x128xf32, #tpu.memory_space<vmem>>
          %dma_wait3A_200 = tpu.memref_squeeze %dma_wait3A_199 : memref<1x80x128xf32, #tpu.memory_space<vmem>> -> memref<80x128xf32, #tpu.memory_space<vmem>>
          %dma_wait3A_201 = arith.constant 0 : i32
          %dma_wait3A_202 = arith.constant 0 : i32
          %dma_wait3A_203 = tpu.memref_slice %arg5[%arg0, %dma_wait3A_201, %dma_wait3A_202] : memref<2x10240x128xf32, #tpu.memory_space<hbm>> -> memref<1x80x128xf32, #tpu.memory_space<hbm>>
          %dma_wait3A_204 = tpu.memref_squeeze %dma_wait3A_203 : memref<1x80x128xf32, #tpu.memory_space<hbm>> -> memref<80x128xf32, #tpu.memory_space<hbm>>
          %dma_wait3A_205 = arith.constant 0 : i32
          %dma_wait3A_206 = arith.constant 0 : i32
          %dma_wait3A_207 = tpu.memref_slice %arg5[%arg0, %dma_wait3A_205, %dma_wait3A_206] : memref<2x10240x128xf32, #tpu.memory_space<hbm>> -> memref<1x80x128xf32, #tpu.memory_space<hbm>>
          %dma_wait3A_208 = tpu.memref_squeeze %dma_wait3A_207 : memref<1x80x128xf32, #tpu.memory_space<hbm>> -> memref<80x128xf32, #tpu.memory_space<hbm>>
          %dma_wait3A_209 = arith.constant 0 : i32
          %dma_wait3A_210 = arith.constant 0 : i32
          %dma_wait3A_211 = tpu.memref_slice %arg9[%dma_wait3A_196, %dma_wait3A_209, %dma_wait3A_210] : memref<2x80x128xf32, #tpu.memory_space<vmem>> -> memref<1x80x128xf32, #tpu.memory_space<vmem>>
          %dma_wait3A_212 = tpu.memref_squeeze %dma_wait3A_211 : memref<1x80x128xf32, #tpu.memory_space<vmem>> -> memref<80x128xf32, #tpu.memory_space<vmem>>
          tpu.wait_dma2 semaphore(%arg13 : memref<!tpu.dma_semaphore, #tpu.memory_space<semaphore_mem>>) src(%dma_wait3A_212 : memref<80x128xf32, #tpu.memory_space<vmem>>) dst(%dma_wait3A_208 : memref<80x128xf32, #tpu.memory_space<hbm>>)
        } else {
        }
        %add3A_183 = arith.constant 1 : i32
        %add3A_184 = arith.addi %add3A_117, %add3A_183 : i32
        %mul3A_185 = arith.constant 80 : i32
        %mul3A_186 = arith.muli %add3A_184, %mul3A_185 : i32
        %dma_start3A_187 = arith.constant 1 : i32
        %dma_start3A_188 = arith.constant 0 : i32
        %dma_start3A_189 = arith.constant 0 : i32
        %dma_start3A_190 = tpu.memref_slice %arg9[%dma_start3A_187, %dma_start3A_188, %dma_start3A_189] : memref<2x80x128xf32, #tpu.memory_space<vmem>> -> memref<1x80x128xf32, #tpu.memory_space<vmem>>
        %dma_start3A_191 = tpu.memref_squeeze %dma_start3A_190 : memref<1x80x128xf32, #tpu.memory_space<vmem>> -> memref<80x128xf32, #tpu.memory_space<vmem>>
        %dma_start3A_192 = tpu.memref_slice %arg6[%mul3A_186] : memref<10000xi32, #tpu.memory_space<vmem>> -> memref<80xi32, #tpu.memory_space<vmem>>
        %dma_start3A_193 = arith.constant 0 : i32
        %dma_start3A_194 = arith.constant 0 : i32
        %dma_start3A_195 = tpu.memref_slice %arg2[%dma_start3A_193, %dma_start3A_194] : memref<10240x128xf32, #tpu.memory_space<hbm>> -> memref<10240x128xf32, #tpu.memory_space<hbm>>
        tpu.enqueue_indirect_dma source(%dma_start3A_195 : memref<10240x128xf32, #tpu.memory_space<hbm>>) target(%dma_start3A_191 : memref<80x128xf32, #tpu.memory_space<vmem>>) offsets(%dma_start3A_192 : memref<80xi32, #tpu.memory_space<vmem>>) semaphore(%arg11 : memref<!tpu.dma_semaphore, #tpu.memory_space<semaphore_mem>>)
      } else {
      }
      %mul3A_124 = arith.constant 80 : i32
      %mul3A_125 = arith.muli %add3A_117, %mul3A_124 : i32
      %dma_wait3A_126 = arith.constant 0 : i32
      %dma_wait3A_127 = arith.constant 0 : i32
      %dma_wait3A_128 = arith.constant 0 : i32
      %dma_wait3A_129 = tpu.memref_slice %arg9[%dma_wait3A_126, %dma_wait3A_127, %dma_wait3A_128] : memref<2x80x128xf32, #tpu.memory_space<vmem>> -> memref<1x80x128xf32, #tpu.memory_space<vmem>>
      %dma_wait3A_130 = tpu.memref_squeeze %dma_wait3A_129 : memref<1x80x128xf32, #tpu.memory_space<vmem>> -> memref<80x128xf32, #tpu.memory_space<vmem>>
      %dma_wait3A_131 = tpu.memref_slice %arg6[%mul3A_125] : memref<10000xi32, #tpu.memory_space<vmem>> -> memref<80xi32, #tpu.memory_space<vmem>>
      %dma_wait3A_132 = arith.constant 0 : i32
      %dma_wait3A_133 = arith.constant 0 : i32
      %dma_wait3A_134 = tpu.memref_slice %arg2[%dma_wait3A_132, %dma_wait3A_133] : memref<10240x128xf32, #tpu.memory_space<hbm>> -> memref<10240x128xf32, #tpu.memory_space<hbm>>
      tpu.wait_indirect_dma semaphore(%arg10 : memref<!tpu.dma_semaphore, #tpu.memory_space<semaphore_mem>>) src(%dma_wait3A_134 : memref<10240x128xf32, #tpu.memory_space<hbm>>) dst(%dma_wait3A_130 : memref<80x128xf32, #tpu.memory_space<vmem>>)
      %dma_start3A_135 = arith.constant 0 : i32
      %dma_start3A_136 = arith.constant 0 : i32
      %dma_start3A_137 = arith.constant 0 : i32
      %dma_start3A_138 = tpu.memref_slice %arg9[%dma_start3A_135, %dma_start3A_136, %dma_start3A_137] : memref<2x80x128xf32, #tpu.memory_space<vmem>> -> memref<1x80x128xf32, #tpu.memory_space<vmem>>
      %dma_start3A_139 = tpu.memref_squeeze %dma_start3A_138 : memref<1x80x128xf32, #tpu.memory_space<vmem>> -> memref<80x128xf32, #tpu.memory_space<vmem>>
      %dma_start3A_140 = arith.constant 0 : i32
      %dma_start3A_141 = tpu.memref_slice %arg7[%add3A_117, %dma_start3A_140] : memref<125x80xi32, #tpu.memory_space<vmem>> -> memref<1x80xi32, #tpu.memory_space<vmem>>
      %dma_start3A_142 = tpu.memref_squeeze %dma_start3A_141 : memref<1x80xi32, #tpu.memory_space<vmem>> -> memref<80xi32, #tpu.memory_space<vmem>>
      %dma_start3A_143 = arith.constant 0 : i32
      %dma_start3A_144 = arith.constant 0 : i32
      %dma_start3A_145 = tpu.memref_slice %arg8[%dma_start3A_143, %dma_start3A_144] : memref<10240x128xf32, #tpu.memory_space<vmem_shared>> -> memref<10240x128xf32, #tpu.memory_space<vmem_shared>>
      tpu.enqueue_indirect_dma source(%dma_start3A_139 : memref<80x128xf32, #tpu.memory_space<vmem>>) target(%dma_start3A_145 : memref<10240x128xf32, #tpu.memory_space<vmem_shared>>) offsets(%dma_start3A_142 : memref<80xi32, #tpu.memory_space<vmem>>) semaphore(%arg12 : memref<!tpu.dma_semaphore, #tpu.memory_space<semaphore_mem>>) {add = true}
      %mul3A_146 = arith.constant 2 : i32
      %mul3A_147 = arith.muli %scan3A_113, %mul3A_146 : i32
      %add3A_148 = arith.constant 1 : i32
      %add3A_149 = arith.addi %mul3A_147, %add3A_148 : i32
      %add3A_150 = arith.constant 1 : i32
      %add3A_151 = arith.addi %add3A_149, %add3A_150 : i32
      %lt3A_152 = arith.constant 125 : i32
      %lt3A_153 = arith.cmpi slt, %add3A_151, %lt3A_152 : i32
      %convert_element_type3A_154 = arith.extui %lt3A_153 : i1 to i32
      %cond3A_155 = arith.constant 0 : i32
      %cond3A_156 = arith.cmpi ne, %convert_element_type3A_154, %cond3A_155 : i32
      scf.if %cond3A_156 {
        %ge3A = arith.constant 1 : i32
        %ge3A_179 = arith.cmpi sge, %add3A_149, %ge3A : i32
        %convert_element_type3A_180 = arith.extui %ge3A_179 : i1 to i32
        %cond3A_181 = arith.constant 0 : i32
        %cond3A_182 = arith.cmpi ne, %convert_element_type3A_180, %cond3A_181 : i32
        scf.if %cond3A_182 {
          %dma_wait3A_196 = arith.constant 0 : i32
          %dma_wait3A_197 = arith.constant 0 : i32
          %dma_wait3A_198 = arith.constant 0 : i32
          %dma_wait3A_199 = tpu.memref_slice %arg9[%dma_wait3A_196, %dma_wait3A_197, %dma_wait3A_198] : memref<2x80x128xf32, #tpu.memory_space<vmem>> -> memref<1x80x128xf32, #tpu.memory_space<vmem>>
          %dma_wait3A_200 = tpu.memref_squeeze %dma_wait3A_199 : memref<1x80x128xf32, #tpu.memory_space<vmem>> -> memref<80x128xf32, #tpu.memory_space<vmem>>
          %dma_wait3A_201 = arith.constant 0 : i32
          %dma_wait3A_202 = arith.constant 0 : i32
          %dma_wait3A_203 = tpu.memref_slice %arg5[%arg0, %dma_wait3A_201, %dma_wait3A_202] : memref<2x10240x128xf32, #tpu.memory_space<hbm>> -> memref<1x80x128xf32, #tpu.memory_space<hbm>>
          %dma_wait3A_204 = tpu.memref_squeeze %dma_wait3A_203 : memref<1x80x128xf32, #tpu.memory_space<hbm>> -> memref<80x128xf32, #tpu.memory_space<hbm>>
          %dma_wait3A_205 = arith.constant 0 : i32
          %dma_wait3A_206 = arith.constant 0 : i32
          %dma_wait3A_207 = tpu.memref_slice %arg5[%arg0, %dma_wait3A_205, %dma_wait3A_206] : memref<2x10240x128xf32, #tpu.memory_space<hbm>> -> memref<1x80x128xf32, #tpu.memory_space<hbm>>
          %dma_wait3A_208 = tpu.memref_squeeze %dma_wait3A_207 : memref<1x80x128xf32, #tpu.memory_space<hbm>> -> memref<80x128xf32, #tpu.memory_space<hbm>>
          %dma_wait3A_209 = arith.constant 0 : i32
          %dma_wait3A_210 = arith.constant 0 : i32
          %dma_wait3A_211 = tpu.memref_slice %arg9[%dma_wait3A_196, %dma_wait3A_209, %dma_wait3A_210] : memref<2x80x128xf32, #tpu.memory_space<vmem>> -> memref<1x80x128xf32, #tpu.memory_space<vmem>>
          %dma_wait3A_212 = tpu.memref_squeeze %dma_wait3A_211 : memref<1x80x128xf32, #tpu.memory_space<vmem>> -> memref<80x128xf32, #tpu.memory_space<vmem>>
          tpu.wait_dma2 semaphore(%arg12 : memref<!tpu.dma_semaphore, #tpu.memory_space<semaphore_mem>>) src(%dma_wait3A_212 : memref<80x128xf32, #tpu.memory_space<vmem>>) dst(%dma_wait3A_208 : memref<80x128xf32, #tpu.memory_space<hbm>>)
        } else {
        }
        %add3A_183 = arith.constant 1 : i32
        %add3A_184 = arith.addi %add3A_149, %add3A_183 : i32
        %mul3A_185 = arith.constant 80 : i32
        %mul3A_186 = arith.muli %add3A_184, %mul3A_185 : i32
        %dma_start3A_187 = arith.constant 0 : i32
        %dma_start3A_188 = arith.constant 0 : i32
        %dma_start3A_189 = arith.constant 0 : i32
        %dma_start3A_190 = tpu.memref_slice %arg9[%dma_start3A_187, %dma_start3A_188, %dma_start3A_189] : memref<2x80x128xf32, #tpu.memory_space<vmem>> -> memref<1x80x128xf32, #tpu.memory_space<vmem>>
        %dma_start3A_191 = tpu.memref_squeeze %dma_start3A_190 : memref<1x80x128xf32, #tpu.memory_space<vmem>> -> memref<80x128xf32, #tpu.memory_space<vmem>>
        %dma_start3A_192 = tpu.memref_slice %arg6[%mul3A_186] : memref<10000xi32, #tpu.memory_space<vmem>> -> memref<80xi32, #tpu.memory_space<vmem>>
        %dma_start3A_193 = arith.constant 0 : i32
        %dma_start3A_194 = arith.constant 0 : i32
        %dma_start3A_195 = tpu.memref_slice %arg2[%dma_start3A_193, %dma_start3A_194] : memref<10240x128xf32, #tpu.memory_space<hbm>> -> memref<10240x128xf32, #tpu.memory_space<hbm>>
        tpu.enqueue_indirect_dma source(%dma_start3A_195 : memref<10240x128xf32, #tpu.memory_space<hbm>>) target(%dma_start3A_191 : memref<80x128xf32, #tpu.memory_space<vmem>>) offsets(%dma_start3A_192 : memref<80xi32, #tpu.memory_space<vmem>>) semaphore(%arg10 : memref<!tpu.dma_semaphore, #tpu.memory_space<semaphore_mem>>)
      } else {
      }
      %mul3A_157 = arith.constant 80 : i32
      %mul3A_158 = arith.muli %add3A_149, %mul3A_157 : i32
      %dma_wait3A_159 = arith.constant 1 : i32
      %dma_wait3A_160 = arith.constant 0 : i32
      %dma_wait3A_161 = arith.constant 0 : i32
      %dma_wait3A_162 = tpu.memref_slice %arg9[%dma_wait3A_159, %dma_wait3A_160, %dma_wait3A_161] : memref<2x80x128xf32, #tpu.memory_space<vmem>> -> memref<1x80x128xf32, #tpu.memory_space<vmem>>
      %dma_wait3A_163 = tpu.memref_squeeze %dma_wait3A_162 : memref<1x80x128xf32, #tpu.memory_space<vmem>> -> memref<80x128xf32, #tpu.memory_space<vmem>>
      %dma_wait3A_164 = tpu.memref_slice %arg6[%mul3A_158] : memref<10000xi32, #tpu.memory_space<vmem>> -> memref<80xi32, #tpu.memory_space<vmem>>
      %dma_wait3A_165 = arith.constant 0 : i32
      %dma_wait3A_166 = arith.constant 0 : i32
      %dma_wait3A_167 = tpu.memref_slice %arg2[%dma_wait3A_165, %dma_wait3A_166] : memref<10240x128xf32, #tpu.memory_space<hbm>> -> memref<10240x128xf32, #tpu.memory_space<hbm>>
      tpu.wait_indirect_dma semaphore(%arg11 : memref<!tpu.dma_semaphore, #tpu.memory_space<semaphore_mem>>) src(%dma_wait3A_167 : memref<10240x128xf32, #tpu.memory_space<hbm>>) dst(%dma_wait3A_163 : memref<80x128xf32, #tpu.memory_space<vmem>>)
      %dma_start3A_168 = arith.constant 1 : i32
      %dma_start3A_169 = arith.constant 0 : i32
      %dma_start3A_170 = arith.constant 0 : i32
      %dma_start3A_171 = tpu.memref_slice %arg9[%dma_start3A_168, %dma_start3A_169, %dma_start3A_170] : memref<2x80x128xf32, #tpu.memory_space<vmem>> -> memref<1x80x128xf32, #tpu.memory_space<vmem>>
      %dma_start3A_172 = tpu.memref_squeeze %dma_start3A_171 : memref<1x80x128xf32, #tpu.memory_space<vmem>> -> memref<80x128xf32, #tpu.memory_space<vmem>>
      %dma_start3A_173 = arith.constant 0 : i32
      %dma_start3A_174 = tpu.memref_slice %arg7[%add3A_149, %dma_start3A_173] : memref<125x80xi32, #tpu.memory_space<vmem>> -> memref<1x80xi32, #tpu.memory_space<vmem>>
      %dma_start3A_175 = tpu.memref_squeeze %dma_start3A_174 : memref<1x80xi32, #tpu.memory_space<vmem>> -> memref<80xi32, #tpu.memory_space<vmem>>
      %dma_start3A_176 = arith.constant 0 : i32
      %dma_start3A_177 = arith.constant 0 : i32
      %dma_start3A_178 = tpu.memref_slice %arg8[%dma_start3A_176, %dma_start3A_177] : memref<10240x128xf32, #tpu.memory_space<vmem_shared>> -> memref<10240x128xf32, #tpu.memory_space<vmem_shared>>
      tpu.enqueue_indirect_dma source(%dma_start3A_172 : memref<80x128xf32, #tpu.memory_space<vmem>>) target(%dma_start3A_178 : memref<10240x128xf32, #tpu.memory_space<vmem_shared>>) offsets(%dma_start3A_175 : memref<80xi32, #tpu.memory_space<vmem>>) semaphore(%arg13 : memref<!tpu.dma_semaphore, #tpu.memory_space<semaphore_mem>>) {add = true}
    }
    %scan3A_55 = arith.constant 62 : i32
    %dma_wait3A_56 = arith.constant 0 : i32
    %dma_wait3A_57 = arith.constant 0 : i32
    %dma_wait3A_58 = arith.constant 0 : i32
    %dma_wait3A_59 = tpu.memref_slice %arg9[%dma_wait3A_56, %dma_wait3A_57, %dma_wait3A_58] : memref<2x80x128xf32, #tpu.memory_space<vmem>> -> memref<1x80x128xf32, #tpu.memory_space<vmem>>
    %dma_wait3A_60 = tpu.memref_squeeze %dma_wait3A_59 : memref<1x80x128xf32, #tpu.memory_space<vmem>> -> memref<80x128xf32, #tpu.memory_space<vmem>>
    %dma_wait3A_61 = arith.constant 9920 : i32
    %dma_wait3A_62 = tpu.memref_slice %arg6[%dma_wait3A_61] : memref<10000xi32, #tpu.memory_space<vmem>> -> memref<80xi32, #tpu.memory_space<vmem>>
    %dma_wait3A_63 = arith.constant 0 : i32
    %dma_wait3A_64 = arith.constant 0 : i32
    %dma_wait3A_65 = tpu.memref_slice %arg2[%dma_wait3A_63, %dma_wait3A_64] : memref<10240x128xf32, #tpu.memory_space<hbm>> -> memref<10240x128xf32, #tpu.memory_space<hbm>>
    tpu.wait_indirect_dma semaphore(%arg10 : memref<!tpu.dma_semaphore, #tpu.memory_space<semaphore_mem>>) src(%dma_wait3A_65 : memref<10240x128xf32, #tpu.memory_space<hbm>>) dst(%dma_wait3A_60 : memref<80x128xf32, #tpu.memory_space<vmem>>)
    %dma_start3A_66 = arith.constant 0 : i32
    %dma_start3A_67 = arith.constant 124 : i32
    %dma_start3A_68 = arith.constant 0 : i32
    %dma_start3A_69 = arith.constant 0 : i32
    %dma_start3A_70 = tpu.memref_slice %arg9[%dma_start3A_66, %dma_start3A_68, %dma_start3A_69] : memref<2x80x128xf32, #tpu.memory_space<vmem>> -> memref<1x80x128xf32, #tpu.memory_space<vmem>>
    %dma_start3A_71 = tpu.memref_squeeze %dma_start3A_70 : memref<1x80x128xf32, #tpu.memory_space<vmem>> -> memref<80x128xf32, #tpu.memory_space<vmem>>
    %dma_start3A_72 = arith.constant 0 : i32
    %dma_start3A_73 = tpu.memref_slice %arg7[%dma_start3A_67, %dma_start3A_72] : memref<125x80xi32, #tpu.memory_space<vmem>> -> memref<1x80xi32, #tpu.memory_space<vmem>>
    %dma_start3A_74 = tpu.memref_squeeze %dma_start3A_73 : memref<1x80xi32, #tpu.memory_space<vmem>> -> memref<80xi32, #tpu.memory_space<vmem>>
    %dma_start3A_75 = arith.constant 0 : i32
    %dma_start3A_76 = arith.constant 0 : i32
    %dma_start3A_77 = tpu.memref_slice %arg8[%dma_start3A_75, %dma_start3A_76] : memref<10240x128xf32, #tpu.memory_space<vmem_shared>> -> memref<10240x128xf32, #tpu.memory_space<vmem_shared>>
    tpu.enqueue_indirect_dma source(%dma_start3A_71 : memref<80x128xf32, #tpu.memory_space<vmem>>) target(%dma_start3A_77 : memref<10240x128xf32, #tpu.memory_space<vmem_shared>>) offsets(%dma_start3A_74 : memref<80xi32, #tpu.memory_space<vmem>>) semaphore(%arg12 : memref<!tpu.dma_semaphore, #tpu.memory_space<semaphore_mem>>) {add = true}
    %dma_wait3A_78 = arith.constant 0 : i32
    %dma_wait3A_79 = arith.constant 0 : i32
    %dma_wait3A_80 = arith.constant 0 : i32
    %dma_wait3A_81 = tpu.memref_slice %arg9[%dma_wait3A_78, %dma_wait3A_79, %dma_wait3A_80] : memref<2x80x128xf32, #tpu.memory_space<vmem>> -> memref<1x80x128xf32, #tpu.memory_space<vmem>>
    %dma_wait3A_82 = tpu.memref_squeeze %dma_wait3A_81 : memref<1x80x128xf32, #tpu.memory_space<vmem>> -> memref<80x128xf32, #tpu.memory_space<vmem>>
    %dma_wait3A_83 = arith.constant 0 : i32
    %dma_wait3A_84 = arith.constant 0 : i32
    %dma_wait3A_85 = tpu.memref_slice %arg5[%arg0, %dma_wait3A_83, %dma_wait3A_84] : memref<2x10240x128xf32, #tpu.memory_space<hbm>> -> memref<1x80x128xf32, #tpu.memory_space<hbm>>
    %dma_wait3A_86 = tpu.memref_squeeze %dma_wait3A_85 : memref<1x80x128xf32, #tpu.memory_space<hbm>> -> memref<80x128xf32, #tpu.memory_space<hbm>>
    %dma_wait3A_87 = arith.constant 0 : i32
    %dma_wait3A_88 = arith.constant 0 : i32
    %dma_wait3A_89 = tpu.memref_slice %arg5[%arg0, %dma_wait3A_87, %dma_wait3A_88] : memref<2x10240x128xf32, #tpu.memory_space<hbm>> -> memref<1x80x128xf32, #tpu.memory_space<hbm>>
    %dma_wait3A_90 = tpu.memref_squeeze %dma_wait3A_89 : memref<1x80x128xf32, #tpu.memory_space<hbm>> -> memref<80x128xf32, #tpu.memory_space<hbm>>
    %dma_wait3A_91 = arith.constant 0 : i32
    %dma_wait3A_92 = arith.constant 0 : i32
    %dma_wait3A_93 = tpu.memref_slice %arg9[%dma_wait3A_78, %dma_wait3A_91, %dma_wait3A_92] : memref<2x80x128xf32, #tpu.memory_space<vmem>> -> memref<1x80x128xf32, #tpu.memory_space<vmem>>
    %dma_wait3A_94 = tpu.memref_squeeze %dma_wait3A_93 : memref<1x80x128xf32, #tpu.memory_space<vmem>> -> memref<80x128xf32, #tpu.memory_space<vmem>>
    tpu.wait_dma2 semaphore(%arg12 : memref<!tpu.dma_semaphore, #tpu.memory_space<semaphore_mem>>) src(%dma_wait3A_94 : memref<80x128xf32, #tpu.memory_space<vmem>>) dst(%dma_wait3A_90 : memref<80x128xf32, #tpu.memory_space<hbm>>)
    %dma_wait3A_95 = arith.constant 1 : i32
    %dma_wait3A_96 = arith.constant 0 : i32
    %dma_wait3A_97 = arith.constant 0 : i32
    %dma_wait3A_98 = tpu.memref_slice %arg9[%dma_wait3A_95, %dma_wait3A_96, %dma_wait3A_97] : memref<2x80x128xf32, #tpu.memory_space<vmem>> -> memref<1x80x128xf32, #tpu.memory_space<vmem>>
    %dma_wait3A_99 = tpu.memref_squeeze %dma_wait3A_98 : memref<1x80x128xf32, #tpu.memory_space<vmem>> -> memref<80x128xf32, #tpu.memory_space<vmem>>
    %dma_wait3A_100 = arith.constant 0 : i32
    %dma_wait3A_101 = arith.constant 0 : i32
    %dma_wait3A_102 = tpu.memref_slice %arg5[%arg0, %dma_wait3A_100, %dma_wait3A_101] : memref<2x10240x128xf32, #tpu.memory_space<hbm>> -> memref<1x80x128xf32, #tpu.memory_space<hbm>>
    %dma_wait3A_103 = tpu.memref_squeeze %dma_wait3A_102 : memref<1x80x128xf32, #tpu.memory_space<hbm>> -> memref<80x128xf32, #tpu.memory_space<hbm>>
    %dma_wait3A_104 = arith.constant 0 : i32
    %dma_wait3A_105 = arith.constant 0 : i32
    %dma_wait3A_106 = tpu.memref_slice %arg5[%arg0, %dma_wait3A_104, %dma_wait3A_105] : memref<2x10240x128xf32, #tpu.memory_space<hbm>> -> memref<1x80x128xf32, #tpu.memory_space<hbm>>
    %dma_wait3A_107 = tpu.memref_squeeze %dma_wait3A_106 : memref<1x80x128xf32, #tpu.memory_space<hbm>> -> memref<80x128xf32, #tpu.memory_space<hbm>>
    %dma_wait3A_108 = arith.constant 0 : i32
    %dma_wait3A_109 = arith.constant 0 : i32
    %dma_wait3A_110 = tpu.memref_slice %arg9[%dma_wait3A_95, %dma_wait3A_108, %dma_wait3A_109] : memref<2x80x128xf32, #tpu.memory_space<vmem>> -> memref<1x80x128xf32, #tpu.memory_space<vmem>>
    %dma_wait3A_111 = tpu.memref_squeeze %dma_wait3A_110 : memref<1x80x128xf32, #tpu.memory_space<vmem>> -> memref<80x128xf32, #tpu.memory_space<vmem>>
    tpu.wait_dma2 semaphore(%arg13 : memref<!tpu.dma_semaphore, #tpu.memory_space<semaphore_mem>>) src(%dma_wait3A_111 : memref<80x128xf32, #tpu.memory_space<vmem>>) dst(%dma_wait3A_107 : memref<80x128xf32, #tpu.memory_space<hbm>>)
    %barrier3A_112 = arith.constant 0 : index
    tpu.barrier barrier_id(%barrier3A_112)
    "tpu.region"() ({
      %run_scoped3A = tpu.sem_alloc : memref<!tpu.dma_semaphore, #tpu.memory_space<semaphore_mem>>
      %dma_start3A_113 = arith.constant 0 : i32
      %dma_start3A_114 = tpu.memref_slice %arg5[%arg0, %mul3A_2, %dma_start3A_113] : memref<2x10240x128xf32, #tpu.memory_space<hbm>> -> memref<1x640x128xf32, #tpu.memory_space<hbm>>
      %dma_start3A_115 = tpu.memref_squeeze %dma_start3A_114 : memref<1x640x128xf32, #tpu.memory_space<hbm>> -> memref<640x128xf32, #tpu.memory_space<hbm>>
      %dma_start3A_116 = arith.constant 0 : i32
      %dma_start3A_117 = tpu.memref_slice %arg8[%mul3A_2, %dma_start3A_116] : memref<10240x128xf32, #tpu.memory_space<vmem_shared>> -> memref<640x128xf32, #tpu.memory_space<vmem_shared>>
      tpu.enqueue_dma source(%dma_start3A_117 : memref<640x128xf32, #tpu.memory_space<vmem_shared>>) target(%dma_start3A_115 : memref<640x128xf32, #tpu.memory_space<hbm>>) target_semaphore(%run_scoped3A : memref<!tpu.dma_semaphore, #tpu.memory_space<semaphore_mem>>)
      %dma_wait3A_118 = arith.constant 0 : i32
      %dma_wait3A_119 = tpu.memref_slice %arg5[%arg0, %mul3A_2, %dma_wait3A_118] : memref<2x10240x128xf32, #tpu.memory_space<hbm>> -> memref<1x640x128xf32, #tpu.memory_space<hbm>>
      %dma_wait3A_120 = tpu.memref_squeeze %dma_wait3A_119 : memref<1x640x128xf32, #tpu.memory_space<hbm>> -> memref<640x128xf32, #tpu.memory_space<hbm>>
      %dma_wait3A_121 = arith.constant 0 : i32
      %dma_wait3A_122 = tpu.memref_slice %arg8[%mul3A_2, %dma_wait3A_121] : memref<10240x128xf32, #tpu.memory_space<vmem_shared>> -> memref<640x128xf32, #tpu.memory_space<vmem_shared>>
      tpu.wait_dma2 semaphore(%run_scoped3A : memref<!tpu.dma_semaphore, #tpu.memory_space<semaphore_mem>>) src(%dma_wait3A_122 : memref<640x128xf32, #tpu.memory_space<vmem_shared>>) dst(%dma_wait3A_120 : memref<640x128xf32, #tpu.memory_space<hbm>>)
      tpu.yield
    }) : () -> ()
    return
  }
}

#map = affine_map<(d0, d1) -> (0)>
#map1 = affine_map<(d0, d1) -> (0, 0)>
#map2 = affine_map<(d0, d1) -> (0, 0, 0)>
module attributes {stable_mosaic.version = 14 : i64} {
  func.func @_sc_degree_body(%arg0: i32, %arg1: i32, %arg2: memref<640000xi32, #tpu.memory_space<hbm>>, %arg3: memref<10240xf32, #tpu.memory_space<hbm>>, %arg4: memref<80xf32, #tpu.memory_space<hbm>>, %arg5: memref<2x10240xf32, #tpu.memory_space<hbm>>, %arg6: memref<32x10000xi32, #tpu.memory_space<hbm>>, %arg7: memref<32x125x80xi32, #tpu.memory_space<hbm>>, %arg8: memref<10000xi32, #tpu.memory_space<vmem>>, %arg9: memref<10000xi32, #tpu.memory_space<vmem>>, %arg10: memref<125x80xi32, #tpu.memory_space<vmem>>, %arg11: memref<80xf32, #tpu.memory_space<vmem>>, %arg12: memref<10240xf32, #tpu.memory_space<vmem_shared>>, %arg13: memref<!tpu.dma_semaphore, #tpu.memory_space<semaphore_mem>>, %arg14: memref<!tpu.dma_semaphore, #tpu.memory_space<semaphore_mem>>, %arg15: memref<!tpu.dma_semaphore, #tpu.memory_space<semaphore_mem>>, %arg16: memref<!tpu.dma_semaphore, #tpu.memory_space<semaphore_mem>>, %arg17: memref<!tpu.dma_semaphore, #tpu.memory_space<semaphore_mem>>, %arg18: memref<!tpu.dma_semaphore, #tpu.memory_space<semaphore_mem>>) attributes {dimension_semantics = [#tpu.dimension_semantics<core_parallel>, #tpu.dimension_semantics<subcore_parallel>], iteration_bounds = array<i64: 2, 16>, scalar_prefetch = 0 : i64, scratch_operands = 11 : i64, tpu.core_type = #tpu.core_type<sc_vector_subcore>, window_params = [{transform_indices = #map}, {transform_indices = #map}, {transform_indices = #map}, {transform_indices = #map1}, {transform_indices = #map1}, {transform_indices = #map2}]} {
    %mul3A = arith.constant 16 : i32
    %mul3A_0 = arith.muli %arg0, %mul3A : i32
    %add3A = arith.addi %mul3A_0, %arg1 : i32
    %jit3A = arith.constant 8 : i32
    %div3A = arith.divsi %add3A, %jit3A : i32
    %sign3A = arith.constant 0 : i32
    %sign3A_1 = arith.cmpi sgt, %add3A, %sign3A : i32
    %sign3A_2 = arith.extui %sign3A_1 : i1 to i32
    %sign3A_3 = arith.constant 0 : i32
    %sign3A_4 = arith.cmpi slt, %add3A, %sign3A_3 : i32
    %sign3A_5 = arith.extui %sign3A_4 : i1 to i32
    %sign3A_6 = arith.subi %sign3A_2, %sign3A_5 : i32
    %sign3A_7 = arith.constant 0 : i32
    %sign3A_8 = arith.cmpi sgt, %jit3A, %sign3A_7 : i32
    %sign3A_9 = arith.extui %sign3A_8 : i1 to i32
    %sign3A_10 = arith.constant 0 : i32
    %sign3A_11 = arith.cmpi slt, %jit3A, %sign3A_10 : i32
    %sign3A_12 = arith.extui %sign3A_11 : i1 to i32
    %sign3A_13 = arith.subi %sign3A_9, %sign3A_12 : i32
    %ne3A = arith.cmpi ne, %sign3A_6, %sign3A_13 : i32
    %rem3A = arith.remsi %add3A, %jit3A : i32
    %ne3A_14 = arith.constant 0 : i32
    %ne3A_15 = arith.cmpi ne, %rem3A, %ne3A_14 : i32
    %and3A = arith.andi %ne3A, %ne3A_15 : i1
    %sub3A = arith.constant 1 : i32
    %sub3A_16 = arith.subi %div3A, %sub3A : i32
    %select_n3A = arith.select %and3A, %sub3A_16, %div3A : i32
    %jit3A_17 = arith.constant 8 : i32
    %eq3A = arith.constant 0 : i32
    %eq3A_18 = arith.cmpi eq, %jit3A_17, %eq3A : i32
    %jit3A_19 = arith.constant 1 : i32
    %select_n3A_20 = arith.select %eq3A_18, %jit3A_19, %jit3A_17 : i32
    %rem3A_21 = arith.remsi %add3A, %select_n3A_20 : i32
    %ne3A_22 = arith.constant 0 : i32
    %ne3A_23 = arith.cmpi ne, %rem3A_21, %ne3A_22 : i32
    %lt3A = arith.constant 0 : i32
    %lt3A_24 = arith.cmpi slt, %rem3A_21, %lt3A : i32
    %lt3A_25 = arith.constant 0 : i32
    %lt3A_26 = arith.cmpi slt, %select_n3A_20, %lt3A_25 : i32
    %ne3A_27 = arith.xori %lt3A_24, %lt3A_26 : i1
    %and3A_28 = arith.andi %ne3A_27, %ne3A_23 : i1
    %add3A_29 = arith.addi %rem3A_21, %select_n3A_20 : i32
    %select_n3A_30 = arith.select %and3A_28, %add3A_29, %rem3A_21 : i32
    %mul3A_31 = arith.constant 2 : i32
    %mul3A_32 = arith.muli %select_n3A, %mul3A_31 : i32
    %mul3A_33 = arith.constant 80000 : i32
    %mul3A_34 = arith.muli %mul3A_32, %mul3A_33 : i32
    %mul3A_35 = arith.constant 10000 : i32
    %mul3A_36 = arith.muli %select_n3A_30, %mul3A_35 : i32
    %add3A_37 = arith.addi %mul3A_34, %mul3A_36 : i32
    %add3A_38 = arith.constant 80000 : i32
    %add3A_39 = arith.addi %add3A_37, %add3A_38 : i32
    %dma_start3A = tpu.memref_slice %arg2[%add3A_37] : memref<640000xi32, #tpu.memory_space<hbm>> -> memref<10000xi32, #tpu.memory_space<hbm>>
    %dma_start3A_40 = tpu.memref_slice %arg2[%add3A_37] : memref<640000xi32, #tpu.memory_space<hbm>> -> memref<10000xi32, #tpu.memory_space<hbm>>
    tpu.enqueue_dma source(%dma_start3A_40 : memref<10000xi32, #tpu.memory_space<hbm>>) target(%arg8 : memref<10000xi32, #tpu.memory_space<vmem>>) target_semaphore(%arg13 : memref<!tpu.dma_semaphore, #tpu.memory_space<semaphore_mem>>)
    %dma_start3A_41 = tpu.memref_slice %arg2[%add3A_39] : memref<640000xi32, #tpu.memory_space<hbm>> -> memref<10000xi32, #tpu.memory_space<hbm>>
    %dma_start3A_42 = tpu.memref_slice %arg2[%add3A_39] : memref<640000xi32, #tpu.memory_space<hbm>> -> memref<10000xi32, #tpu.memory_space<hbm>>
    tpu.enqueue_dma source(%dma_start3A_42 : memref<10000xi32, #tpu.memory_space<hbm>>) target(%arg9 : memref<10000xi32, #tpu.memory_space<vmem>>) target_semaphore(%arg13 : memref<!tpu.dma_semaphore, #tpu.memory_space<semaphore_mem>>)
    %mul3A_43 = arith.constant 640 : i32
    %mul3A_44 = arith.muli %arg1, %mul3A_43 : i32
    "tpu.region"() ({
      %run_scoped3A = tpu.sem_alloc : memref<!tpu.dma_semaphore, #tpu.memory_space<semaphore_mem>>
      %dma_start3A_123 = tpu.memref_slice %arg12[%mul3A_44] : memref<10240xf32, #tpu.memory_space<vmem_shared>> -> memref<640xf32, #tpu.memory_space<vmem_shared>>
      %dma_start3A_124 = tpu.memref_slice %arg3[%mul3A_44] : memref<10240xf32, #tpu.memory_space<hbm>> -> memref<640xf32, #tpu.memory_space<hbm>>
      tpu.enqueue_dma source(%dma_start3A_124 : memref<640xf32, #tpu.memory_space<hbm>>) target(%dma_start3A_123 : memref<640xf32, #tpu.memory_space<vmem_shared>>) target_semaphore(%run_scoped3A : memref<!tpu.dma_semaphore, #tpu.memory_space<semaphore_mem>>)
      %dma_wait3A_125 = tpu.memref_slice %arg12[%mul3A_44] : memref<10240xf32, #tpu.memory_space<vmem_shared>> -> memref<640xf32, #tpu.memory_space<vmem_shared>>
      %dma_wait3A_126 = tpu.memref_slice %arg3[%mul3A_44] : memref<10240xf32, #tpu.memory_space<hbm>> -> memref<640xf32, #tpu.memory_space<hbm>>
      tpu.wait_dma2 semaphore(%run_scoped3A : memref<!tpu.dma_semaphore, #tpu.memory_space<semaphore_mem>>) src(%dma_wait3A_126 : memref<640xf32, #tpu.memory_space<hbm>>) dst(%dma_wait3A_125 : memref<640xf32, #tpu.memory_space<vmem_shared>>)
      tpu.yield
    }) : () -> ()
    %dma_wait3A = tpu.memref_slice %arg2[%add3A_37] : memref<640000xi32, #tpu.memory_space<hbm>> -> memref<10000xi32, #tpu.memory_space<hbm>>
    %dma_wait3A_45 = tpu.memref_slice %arg2[%add3A_37] : memref<640000xi32, #tpu.memory_space<hbm>> -> memref<10000xi32, #tpu.memory_space<hbm>>
    tpu.wait_dma2 semaphore(%arg13 : memref<!tpu.dma_semaphore, #tpu.memory_space<semaphore_mem>>) src(%dma_wait3A_45 : memref<10000xi32, #tpu.memory_space<hbm>>) dst(%arg8 : memref<10000xi32, #tpu.memory_space<vmem>>)
    %dma_wait3A_46 = tpu.memref_slice %arg2[%add3A_39] : memref<640000xi32, #tpu.memory_space<hbm>> -> memref<10000xi32, #tpu.memory_space<hbm>>
    %dma_wait3A_47 = tpu.memref_slice %arg2[%add3A_39] : memref<640000xi32, #tpu.memory_space<hbm>> -> memref<10000xi32, #tpu.memory_space<hbm>>
    tpu.wait_dma2 semaphore(%arg13 : memref<!tpu.dma_semaphore, #tpu.memory_space<semaphore_mem>>) src(%dma_wait3A_47 : memref<10000xi32, #tpu.memory_space<hbm>>) dst(%arg9 : memref<10000xi32, #tpu.memory_space<vmem>>)
    "tpu.region"() ({
      %run_scoped3A = tpu.sem_alloc : memref<!tpu.dma_semaphore, #tpu.memory_space<semaphore_mem>>
      tpu.enqueue_dma source(%arg4 : memref<80xf32, #tpu.memory_space<hbm>>) target(%arg11 : memref<80xf32, #tpu.memory_space<vmem>>) target_semaphore(%run_scoped3A : memref<!tpu.dma_semaphore, #tpu.memory_space<semaphore_mem>>)
      tpu.wait_dma2 semaphore(%run_scoped3A : memref<!tpu.dma_semaphore, #tpu.memory_space<semaphore_mem>>) src(%arg4 : memref<80xf32, #tpu.memory_space<hbm>>) dst(%arg11 : memref<80xf32, #tpu.memory_space<vmem>>)
      tpu.yield
    }) : () -> ()
    %mul3A_48 = arith.constant 2500 : i32
    %mul3A_49 = arith.muli %select_n3A, %mul3A_48 : i32
    %iota3A = tpu.iota {dimensions = array<i32: 0>} : vector<16xi32>
    %add3A_50 = arith.constant 10000 : i32
    %add3A_51 = vector.broadcast %add3A_50 : i32 to vector<16xi32>
    %add3A_52 = arith.addi %add3A_51, %iota3A : vector<16xi32>
    %scan3A = arith.constant 0 : i32
    %scan3A_53 = arith.constant 0 : i32
    %scan3A_54 = arith.constant 125 : i32
    %scan3A_55 = arith.addi %scan3A_53, %scan3A_54 : i32
    %scan3A_56 = arith.constant 1 : i32
    scf.for %scan3A_123 = %scan3A_53 to %scan3A_55 step %scan3A_56  : i32 {
      %mul3A_124 = arith.constant 80 : i32
      %mul3A_125 = arith.muli %scan3A_123, %mul3A_124 : i32
      %add3A_126 = arith.constant 0 : i32
      %add3A_127 = arith.addi %mul3A_125, %add3A_126 : i32
      %get3A = arith.index_cast %add3A_127 : i32 to index
      %get3A_128 = tpu.vector_load %arg8[%get3A] {strides = array<i32>} : memref<10000xi32, #tpu.memory_space<vmem>>, vector<16xi32>,
      %get3A_129 = vector.shape_cast %get3A_128 : vector<16xi32> to vector<16xi32>
      %add3A_130 = vector.broadcast %mul3A_49 : i32 to vector<16xi32>
      %add3A_131 = arith.addi %get3A_129, %add3A_130 : vector<16xi32>
      %get3A_132 = arith.index_cast %add3A_127 : i32 to index
      %get3A_133 = tpu.vector_load %arg9[%get3A_132] {strides = array<i32>} : memref<10000xi32, #tpu.memory_space<vmem>>, vector<16xi32>,
      %get3A_134 = vector.shape_cast %get3A_133 : vector<16xi32> to vector<16xi32>
      %add3A_135 = vector.broadcast %mul3A_49 : i32 to vector<16xi32>
      %add3A_136 = arith.addi %get3A_134, %add3A_135 : vector<16xi32>
      %eq3A_137 = arith.constant 0 : i32
      %eq3A_138 = vector.broadcast %eq3A_137 : i32 to vector<16xi32>
      %eq3A_139 = arith.cmpi eq, %add3A_131, %eq3A_138 : vector<16xi32>
      %eq3A_140 = arith.constant 0 : i32
      %eq3A_141 = vector.broadcast %eq3A_140 : i32 to vector<16xi32>
      %eq3A_142 = arith.cmpi eq, %add3A_136, %eq3A_141 : vector<16xi32>
      %and3A_143 = arith.andi %eq3A_139, %eq3A_142 : vector<16xi1>
      %swap3A = arith.index_cast %add3A_127 : i32 to index
      %swap3A_144 = tpu.vector_load %arg8[%swap3A] {strides = array<i32>} : memref<10000xi32, #tpu.memory_space<vmem>>, vector<16xi32>,
      %swap3A_145 = vector.shape_cast %swap3A_144 : vector<16xi32> to vector<16xi32>
      %swap3A_146 = vector.shape_cast %add3A_131 : vector<16xi32> to vector<16xi32>
      tpu.vector_store %arg8[%swap3A], %swap3A_146 {strides = array<i32>} : memref<10000xi32, #tpu.memory_space<vmem>>, vector<16xi32>,
      %select_n3A_147 = arith.select %and3A_143, %add3A_52, %add3A_136 : vector<16xi1>, vector<16xi32>
      %swap3A_148 = arith.index_cast %scan3A_123 : i32 to index
      %swap3A_149 = arith.constant 0 : index
      %swap3A_150 = tpu.vector_load %arg10[%swap3A_148, %swap3A_149] {strides = array<i32>} : memref<125x80xi32, #tpu.memory_space<vmem>>, vector<1x16xi32>,
      %swap3A_151 = vector.shape_cast %swap3A_150 : vector<1x16xi32> to vector<16xi32>
      %swap3A_152 = vector.shape_cast %select_n3A_147 : vector<16xi32> to vector<1x16xi32>
      tpu.vector_store %arg10[%swap3A_148, %swap3A_149], %swap3A_152 {strides = array<i32>} : memref<125x80xi32, #tpu.memory_space<vmem>>, vector<1x16xi32>,
      %mul3A_153 = arith.constant 80 : i32
      %mul3A_154 = arith.muli %scan3A_123, %mul3A_153 : i32
      %add3A_155 = arith.constant 16 : i32
      %add3A_156 = arith.addi %mul3A_154, %add3A_155 : i32
      %get3A_157 = arith.index_cast %add3A_156 : i32 to index
      %get3A_158 = tpu.vector_load %arg8[%get3A_157] {strides = array<i32>} : memref<10000xi32, #tpu.memory_space<vmem>>, vector<16xi32>,
      %get3A_159 = vector.shape_cast %get3A_158 : vector<16xi32> to vector<16xi32>
      %add3A_160 = vector.broadcast %mul3A_49 : i32 to vector<16xi32>
      %add3A_161 = arith.addi %get3A_159, %add3A_160 : vector<16xi32>
      %get3A_162 = arith.index_cast %add3A_156 : i32 to index
      %get3A_163 = tpu.vector_load %arg9[%get3A_162] {strides = array<i32>} : memref<10000xi32, #tpu.memory_space<vmem>>, vector<16xi32>,
      %get3A_164 = vector.shape_cast %get3A_163 : vector<16xi32> to vector<16xi32>
      %add3A_165 = vector.broadcast %mul3A_49 : i32 to vector<16xi32>
      %add3A_166 = arith.addi %get3A_164, %add3A_165 : vector<16xi32>
      %eq3A_167 = arith.constant 0 : i32
      %eq3A_168 = vector.broadcast %eq3A_167 : i32 to vector<16xi32>
      %eq3A_169 = arith.cmpi eq, %add3A_161, %eq3A_168 : vector<16xi32>
      %eq3A_170 = arith.constant 0 : i32
      %eq3A_171 = vector.broadcast %eq3A_170 : i32 to vector<16xi32>
      %eq3A_172 = arith.cmpi eq, %add3A_166, %eq3A_171 : vector<16xi32>
      %and3A_173 = arith.andi %eq3A_169, %eq3A_172 : vector<16xi1>
      %swap3A_174 = arith.index_cast %add3A_156 : i32 to index
      %swap3A_175 = tpu.vector_load %arg8[%swap3A_174] {strides = array<i32>} : memref<10000xi32, #tpu.memory_space<vmem>>, vector<16xi32>,
      %swap3A_176 = vector.shape_cast %swap3A_175 : vector<16xi32> to vector<16xi32>
      %swap3A_177 = vector.shape_cast %add3A_161 : vector<16xi32> to vector<16xi32>
      tpu.vector_store %arg8[%swap3A_174], %swap3A_177 {strides = array<i32>} : memref<10000xi32, #tpu.memory_space<vmem>>, vector<16xi32>,
      %select_n3A_178 = arith.select %and3A_173, %add3A_52, %add3A_166 : vector<16xi1>, vector<16xi32>
      %swap3A_179 = arith.index_cast %scan3A_123 : i32 to index
      %swap3A_180 = arith.constant 16 : index
      %swap3A_181 = tpu.vector_load %arg10[%swap3A_179, %swap3A_180] {strides = array<i32>} : memref<125x80xi32, #tpu.memory_space<vmem>>, vector<1x16xi32>,
      %swap3A_182 = vector.shape_cast %swap3A_181 : vector<1x16xi32> to vector<16xi32>
      %swap3A_183 = vector.shape_cast %select_n3A_178 : vector<16xi32> to vector<1x16xi32>
      tpu.vector_store %arg10[%swap3A_179, %swap3A_180], %swap3A_183 {strides = array<i32>} : memref<125x80xi32, #tpu.memory_space<vmem>>, vector<1x16xi32>,
      %mul3A_184 = arith.constant 80 : i32
      %mul3A_185 = arith.muli %scan3A_123, %mul3A_184 : i32
      %add3A_186 = arith.constant 32 : i32
      %add3A_187 = arith.addi %mul3A_185, %add3A_186 : i32
      %get3A_188 = arith.index_cast %add3A_187 : i32 to index
      %get3A_189 = tpu.vector_load %arg8[%get3A_188] {strides = array<i32>} : memref<10000xi32, #tpu.memory_space<vmem>>, vector<16xi32>,
      %get3A_190 = vector.shape_cast %get3A_189 : vector<16xi32> to vector<16xi32>
      %add3A_191 = vector.broadcast %mul3A_49 : i32 to vector<16xi32>
      %add3A_192 = arith.addi %get3A_190, %add3A_191 : vector<16xi32>
      %get3A_193 = arith.index_cast %add3A_187 : i32 to index
      %get3A_194 = tpu.vector_load %arg9[%get3A_193] {strides = array<i32>} : memref<10000xi32, #tpu.memory_space<vmem>>, vector<16xi32>,
      %get3A_195 = vector.shape_cast %get3A_194 : vector<16xi32> to vector<16xi32>
      %add3A_196 = vector.broadcast %mul3A_49 : i32 to vector<16xi32>
      %add3A_197 = arith.addi %get3A_195, %add3A_196 : vector<16xi32>
      %eq3A_198 = arith.constant 0 : i32
      %eq3A_199 = vector.broadcast %eq3A_198 : i32 to vector<16xi32>
      %eq3A_200 = arith.cmpi eq, %add3A_192, %eq3A_199 : vector<16xi32>
      %eq3A_201 = arith.constant 0 : i32
      %eq3A_202 = vector.broadcast %eq3A_201 : i32 to vector<16xi32>
      %eq3A_203 = arith.cmpi eq, %add3A_197, %eq3A_202 : vector<16xi32>
      %and3A_204 = arith.andi %eq3A_200, %eq3A_203 : vector<16xi1>
      %swap3A_205 = arith.index_cast %add3A_187 : i32 to index
      %swap3A_206 = tpu.vector_load %arg8[%swap3A_205] {strides = array<i32>} : memref<10000xi32, #tpu.memory_space<vmem>>, vector<16xi32>,
      %swap3A_207 = vector.shape_cast %swap3A_206 : vector<16xi32> to vector<16xi32>
      %swap3A_208 = vector.shape_cast %add3A_192 : vector<16xi32> to vector<16xi32>
      tpu.vector_store %arg8[%swap3A_205], %swap3A_208 {strides = array<i32>} : memref<10000xi32, #tpu.memory_space<vmem>>, vector<16xi32>,
      %select_n3A_209 = arith.select %and3A_204, %add3A_52, %add3A_197 : vector<16xi1>, vector<16xi32>
      %swap3A_210 = arith.index_cast %scan3A_123 : i32 to index
      %swap3A_211 = arith.constant 32 : index
      %swap3A_212 = tpu.vector_load %arg10[%swap3A_210, %swap3A_211] {strides = array<i32>} : memref<125x80xi32, #tpu.memory_space<vmem>>, vector<1x16xi32>,
      %swap3A_213 = vector.shape_cast %swap3A_212 : vector<1x16xi32> to vector<16xi32>
      %swap3A_214 = vector.shape_cast %select_n3A_209 : vector<16xi32> to vector<1x16xi32>
      tpu.vector_store %arg10[%swap3A_210, %swap3A_211], %swap3A_214 {strides = array<i32>} : memref<125x80xi32, #tpu.memory_space<vmem>>, vector<1x16xi32>,
      %mul3A_215 = arith.constant 80 : i32
      %mul3A_216 = arith.muli %scan3A_123, %mul3A_215 : i32
      %add3A_217 = arith.constant 48 : i32
      %add3A_218 = arith.addi %mul3A_216, %add3A_217 : i32
      %get3A_219 = arith.index_cast %add3A_218 : i32 to index
      %get3A_220 = tpu.vector_load %arg8[%get3A_219] {strides = array<i32>} : memref<10000xi32, #tpu.memory_space<vmem>>, vector<16xi32>,
      %get3A_221 = vector.shape_cast %get3A_220 : vector<16xi32> to vector<16xi32>
      %add3A_222 = vector.broadcast %mul3A_49 : i32 to vector<16xi32>
      %add3A_223 = arith.addi %get3A_221, %add3A_222 : vector<16xi32>
      %get3A_224 = arith.index_cast %add3A_218 : i32 to index
      %get3A_225 = tpu.vector_load %arg9[%get3A_224] {strides = array<i32>} : memref<10000xi32, #tpu.memory_space<vmem>>, vector<16xi32>,
      %get3A_226 = vector.shape_cast %get3A_225 : vector<16xi32> to vector<16xi32>
      %add3A_227 = vector.broadcast %mul3A_49 : i32 to vector<16xi32>
      %add3A_228 = arith.addi %get3A_226, %add3A_227 : vector<16xi32>
      %eq3A_229 = arith.constant 0 : i32
      %eq3A_230 = vector.broadcast %eq3A_229 : i32 to vector<16xi32>
      %eq3A_231 = arith.cmpi eq, %add3A_223, %eq3A_230 : vector<16xi32>
      %eq3A_232 = arith.constant 0 : i32
      %eq3A_233 = vector.broadcast %eq3A_232 : i32 to vector<16xi32>
      %eq3A_234 = arith.cmpi eq, %add3A_228, %eq3A_233 : vector<16xi32>
      %and3A_235 = arith.andi %eq3A_231, %eq3A_234 : vector<16xi1>
      %swap3A_236 = arith.index_cast %add3A_218 : i32 to index
      %swap3A_237 = tpu.vector_load %arg8[%swap3A_236] {strides = array<i32>} : memref<10000xi32, #tpu.memory_space<vmem>>, vector<16xi32>,
      %swap3A_238 = vector.shape_cast %swap3A_237 : vector<16xi32> to vector<16xi32>
      %swap3A_239 = vector.shape_cast %add3A_223 : vector<16xi32> to vector<16xi32>
      tpu.vector_store %arg8[%swap3A_236], %swap3A_239 {strides = array<i32>} : memref<10000xi32, #tpu.memory_space<vmem>>, vector<16xi32>,
      %select_n3A_240 = arith.select %and3A_235, %add3A_52, %add3A_228 : vector<16xi1>, vector<16xi32>
      %swap3A_241 = arith.index_cast %scan3A_123 : i32 to index
      %swap3A_242 = arith.constant 48 : index
      %swap3A_243 = tpu.vector_load %arg10[%swap3A_241, %swap3A_242] {strides = array<i32>} : memref<125x80xi32, #tpu.memory_space<vmem>>, vector<1x16xi32>,
      %swap3A_244 = vector.shape_cast %swap3A_243 : vector<1x16xi32> to vector<16xi32>
      %swap3A_245 = vector.shape_cast %select_n3A_240 : vector<16xi32> to vector<1x16xi32>
      tpu.vector_store %arg10[%swap3A_241, %swap3A_242], %swap3A_245 {strides = array<i32>} : memref<125x80xi32, #tpu.memory_space<vmem>>, vector<1x16xi32>,
      %mul3A_246 = arith.constant 80 : i32
      %mul3A_247 = arith.muli %scan3A_123, %mul3A_246 : i32
      %add3A_248 = arith.constant 64 : i32
      %add3A_249 = arith.addi %mul3A_247, %add3A_248 : i32
      %get3A_250 = arith.index_cast %add3A_249 : i32 to index
      %get3A_251 = tpu.vector_load %arg8[%get3A_250] {strides = array<i32>} : memref<10000xi32, #tpu.memory_space<vmem>>, vector<16xi32>,
      %get3A_252 = vector.shape_cast %get3A_251 : vector<16xi32> to vector<16xi32>
      %add3A_253 = vector.broadcast %mul3A_49 : i32 to vector<16xi32>
      %add3A_254 = arith.addi %get3A_252, %add3A_253 : vector<16xi32>
      %get3A_255 = arith.index_cast %add3A_249 : i32 to index
      %get3A_256 = tpu.vector_load %arg9[%get3A_255] {strides = array<i32>} : memref<10000xi32, #tpu.memory_space<vmem>>, vector<16xi32>,
      %get3A_257 = vector.shape_cast %get3A_256 : vector<16xi32> to vector<16xi32>
      %add3A_258 = vector.broadcast %mul3A_49 : i32 to vector<16xi32>
      %add3A_259 = arith.addi %get3A_257, %add3A_258 : vector<16xi32>
      %eq3A_260 = arith.constant 0 : i32
      %eq3A_261 = vector.broadcast %eq3A_260 : i32 to vector<16xi32>
      %eq3A_262 = arith.cmpi eq, %add3A_254, %eq3A_261 : vector<16xi32>
      %eq3A_263 = arith.constant 0 : i32
      %eq3A_264 = vector.broadcast %eq3A_263 : i32 to vector<16xi32>
      %eq3A_265 = arith.cmpi eq, %add3A_259, %eq3A_264 : vector<16xi32>
      %and3A_266 = arith.andi %eq3A_262, %eq3A_265 : vector<16xi1>
      %swap3A_267 = arith.index_cast %add3A_249 : i32 to index
      %swap3A_268 = tpu.vector_load %arg8[%swap3A_267] {strides = array<i32>} : memref<10000xi32, #tpu.memory_space<vmem>>, vector<16xi32>,
      %swap3A_269 = vector.shape_cast %swap3A_268 : vector<16xi32> to vector<16xi32>
      %swap3A_270 = vector.shape_cast %add3A_254 : vector<16xi32> to vector<16xi32>
      tpu.vector_store %arg8[%swap3A_267], %swap3A_270 {strides = array<i32>} : memref<10000xi32, #tpu.memory_space<vmem>>, vector<16xi32>,
      %select_n3A_271 = arith.select %and3A_266, %add3A_52, %add3A_259 : vector<16xi1>, vector<16xi32>
      %swap3A_272 = arith.index_cast %scan3A_123 : i32 to index
      %swap3A_273 = arith.constant 64 : index
      %swap3A_274 = tpu.vector_load %arg10[%swap3A_272, %swap3A_273] {strides = array<i32>} : memref<125x80xi32, #tpu.memory_space<vmem>>, vector<1x16xi32>,
      %swap3A_275 = vector.shape_cast %swap3A_274 : vector<1x16xi32> to vector<16xi32>
      %swap3A_276 = vector.shape_cast %select_n3A_271 : vector<16xi32> to vector<1x16xi32>
      tpu.vector_store %arg10[%swap3A_272, %swap3A_273], %swap3A_276 {strides = array<i32>} : memref<125x80xi32, #tpu.memory_space<vmem>>, vector<1x16xi32>,
    }
    %scan3A_57 = arith.constant 125 : i32
    %dma_start3A_58 = arith.constant 0 : i32
    %dma_start3A_59 = arith.constant 0 : i32
    %dma_start3A_60 = tpu.memref_slice %arg7[%add3A, %dma_start3A_58, %dma_start3A_59] : memref<32x125x80xi32, #tpu.memory_space<hbm>> -> memref<1x125x80xi32, #tpu.memory_space<hbm>>
    %dma_start3A_61 = tpu.memref_squeeze %dma_start3A_60 : memref<1x125x80xi32, #tpu.memory_space<hbm>> -> memref<125x80xi32, #tpu.memory_space<hbm>>
    %dma_start3A_62 = arith.constant 0 : i32
    %dma_start3A_63 = arith.constant 0 : i32
    %dma_start3A_64 = tpu.memref_slice %arg7[%add3A, %dma_start3A_62, %dma_start3A_63] : memref<32x125x80xi32, #tpu.memory_space<hbm>> -> memref<1x125x80xi32, #tpu.memory_space<hbm>>
    %dma_start3A_65 = tpu.memref_squeeze %dma_start3A_64 : memref<1x125x80xi32, #tpu.memory_space<hbm>> -> memref<125x80xi32, #tpu.memory_space<hbm>>
    tpu.enqueue_dma source(%arg10 : memref<125x80xi32, #tpu.memory_space<vmem>>) target(%dma_start3A_65 : memref<125x80xi32, #tpu.memory_space<hbm>>) target_semaphore(%arg13 : memref<!tpu.dma_semaphore, #tpu.memory_space<semaphore_mem>>)
    %dma_start3A_66 = arith.constant 0 : i32
    %dma_start3A_67 = tpu.memref_slice %arg6[%add3A, %dma_start3A_66] : memref<32x10000xi32, #tpu.memory_space<hbm>> -> memref<1x10000xi32, #tpu.memory_space<hbm>>
    %dma_start3A_68 = tpu.memref_squeeze %dma_start3A_67 : memref<1x10000xi32, #tpu.memory_space<hbm>> -> memref<10000xi32, #tpu.memory_space<hbm>>
    %dma_start3A_69 = arith.constant 0 : i32
    %dma_start3A_70 = tpu.memref_slice %arg6[%add3A, %dma_start3A_69] : memref<32x10000xi32, #tpu.memory_space<hbm>> -> memref<1x10000xi32, #tpu.memory_space<hbm>>
    %dma_start3A_71 = tpu.memref_squeeze %dma_start3A_70 : memref<1x10000xi32, #tpu.memory_space<hbm>> -> memref<10000xi32, #tpu.memory_space<hbm>>
    tpu.enqueue_dma source(%arg8 : memref<10000xi32, #tpu.memory_space<vmem>>) target(%dma_start3A_71 : memref<10000xi32, #tpu.memory_space<hbm>>) target_semaphore(%arg13 : memref<!tpu.dma_semaphore, #tpu.memory_space<semaphore_mem>>)
    %barrier3A = arith.constant 0 : index
    tpu.barrier barrier_id(%barrier3A)
    %scan3A_72 = arith.constant 0 : i32
    %scan3A_73 = arith.constant 0 : i32
    %scan3A_74 = arith.constant 25 : i32
    %scan3A_75 = arith.addi %scan3A_73, %scan3A_74 : i32
    %scan3A_76 = arith.constant 1 : i32
    scf.for %scan3A_123 = %scan3A_73 to %scan3A_75 step %scan3A_76  : i32 {
      %mul3A_124 = arith.constant 5 : i32
      %mul3A_125 = arith.muli %scan3A_123, %mul3A_124 : i32
      %add3A_126 = arith.constant 0 : i32
      %add3A_127 = arith.addi %mul3A_125, %add3A_126 : i32
      %ge3A = arith.constant 5 : i32
      %ge3A_128 = arith.cmpi sge, %add3A_127, %ge3A : i32
      %convert_element_type3A = arith.extui %ge3A_128 : i1 to i32
      %cond3A = arith.constant 0 : i32
      %cond3A_129 = arith.cmpi ne, %convert_element_type3A, %cond3A : i32
      scf.if %cond3A_129 {
        %dma_wait3A_191 = arith.constant 0 : i32
        %dma_wait3A_192 = tpu.memref_slice %arg5[%arg0, %dma_wait3A_191] : memref<2x10240xf32, #tpu.memory_space<hbm>> -> memref<1x80xf32, #tpu.memory_space<hbm>>
        %dma_wait3A_193 = tpu.memref_squeeze %dma_wait3A_192 : memref<1x80xf32, #tpu.memory_space<hbm>> -> memref<80xf32, #tpu.memory_space<hbm>>
        %dma_wait3A_194 = arith.constant 0 : i32
        %dma_wait3A_195 = tpu.memref_slice %arg5[%arg0, %dma_wait3A_194] : memref<2x10240xf32, #tpu.memory_space<hbm>> -> memref<1x80xf32, #tpu.memory_space<hbm>>
        %dma_wait3A_196 = tpu.memref_squeeze %dma_wait3A_195 : memref<1x80xf32, #tpu.memory_space<hbm>> -> memref<80xf32, #tpu.memory_space<hbm>>
        tpu.wait_dma2 semaphore(%arg14 : memref<!tpu.dma_semaphore, #tpu.memory_space<semaphore_mem>>) src(%arg11 : memref<80xf32, #tpu.memory_space<vmem>>) dst(%dma_wait3A_196 : memref<80xf32, #tpu.memory_space<hbm>>)
      } else {
      }
      %dma_start3A_130 = arith.constant 0 : i32
      %dma_start3A_131 = tpu.memref_slice %arg10[%add3A_127, %dma_start3A_130] : memref<125x80xi32, #tpu.memory_space<vmem>> -> memref<1x80xi32, #tpu.memory_space<vmem>>
      %dma_start3A_132 = tpu.memref_squeeze %dma_start3A_131 : memref<1x80xi32, #tpu.memory_space<vmem>> -> memref<80xi32, #tpu.memory_space<vmem>>
      %dma_start3A_133 = arith.constant 0 : i32
      %dma_start3A_134 = tpu.memref_slice %arg12[%dma_start3A_133] : memref<10240xf32, #tpu.memory_space<vmem_shared>> -> memref<10240xf32, #tpu.memory_space<vmem_shared>>
      tpu.enqueue_indirect_dma source(%arg11 : memref<80xf32, #tpu.memory_space<vmem>>) target(%dma_start3A_134 : memref<10240xf32, #tpu.memory_space<vmem_shared>>) offsets(%dma_start3A_132 : memref<80xi32, #tpu.memory_space<vmem>>) semaphore(%arg14 : memref<!tpu.dma_semaphore, #tpu.memory_space<semaphore_mem>>) {add = true}
      %mul3A_135 = arith.constant 5 : i32
      %mul3A_136 = arith.muli %scan3A_123, %mul3A_135 : i32
      %add3A_137 = arith.constant 1 : i32
      %add3A_138 = arith.addi %mul3A_136, %add3A_137 : i32
      %ge3A_139 = arith.constant 5 : i32
      %ge3A_140 = arith.cmpi sge, %add3A_138, %ge3A_139 : i32
      %convert_element_type3A_141 = arith.extui %ge3A_140 : i1 to i32
      %cond3A_142 = arith.constant 0 : i32
      %cond3A_143 = arith.cmpi ne, %convert_element_type3A_141, %cond3A_142 : i32
      scf.if %cond3A_143 {
        %dma_wait3A_191 = arith.constant 0 : i32
        %dma_wait3A_192 = tpu.memref_slice %arg5[%arg0, %dma_wait3A_191] : memref<2x10240xf32, #tpu.memory_space<hbm>> -> memref<1x80xf32, #tpu.memory_space<hbm>>
        %dma_wait3A_193 = tpu.memref_squeeze %dma_wait3A_192 : memref<1x80xf32, #tpu.memory_space<hbm>> -> memref<80xf32, #tpu.memory_space<hbm>>
        %dma_wait3A_194 = arith.constant 0 : i32
        %dma_wait3A_195 = tpu.memref_slice %arg5[%arg0, %dma_wait3A_194] : memref<2x10240xf32, #tpu.memory_space<hbm>> -> memref<1x80xf32, #tpu.memory_space<hbm>>
        %dma_wait3A_196 = tpu.memref_squeeze %dma_wait3A_195 : memref<1x80xf32, #tpu.memory_space<hbm>> -> memref<80xf32, #tpu.memory_space<hbm>>
        tpu.wait_dma2 semaphore(%arg15 : memref<!tpu.dma_semaphore, #tpu.memory_space<semaphore_mem>>) src(%arg11 : memref<80xf32, #tpu.memory_space<vmem>>) dst(%dma_wait3A_196 : memref<80xf32, #tpu.memory_space<hbm>>)
      } else {
      }
      %dma_start3A_144 = arith.constant 0 : i32
      %dma_start3A_145 = tpu.memref_slice %arg10[%add3A_138, %dma_start3A_144] : memref<125x80xi32, #tpu.memory_space<vmem>> -> memref<1x80xi32, #tpu.memory_space<vmem>>
      %dma_start3A_146 = tpu.memref_squeeze %dma_start3A_145 : memref<1x80xi32, #tpu.memory_space<vmem>> -> memref<80xi32, #tpu.memory_space<vmem>>
      %dma_start3A_147 = arith.constant 0 : i32
      %dma_start3A_148 = tpu.memref_slice %arg12[%dma_start3A_147] : memref<10240xf32, #tpu.memory_space<vmem_shared>> -> memref<10240xf32, #tpu.memory_space<vmem_shared>>
      tpu.enqueue_indirect_dma source(%arg11 : memref<80xf32, #tpu.memory_space<vmem>>) target(%dma_start3A_148 : memref<10240xf32, #tpu.memory_space<vmem_shared>>) offsets(%dma_start3A_146 : memref<80xi32, #tpu.memory_space<vmem>>) semaphore(%arg15 : memref<!tpu.dma_semaphore, #tpu.memory_space<semaphore_mem>>) {add = true}
      %mul3A_149 = arith.constant 5 : i32
      %mul3A_150 = arith.muli %scan3A_123, %mul3A_149 : i32
      %add3A_151 = arith.constant 2 : i32
      %add3A_152 = arith.addi %mul3A_150, %add3A_151 : i32
      %ge3A_153 = arith.constant 5 : i32
      %ge3A_154 = arith.cmpi sge, %add3A_152, %ge3A_153 : i32
      %convert_element_type3A_155 = arith.extui %ge3A_154 : i1 to i32
      %cond3A_156 = arith.constant 0 : i32
      %cond3A_157 = arith.cmpi ne, %convert_element_type3A_155, %cond3A_156 : i32
      scf.if %cond3A_157 {
        %dma_wait3A_191 = arith.constant 0 : i32
        %dma_wait3A_192 = tpu.memref_slice %arg5[%arg0, %dma_wait3A_191] : memref<2x10240xf32, #tpu.memory_space<hbm>> -> memref<1x80xf32, #tpu.memory_space<hbm>>
        %dma_wait3A_193 = tpu.memref_squeeze %dma_wait3A_192 : memref<1x80xf32, #tpu.memory_space<hbm>> -> memref<80xf32, #tpu.memory_space<hbm>>
        %dma_wait3A_194 = arith.constant 0 : i32
        %dma_wait3A_195 = tpu.memref_slice %arg5[%arg0, %dma_wait3A_194] : memref<2x10240xf32, #tpu.memory_space<hbm>> -> memref<1x80xf32, #tpu.memory_space<hbm>>
        %dma_wait3A_196 = tpu.memref_squeeze %dma_wait3A_195 : memref<1x80xf32, #tpu.memory_space<hbm>> -> memref<80xf32, #tpu.memory_space<hbm>>
        tpu.wait_dma2 semaphore(%arg16 : memref<!tpu.dma_semaphore, #tpu.memory_space<semaphore_mem>>) src(%arg11 : memref<80xf32, #tpu.memory_space<vmem>>) dst(%dma_wait3A_196 : memref<80xf32, #tpu.memory_space<hbm>>)
      } else {
      }
      %dma_start3A_158 = arith.constant 0 : i32
      %dma_start3A_159 = tpu.memref_slice %arg10[%add3A_152, %dma_start3A_158] : memref<125x80xi32, #tpu.memory_space<vmem>> -> memref<1x80xi32, #tpu.memory_space<vmem>>
      %dma_start3A_160 = tpu.memref_squeeze %dma_start3A_159 : memref<1x80xi32, #tpu.memory_space<vmem>> -> memref<80xi32, #tpu.memory_space<vmem>>
      %dma_start3A_161 = arith.constant 0 : i32
      %dma_start3A_162 = tpu.memref_slice %arg12[%dma_start3A_161] : memref<10240xf32, #tpu.memory_space<vmem_shared>> -> memref<10240xf32, #tpu.memory_space<vmem_shared>>
      tpu.enqueue_indirect_dma source(%arg11 : memref<80xf32, #tpu.memory_space<vmem>>) target(%dma_start3A_162 : memref<10240xf32, #tpu.memory_space<vmem_shared>>) offsets(%dma_start3A_160 : memref<80xi32, #tpu.memory_space<vmem>>) semaphore(%arg16 : memref<!tpu.dma_semaphore, #tpu.memory_space<semaphore_mem>>) {add = true}
      %mul3A_163 = arith.constant 5 : i32
      %mul3A_164 = arith.muli %scan3A_123, %mul3A_163 : i32
      %add3A_165 = arith.constant 3 : i32
      %add3A_166 = arith.addi %mul3A_164, %add3A_165 : i32
      %ge3A_167 = arith.constant 5 : i32
      %ge3A_168 = arith.cmpi sge, %add3A_166, %ge3A_167 : i32
      %convert_element_type3A_169 = arith.extui %ge3A_168 : i1 to i32
      %cond3A_170 = arith.constant 0 : i32
      %cond3A_171 = arith.cmpi ne, %convert_element_type3A_169, %cond3A_170 : i32
      scf.if %cond3A_171 {
        %dma_wait3A_191 = arith.constant 0 : i32
        %dma_wait3A_192 = tpu.memref_slice %arg5[%arg0, %dma_wait3A_191] : memref<2x10240xf32, #tpu.memory_space<hbm>> -> memref<1x80xf32, #tpu.memory_space<hbm>>
        %dma_wait3A_193 = tpu.memref_squeeze %dma_wait3A_192 : memref<1x80xf32, #tpu.memory_space<hbm>> -> memref<80xf32, #tpu.memory_space<hbm>>
        %dma_wait3A_194 = arith.constant 0 : i32
        %dma_wait3A_195 = tpu.memref_slice %arg5[%arg0, %dma_wait3A_194] : memref<2x10240xf32, #tpu.memory_space<hbm>> -> memref<1x80xf32, #tpu.memory_space<hbm>>
        %dma_wait3A_196 = tpu.memref_squeeze %dma_wait3A_195 : memref<1x80xf32, #tpu.memory_space<hbm>> -> memref<80xf32, #tpu.memory_space<hbm>>
        tpu.wait_dma2 semaphore(%arg17 : memref<!tpu.dma_semaphore, #tpu.memory_space<semaphore_mem>>) src(%arg11 : memref<80xf32, #tpu.memory_space<vmem>>) dst(%dma_wait3A_196 : memref<80xf32, #tpu.memory_space<hbm>>)
      } else {
      }
      %dma_start3A_172 = arith.constant 0 : i32
      %dma_start3A_173 = tpu.memref_slice %arg10[%add3A_166, %dma_start3A_172] : memref<125x80xi32, #tpu.memory_space<vmem>> -> memref<1x80xi32, #tpu.memory_space<vmem>>
      %dma_start3A_174 = tpu.memref_squeeze %dma_start3A_173 : memref<1x80xi32, #tpu.memory_space<vmem>> -> memref<80xi32, #tpu.memory_space<vmem>>
      %dma_start3A_175 = arith.constant 0 : i32
      %dma_start3A_176 = tpu.memref_slice %arg12[%dma_start3A_175] : memref<10240xf32, #tpu.memory_space<vmem_shared>> -> memref<10240xf32, #tpu.memory_space<vmem_shared>>
      tpu.enqueue_indirect_dma source(%arg11 : memref<80xf32, #tpu.memory_space<vmem>>) target(%dma_start3A_176 : memref<10240xf32, #tpu.memory_space<vmem_shared>>) offsets(%dma_start3A_174 : memref<80xi32, #tpu.memory_space<vmem>>) semaphore(%arg17 : memref<!tpu.dma_semaphore, #tpu.memory_space<semaphore_mem>>) {add = true}
      %mul3A_177 = arith.constant 5 : i32
      %mul3A_178 = arith.muli %scan3A_123, %mul3A_177 : i32
      %add3A_179 = arith.constant 4 : i32
      %add3A_180 = arith.addi %mul3A_178, %add3A_179 : i32
      %ge3A_181 = arith.constant 5 : i32
      %ge3A_182 = arith.cmpi sge, %add3A_180, %ge3A_181 : i32
      %convert_element_type3A_183 = arith.extui %ge3A_182 : i1 to i32
      %cond3A_184 = arith.constant 0 : i32
      %cond3A_185 = arith.cmpi ne, %convert_element_type3A_183, %cond3A_184 : i32
      scf.if %cond3A_185 {
        %dma_wait3A_191 = arith.constant 0 : i32
        %dma_wait3A_192 = tpu.memref_slice %arg5[%arg0, %dma_wait3A_191] : memref<2x10240xf32, #tpu.memory_space<hbm>> -> memref<1x80xf32, #tpu.memory_space<hbm>>
        %dma_wait3A_193 = tpu.memref_squeeze %dma_wait3A_192 : memref<1x80xf32, #tpu.memory_space<hbm>> -> memref<80xf32, #tpu.memory_space<hbm>>
        %dma_wait3A_194 = arith.constant 0 : i32
        %dma_wait3A_195 = tpu.memref_slice %arg5[%arg0, %dma_wait3A_194] : memref<2x10240xf32, #tpu.memory_space<hbm>> -> memref<1x80xf32, #tpu.memory_space<hbm>>
        %dma_wait3A_196 = tpu.memref_squeeze %dma_wait3A_195 : memref<1x80xf32, #tpu.memory_space<hbm>> -> memref<80xf32, #tpu.memory_space<hbm>>
        tpu.wait_dma2 semaphore(%arg18 : memref<!tpu.dma_semaphore, #tpu.memory_space<semaphore_mem>>) src(%arg11 : memref<80xf32, #tpu.memory_space<vmem>>) dst(%dma_wait3A_196 : memref<80xf32, #tpu.memory_space<hbm>>)
      } else {
      }
      %dma_start3A_186 = arith.constant 0 : i32
      %dma_start3A_187 = tpu.memref_slice %arg10[%add3A_180, %dma_start3A_186] : memref<125x80xi32, #tpu.memory_space<vmem>> -> memref<1x80xi32, #tpu.memory_space<vmem>>
      %dma_start3A_188 = tpu.memref_squeeze %dma_start3A_187 : memref<1x80xi32, #tpu.memory_space<vmem>> -> memref<80xi32, #tpu.memory_space<vmem>>
      %dma_start3A_189 = arith.constant 0 : i32
      %dma_start3A_190 = tpu.memref_slice %arg12[%dma_start3A_189] : memref<10240xf32, #tpu.memory_space<vmem_shared>> -> memref<10240xf32, #tpu.memory_space<vmem_shared>>
      tpu.enqueue_indirect_dma source(%arg11 : memref<80xf32, #tpu.memory_space<vmem>>) target(%dma_start3A_190 : memref<10240xf32, #tpu.memory_space<vmem_shared>>) offsets(%dma_start3A_188 : memref<80xi32, #tpu.memory_space<vmem>>) semaphore(%arg18 : memref<!tpu.dma_semaphore, #tpu.memory_space<semaphore_mem>>) {add = true}
    }
    %scan3A_77 = arith.constant 25 : i32
    %dma_wait3A_78 = arith.constant 0 : i32
    %dma_wait3A_79 = tpu.memref_slice %arg5[%arg0, %dma_wait3A_78] : memref<2x10240xf32, #tpu.memory_space<hbm>> -> memref<1x80xf32, #tpu.memory_space<hbm>>
    %dma_wait3A_80 = tpu.memref_squeeze %dma_wait3A_79 : memref<1x80xf32, #tpu.memory_space<hbm>> -> memref<80xf32, #tpu.memory_space<hbm>>
    %dma_wait3A_81 = arith.constant 0 : i32
    %dma_wait3A_82 = tpu.memref_slice %arg5[%arg0, %dma_wait3A_81] : memref<2x10240xf32, #tpu.memory_space<hbm>> -> memref<1x80xf32, #tpu.memory_space<hbm>>
    %dma_wait3A_83 = tpu.memref_squeeze %dma_wait3A_82 : memref<1x80xf32, #tpu.memory_space<hbm>> -> memref<80xf32, #tpu.memory_space<hbm>>
    tpu.wait_dma2 semaphore(%arg14 : memref<!tpu.dma_semaphore, #tpu.memory_space<semaphore_mem>>) src(%arg11 : memref<80xf32, #tpu.memory_space<vmem>>) dst(%dma_wait3A_83 : memref<80xf32, #tpu.memory_space<hbm>>)
    %dma_wait3A_84 = arith.constant 0 : i32
    %dma_wait3A_85 = tpu.memref_slice %arg5[%arg0, %dma_wait3A_84] : memref<2x10240xf32, #tpu.memory_space<hbm>> -> memref<1x80xf32, #tpu.memory_space<hbm>>
    %dma_wait3A_86 = tpu.memref_squeeze %dma_wait3A_85 : memref<1x80xf32, #tpu.memory_space<hbm>> -> memref<80xf32, #tpu.memory_space<hbm>>
    %dma_wait3A_87 = arith.constant 0 : i32
    %dma_wait3A_88 = tpu.memref_slice %arg5[%arg0, %dma_wait3A_87] : memref<2x10240xf32, #tpu.memory_space<hbm>> -> memref<1x80xf32, #tpu.memory_space<hbm>>
    %dma_wait3A_89 = tpu.memref_squeeze %dma_wait3A_88 : memref<1x80xf32, #tpu.memory_space<hbm>> -> memref<80xf32, #tpu.memory_space<hbm>>
    tpu.wait_dma2 semaphore(%arg15 : memref<!tpu.dma_semaphore, #tpu.memory_space<semaphore_mem>>) src(%arg11 : memref<80xf32, #tpu.memory_space<vmem>>) dst(%dma_wait3A_89 : memref<80xf32, #tpu.memory_space<hbm>>)
    %dma_wait3A_90 = arith.constant 0 : i32
    %dma_wait3A_91 = tpu.memref_slice %arg5[%arg0, %dma_wait3A_90] : memref<2x10240xf32, #tpu.memory_space<hbm>> -> memref<1x80xf32, #tpu.memory_space<hbm>>
    %dma_wait3A_92 = tpu.memref_squeeze %dma_wait3A_91 : memref<1x80xf32, #tpu.memory_space<hbm>> -> memref<80xf32, #tpu.memory_space<hbm>>
    %dma_wait3A_93 = arith.constant 0 : i32
    %dma_wait3A_94 = tpu.memref_slice %arg5[%arg0, %dma_wait3A_93] : memref<2x10240xf32, #tpu.memory_space<hbm>> -> memref<1x80xf32, #tpu.memory_space<hbm>>
    %dma_wait3A_95 = tpu.memref_squeeze %dma_wait3A_94 : memref<1x80xf32, #tpu.memory_space<hbm>> -> memref<80xf32, #tpu.memory_space<hbm>>
    tpu.wait_dma2 semaphore(%arg16 : memref<!tpu.dma_semaphore, #tpu.memory_space<semaphore_mem>>) src(%arg11 : memref<80xf32, #tpu.memory_space<vmem>>) dst(%dma_wait3A_95 : memref<80xf32, #tpu.memory_space<hbm>>)
    %dma_wait3A_96 = arith.constant 0 : i32
    %dma_wait3A_97 = tpu.memref_slice %arg5[%arg0, %dma_wait3A_96] : memref<2x10240xf32, #tpu.memory_space<hbm>> -> memref<1x80xf32, #tpu.memory_space<hbm>>
    %dma_wait3A_98 = tpu.memref_squeeze %dma_wait3A_97 : memref<1x80xf32, #tpu.memory_space<hbm>> -> memref<80xf32, #tpu.memory_space<hbm>>
    %dma_wait3A_99 = arith.constant 0 : i32
    %dma_wait3A_100 = tpu.memref_slice %arg5[%arg0, %dma_wait3A_99] : memref<2x10240xf32, #tpu.memory_space<hbm>> -> memref<1x80xf32, #tpu.memory_space<hbm>>
    %dma_wait3A_101 = tpu.memref_squeeze %dma_wait3A_100 : memref<1x80xf32, #tpu.memory_space<hbm>> -> memref<80xf32, #tpu.memory_space<hbm>>
    tpu.wait_dma2 semaphore(%arg17 : memref<!tpu.dma_semaphore, #tpu.memory_space<semaphore_mem>>) src(%arg11 : memref<80xf32, #tpu.memory_space<vmem>>) dst(%dma_wait3A_101 : memref<80xf32, #tpu.memory_space<hbm>>)
    %dma_wait3A_102 = arith.constant 0 : i32
    %dma_wait3A_103 = tpu.memref_slice %arg5[%arg0, %dma_wait3A_102] : memref<2x10240xf32, #tpu.memory_space<hbm>> -> memref<1x80xf32, #tpu.memory_space<hbm>>
    %dma_wait3A_104 = tpu.memref_squeeze %dma_wait3A_103 : memref<1x80xf32, #tpu.memory_space<hbm>> -> memref<80xf32, #tpu.memory_space<hbm>>
    %dma_wait3A_105 = arith.constant 0 : i32
    %dma_wait3A_106 = tpu.memref_slice %arg5[%arg0, %dma_wait3A_105] : memref<2x10240xf32, #tpu.memory_space<hbm>> -> memref<1x80xf32, #tpu.memory_space<hbm>>
    %dma_wait3A_107 = tpu.memref_squeeze %dma_wait3A_106 : memref<1x80xf32, #tpu.memory_space<hbm>> -> memref<80xf32, #tpu.memory_space<hbm>>
    tpu.wait_dma2 semaphore(%arg18 : memref<!tpu.dma_semaphore, #tpu.memory_space<semaphore_mem>>) src(%arg11 : memref<80xf32, #tpu.memory_space<vmem>>) dst(%dma_wait3A_107 : memref<80xf32, #tpu.memory_space<hbm>>)
    %dma_wait3A_108 = arith.constant 0 : i32
    %dma_wait3A_109 = arith.constant 0 : i32
    %dma_wait3A_110 = tpu.memref_slice %arg7[%add3A, %dma_wait3A_108, %dma_wait3A_109] : memref<32x125x80xi32, #tpu.memory_space<hbm>> -> memref<1x125x80xi32, #tpu.memory_space<hbm>>
    %dma_wait3A_111 = tpu.memref_squeeze %dma_wait3A_110 : memref<1x125x80xi32, #tpu.memory_space<hbm>> -> memref<125x80xi32, #tpu.memory_space<hbm>>
    %dma_wait3A_112 = arith.constant 0 : i32
    %dma_wait3A_113 = arith.constant 0 : i32
    %dma_wait3A_114 = tpu.memref_slice %arg7[%add3A, %dma_wait3A_112, %dma_wait3A_113] : memref<32x125x80xi32, #tpu.memory_space<hbm>> -> memref<1x125x80xi32, #tpu.memory_space<hbm>>
    %dma_wait3A_115 = tpu.memref_squeeze %dma_wait3A_114 : memref<1x125x80xi32, #tpu.memory_space<hbm>> -> memref<125x80xi32, #tpu.memory_space<hbm>>
    tpu.wait_dma2 semaphore(%arg13 : memref<!tpu.dma_semaphore, #tpu.memory_space<semaphore_mem>>) src(%arg10 : memref<125x80xi32, #tpu.memory_space<vmem>>) dst(%dma_wait3A_115 : memref<125x80xi32, #tpu.memory_space<hbm>>)
    %dma_wait3A_116 = arith.constant 0 : i32
    %dma_wait3A_117 = tpu.memref_slice %arg6[%add3A, %dma_wait3A_116] : memref<32x10000xi32, #tpu.memory_space<hbm>> -> memref<1x10000xi32, #tpu.memory_space<hbm>>
    %dma_wait3A_118 = tpu.memref_squeeze %dma_wait3A_117 : memref<1x10000xi32, #tpu.memory_space<hbm>> -> memref<10000xi32, #tpu.memory_space<hbm>>
    %dma_wait3A_119 = arith.constant 0 : i32
    %dma_wait3A_120 = tpu.memref_slice %arg6[%add3A, %dma_wait3A_119] : memref<32x10000xi32, #tpu.memory_space<hbm>> -> memref<1x10000xi32, #tpu.memory_space<hbm>>
    %dma_wait3A_121 = tpu.memref_squeeze %dma_wait3A_120 : memref<1x10000xi32, #tpu.memory_space<hbm>> -> memref<10000xi32, #tpu.memory_space<hbm>>
    tpu.wait_dma2 semaphore(%arg13 : memref<!tpu.dma_semaphore, #tpu.memory_space<semaphore_mem>>) src(%arg8 : memref<10000xi32, #tpu.memory_space<vmem>>) dst(%dma_wait3A_121 : memref<10000xi32, #tpu.memory_space<hbm>>)
    %barrier3A_122 = arith.constant 0 : index
    tpu.barrier barrier_id(%barrier3A_122)
    "tpu.region"() ({
      %run_scoped3A = tpu.sem_alloc : memref<!tpu.dma_semaphore, #tpu.memory_space<semaphore_mem>>
      %dma_start3A_123 = tpu.memref_slice %arg5[%arg0, %mul3A_44] : memref<2x10240xf32, #tpu.memory_space<hbm>> -> memref<1x640xf32, #tpu.memory_space<hbm>>
      %dma_start3A_124 = tpu.memref_squeeze %dma_start3A_123 : memref<1x640xf32, #tpu.memory_space<hbm>> -> memref<640xf32, #tpu.memory_space<hbm>>
      %dma_start3A_125 = tpu.memref_slice %arg12[%mul3A_44] : memref<10240xf32, #tpu.memory_space<vmem_shared>> -> memref<640xf32, #tpu.memory_space<vmem_shared>>
      tpu.enqueue_dma source(%dma_start3A_125 : memref<640xf32, #tpu.memory_space<vmem_shared>>) target(%dma_start3A_124 : memref<640xf32, #tpu.memory_space<hbm>>) target_semaphore(%run_scoped3A : memref<!tpu.dma_semaphore, #tpu.memory_space<semaphore_mem>>)
      %dma_wait3A_126 = tpu.memref_slice %arg5[%arg0, %mul3A_44] : memref<2x10240xf32, #tpu.memory_space<hbm>> -> memref<1x640xf32, #tpu.memory_space<hbm>>
      %dma_wait3A_127 = tpu.memref_squeeze %dma_wait3A_126 : memref<1x640xf32, #tpu.memory_space<hbm>> -> memref<640xf32, #tpu.memory_space<hbm>>
      %dma_wait3A_128 = tpu.memref_slice %arg12[%mul3A_44] : memref<10240xf32, #tpu.memory_space<vmem_shared>> -> memref<640xf32, #tpu.memory_space<vmem_shared>>
      tpu.wait_dma2 semaphore(%run_scoped3A : memref<!tpu.dma_semaphore, #tpu.memory_space<semaphore_mem>>) src(%dma_wait3A_128 : memref<640xf32, #tpu.memory_space<vmem_shared>>) dst(%dma_wait3A_127 : memref<640xf32, #tpu.memory_space<hbm>>)
      tpu.yield
    }) : () -> ()
    return
  }
}

#map = affine_map<(d0, d1) -> (0, 0)>
#map1 = affine_map<(d0, d1) -> (0, 0, 0)>
module attributes {stable_mosaic.version = 14 : i64} {
  func.func @_sc_msg_body(%arg0: i32, %arg1: i32, %arg2: memref<10240x128xf32, #tpu.memory_space<hbm>>, %arg3: memref<32x10000xi32, #tpu.memory_space<hbm>>, %arg4: memref<32x125x80xi32, #tpu.memory_space<hbm>>, %arg5: memref<2x10240x128xf32, #tpu.memory_space<hbm>>, %arg6: memref<10000xi32, #tpu.memory_space<vmem>>, %arg7: memref<125x80xi32, #tpu.memory_space<vmem>>, %arg8: memref<10240x128xf32, #tpu.memory_space<vmem_shared>>, %arg9: memref<2x80x128xf32, #tpu.memory_space<vmem>>, %arg10: memref<!tpu.dma_semaphore, #tpu.memory_space<semaphore_mem>>, %arg11: memref<!tpu.dma_semaphore, #tpu.memory_space<semaphore_mem>>, %arg12: memref<!tpu.dma_semaphore, #tpu.memory_space<semaphore_mem>>, %arg13: memref<!tpu.dma_semaphore, #tpu.memory_space<semaphore_mem>>) attributes {dimension_semantics = [#tpu.dimension_semantics<core_parallel>, #tpu.dimension_semantics<subcore_parallel>], iteration_bounds = array<i64: 2, 16>, scalar_prefetch = 0 : i64, scratch_operands = 8 : i64, tpu.core_type = #tpu.core_type<sc_vector_subcore>, window_params = [{transform_indices = #map}, {transform_indices = #map}, {transform_indices = #map1}, {transform_indices = #map1}]} {
    %mul3A = arith.constant 16 : i32
    %mul3A_0 = arith.muli %arg0, %mul3A : i32
    %add3A = arith.addi %mul3A_0, %arg1 : i32
    %mul3A_1 = arith.constant 640 : i32
    %mul3A_2 = arith.muli %arg1, %mul3A_1 : i32
    %dma_start3A = arith.constant 0 : i32
    %dma_start3A_3 = tpu.memref_slice %arg3[%add3A, %dma_start3A] : memref<32x10000xi32, #tpu.memory_space<hbm>> -> memref<1x10000xi32, #tpu.memory_space<hbm>>
    %dma_start3A_4 = tpu.memref_squeeze %dma_start3A_3 : memref<1x10000xi32, #tpu.memory_space<hbm>> -> memref<10000xi32, #tpu.memory_space<hbm>>
    %dma_start3A_5 = arith.constant 0 : i32
    %dma_start3A_6 = tpu.memref_slice %arg3[%add3A, %dma_start3A_5] : memref<32x10000xi32, #tpu.memory_space<hbm>> -> memref<1x10000xi32, #tpu.memory_space<hbm>>
    %dma_start3A_7 = tpu.memref_squeeze %dma_start3A_6 : memref<1x10000xi32, #tpu.memory_space<hbm>> -> memref<10000xi32, #tpu.memory_space<hbm>>
    tpu.enqueue_dma source(%dma_start3A_7 : memref<10000xi32, #tpu.memory_space<hbm>>) target(%arg6 : memref<10000xi32, #tpu.memory_space<vmem>>) target_semaphore(%arg10 : memref<!tpu.dma_semaphore, #tpu.memory_space<semaphore_mem>>)
    %dma_start3A_8 = arith.constant 0 : i32
    %dma_start3A_9 = arith.constant 0 : i32
    %dma_start3A_10 = tpu.memref_slice %arg4[%add3A, %dma_start3A_8, %dma_start3A_9] : memref<32x125x80xi32, #tpu.memory_space<hbm>> -> memref<1x125x80xi32, #tpu.memory_space<hbm>>
    %dma_start3A_11 = tpu.memref_squeeze %dma_start3A_10 : memref<1x125x80xi32, #tpu.memory_space<hbm>> -> memref<125x80xi32, #tpu.memory_space<hbm>>
    %dma_start3A_12 = arith.constant 0 : i32
    %dma_start3A_13 = arith.constant 0 : i32
    %dma_start3A_14 = tpu.memref_slice %arg4[%add3A, %dma_start3A_12, %dma_start3A_13] : memref<32x125x80xi32, #tpu.memory_space<hbm>> -> memref<1x125x80xi32, #tpu.memory_space<hbm>>
    %dma_start3A_15 = tpu.memref_squeeze %dma_start3A_14 : memref<1x125x80xi32, #tpu.memory_space<hbm>> -> memref<125x80xi32, #tpu.memory_space<hbm>>
    tpu.enqueue_dma source(%dma_start3A_15 : memref<125x80xi32, #tpu.memory_space<hbm>>) target(%arg7 : memref<125x80xi32, #tpu.memory_space<vmem>>) target_semaphore(%arg10 : memref<!tpu.dma_semaphore, #tpu.memory_space<semaphore_mem>>)
    %eq3A = arith.constant 0 : i32
    %eq3A_16 = arith.cmpi eq, %arg0, %eq3A : i32
    %convert_element_type3A = arith.extui %eq3A_16 : i1 to i32
    %cond3A = arith.constant 0 : i32
    %cond3A_17 = arith.cmpi ne, %convert_element_type3A, %cond3A : i32
    scf.if %cond3A_17 {
      %dma_start3A_113 = arith.constant 0 : i32
      %dma_start3A_114 = tpu.memref_slice %arg8[%mul3A_2, %dma_start3A_113] : memref<10240x128xf32, #tpu.memory_space<vmem_shared>> -> memref<640x128xf32, #tpu.memory_space<vmem_shared>>
      %dma_start3A_115 = arith.constant 0 : i32
      %dma_start3A_116 = tpu.memref_slice %arg2[%mul3A_2, %dma_start3A_115] : memref<10240x128xf32, #tpu.memory_space<hbm>> -> memref<640x128xf32, #tpu.memory_space<hbm>>
      tpu.enqueue_dma source(%dma_start3A_116 : memref<640x128xf32, #tpu.memory_space<hbm>>) target(%dma_start3A_114 : memref<640x128xf32, #tpu.memory_space<vmem_shared>>) target_semaphore(%arg13 : memref<!tpu.dma_semaphore, #tpu.memory_space<semaphore_mem>>)
    } else {
    }
    %eq3A_18 = arith.constant 1 : i32
    %eq3A_19 = arith.cmpi eq, %arg0, %eq3A_18 : i32
    %convert_element_type3A_20 = arith.extui %eq3A_19 : i1 to i32
    %cond3A_21 = arith.constant 0 : i32
    %cond3A_22 = arith.cmpi ne, %convert_element_type3A_20, %cond3A_21 : i32
    scf.if %cond3A_22 {
      %broadcast_in_dim3A = arith.constant 0.000000e+00 : f32
      %broadcast_in_dim3A_113 = vector.broadcast %broadcast_in_dim3A : f32 to vector<16xf32>
      %scan3A_114 = arith.constant 0 : i32
      %scan3A_115 = arith.constant 0 : i32
      %scan3A_116 = arith.constant 80 : i32
      %scan3A_117 = arith.addi %scan3A_115, %scan3A_116 : i32
      %scan3A_118 = arith.constant 1 : i32
      scf.for %scan3A_143 = %scan3A_115 to %scan3A_117 step %scan3A_118  : i32 {
        %swap3A = arith.constant 1 : i32
        %swap3A_144 = arith.index_cast %swap3A : i32 to index
        %swap3A_145 = arith.index_cast %scan3A_143 : i32 to index
        %swap3A_146 = arith.constant 0 : index
        %swap3A_147 = tpu.vector_load %arg9[%swap3A_144, %swap3A_145, %swap3A_146] {strides = array<i32>} : memref<2x80x128xf32, #tpu.memory_space<vmem>>, vector<1x1x16xf32>,
        %swap3A_148 = vector.shape_cast %swap3A_147 : vector<1x1x16xf32> to vector<16xf32>
        %swap3A_149 = vector.shape_cast %broadcast_in_dim3A_113 : vector<16xf32> to vector<1x1x16xf32>
        tpu.vector_store %arg9[%swap3A_144, %swap3A_145, %swap3A_146], %swap3A_149 {strides = array<i32>} : memref<2x80x128xf32, #tpu.memory_space<vmem>>, vector<1x1x16xf32>,
        %swap3A_150 = arith.constant 1 : i32
        %swap3A_151 = arith.index_cast %swap3A_150 : i32 to index
        %swap3A_152 = arith.index_cast %scan3A_143 : i32 to index
        %swap3A_153 = arith.constant 16 : index
        %swap3A_154 = tpu.vector_load %arg9[%swap3A_151, %swap3A_152, %swap3A_153] {strides = array<i32>} : memref<2x80x128xf32, #tpu.memory_space<vmem>>, vector<1x1x16xf32>,
        %swap3A_155 = vector.shape_cast %swap3A_154 : vector<1x1x16xf32> to vector<16xf32>
        %swap3A_156 = vector.shape_cast %broadcast_in_dim3A_113 : vector<16xf32> to vector<1x1x16xf32>
        tpu.vector_store %arg9[%swap3A_151, %swap3A_152, %swap3A_153], %swap3A_156 {strides = array<i32>} : memref<2x80x128xf32, #tpu.memory_space<vmem>>, vector<1x1x16xf32>,
        %swap3A_157 = arith.constant 1 : i32
        %swap3A_158 = arith.index_cast %swap3A_157 : i32 to index
        %swap3A_159 = arith.index_cast %scan3A_143 : i32 to index
        %swap3A_160 = arith.constant 32 : index
        %swap3A_161 = tpu.vector_load %arg9[%swap3A_158, %swap3A_159, %swap3A_160] {strides = array<i32>} : memref<2x80x128xf32, #tpu.memory_space<vmem>>, vector<1x1x16xf32>,
        %swap3A_162 = vector.shape_cast %swap3A_161 : vector<1x1x16xf32> to vector<16xf32>
        %swap3A_163 = vector.shape_cast %broadcast_in_dim3A_113 : vector<16xf32> to vector<1x1x16xf32>
        tpu.vector_store %arg9[%swap3A_158, %swap3A_159, %swap3A_160], %swap3A_163 {strides = array<i32>} : memref<2x80x128xf32, #tpu.memory_space<vmem>>, vector<1x1x16xf32>,
        %swap3A_164 = arith.constant 1 : i32
        %swap3A_165 = arith.index_cast %swap3A_164 : i32 to index
        %swap3A_166 = arith.index_cast %scan3A_143 : i32 to index
        %swap3A_167 = arith.constant 48 : index
        %swap3A_168 = tpu.vector_load %arg9[%swap3A_165, %swap3A_166, %swap3A_167] {strides = array<i32>} : memref<2x80x128xf32, #tpu.memory_space<vmem>>, vector<1x1x16xf32>,
        %swap3A_169 = vector.shape_cast %swap3A_168 : vector<1x1x16xf32> to vector<16xf32>
        %swap3A_170 = vector.shape_cast %broadcast_in_dim3A_113 : vector<16xf32> to vector<1x1x16xf32>
        tpu.vector_store %arg9[%swap3A_165, %swap3A_166, %swap3A_167], %swap3A_170 {strides = array<i32>} : memref<2x80x128xf32, #tpu.memory_space<vmem>>, vector<1x1x16xf32>,
        %swap3A_171 = arith.constant 1 : i32
        %swap3A_172 = arith.index_cast %swap3A_171 : i32 to index
        %swap3A_173 = arith.index_cast %scan3A_143 : i32 to index
        %swap3A_174 = arith.constant 64 : index
        %swap3A_175 = tpu.vector_load %arg9[%swap3A_172, %swap3A_173, %swap3A_174] {strides = array<i32>} : memref<2x80x128xf32, #tpu.memory_space<vmem>>, vector<1x1x16xf32>,
        %swap3A_176 = vector.shape_cast %swap3A_175 : vector<1x1x16xf32> to vector<16xf32>
        %swap3A_177 = vector.shape_cast %broadcast_in_dim3A_113 : vector<16xf32> to vector<1x1x16xf32>
        tpu.vector_store %arg9[%swap3A_172, %swap3A_173, %swap3A_174], %swap3A_177 {strides = array<i32>} : memref<2x80x128xf32, #tpu.memory_space<vmem>>, vector<1x1x16xf32>,
        %swap3A_178 = arith.constant 1 : i32
        %swap3A_179 = arith.index_cast %swap3A_178 : i32 to index
        %swap3A_180 = arith.index_cast %scan3A_143 : i32 to index
        %swap3A_181 = arith.constant 80 : index
        %swap3A_182 = tpu.vector_load %arg9[%swap3A_179, %swap3A_180, %swap3A_181] {strides = array<i32>} : memref<2x80x128xf32, #tpu.memory_space<vmem>>, vector<1x1x16xf32>,
        %swap3A_183 = vector.shape_cast %swap3A_182 : vector<1x1x16xf32> to vector<16xf32>
        %swap3A_184 = vector.shape_cast %broadcast_in_dim3A_113 : vector<16xf32> to vector<1x1x16xf32>
        tpu.vector_store %arg9[%swap3A_179, %swap3A_180, %swap3A_181], %swap3A_184 {strides = array<i32>} : memref<2x80x128xf32, #tpu.memory_space<vmem>>, vector<1x1x16xf32>,
        %swap3A_185 = arith.constant 1 : i32
        %swap3A_186 = arith.index_cast %swap3A_185 : i32 to index
        %swap3A_187 = arith.index_cast %scan3A_143 : i32 to index
        %swap3A_188 = arith.constant 96 : index
        %swap3A_189 = tpu.vector_load %arg9[%swap3A_186, %swap3A_187, %swap3A_188] {strides = array<i32>} : memref<2x80x128xf32, #tpu.memory_space<vmem>>, vector<1x1x16xf32>,
        %swap3A_190 = vector.shape_cast %swap3A_189 : vector<1x1x16xf32> to vector<16xf32>
        %swap3A_191 = vector.shape_cast %broadcast_in_dim3A_113 : vector<16xf32> to vector<1x1x16xf32>
        tpu.vector_store %arg9[%swap3A_186, %swap3A_187, %swap3A_188], %swap3A_191 {strides = array<i32>} : memref<2x80x128xf32, #tpu.memory_space<vmem>>, vector<1x1x16xf32>,
        %swap3A_192 = arith.constant 1 : i32
        %swap3A_193 = arith.index_cast %swap3A_192 : i32 to index
        %swap3A_194 = arith.index_cast %scan3A_143 : i32 to index
        %swap3A_195 = arith.constant 112 : index
        %swap3A_196 = tpu.vector_load %arg9[%swap3A_193, %swap3A_194, %swap3A_195] {strides = array<i32>} : memref<2x80x128xf32, #tpu.memory_space<vmem>>, vector<1x1x16xf32>,
        %swap3A_197 = vector.shape_cast %swap3A_196 : vector<1x1x16xf32> to vector<16xf32>
        %swap3A_198 = vector.shape_cast %broadcast_in_dim3A_113 : vector<16xf32> to vector<1x1x16xf32>
        tpu.vector_store %arg9[%swap3A_193, %swap3A_194, %swap3A_195], %swap3A_198 {strides = array<i32>} : memref<2x80x128xf32, #tpu.memory_space<vmem>>, vector<1x1x16xf32>,
      }
      %scan3A_119 = arith.constant 80 : i32
      %add3A_120 = arith.constant 0 : i32
      %add3A_121 = arith.addi %mul3A_2, %add3A_120 : i32
      %run_scoped3A = arith.constant 1 : i32
      "tpu.region"() ({
        %run_scoped3A_143 = tpu.sem_alloc : memref<!tpu.dma_semaphore, #tpu.memory_space<semaphore_mem>>
        %dma_start3A_144 = arith.constant 0 : i32
        %dma_start3A_145 = arith.constant 0 : i32
        %dma_start3A_146 = tpu.memref_slice %arg9[%run_scoped3A, %dma_start3A_144, %dma_start3A_145] : memref<2x80x128xf32, #tpu.memory_space<vmem>> -> memref<1x80x128xf32, #tpu.memory_space<vmem>>
        %dma_start3A_147 = tpu.memref_squeeze %dma_start3A_146 : memref<1x80x128xf32, #tpu.memory_space<vmem>> -> memref<80x128xf32, #tpu.memory_space<vmem>>
        %dma_start3A_148 = arith.constant 0 : i32
        %dma_start3A_149 = tpu.memref_slice %arg8[%add3A_121, %dma_start3A_148] : memref<10240x128xf32, #tpu.memory_space<vmem_shared>> -> memref<80x128xf32, #tpu.memory_space<vmem_shared>>
        %dma_start3A_150 = arith.constant 0 : i32
        %dma_start3A_151 = tpu.memref_slice %arg8[%add3A_121, %dma_start3A_150] : memref<10240x128xf32, #tpu.memory_space<vmem_shared>> -> memref<80x128xf32, #tpu.memory_space<vmem_shared>>
        %dma_start3A_152 = arith.constant 0 : i32
        %dma_start3A_153 = arith.constant 0 : i32
        %dma_start3A_154 = tpu.memref_slice %arg9[%run_scoped3A, %dma_start3A_152, %dma_start3A_153] : memref<2x80x128xf32, #tpu.memory_space<vmem>> -> memref<1x80x128xf32, #tpu.memory_space<vmem>>
        %dma_start3A_155 = tpu.memref_squeeze %dma_start3A_154 : memref<1x80x128xf32, #tpu.memory_space<vmem>> -> memref<80x128xf32, #tpu.memory_space<vmem>>
        tpu.enqueue_dma source(%dma_start3A_155 : memref<80x128xf32, #tpu.memory_space<vmem>>) target(%dma_start3A_151 : memref<80x128xf32, #tpu.memory_space<vmem_shared>>) target_semaphore(%run_scoped3A_143 : memref<!tpu.dma_semaphore, #tpu.memory_space<semaphore_mem>>)
        %dma_wait3A_156 = arith.constant 0 : i32
        %dma_wait3A_157 = arith.constant 0 : i32
        %dma_wait3A_158 = tpu.memref_slice %arg9[%run_scoped3A, %dma_wait3A_156, %dma_wait3A_157] : memref<2x80x128xf32, #tpu.memory_space<vmem>> -> memref<1x80x128xf32, #tpu.memory_space<vmem>>
        %dma_wait3A_159 = tpu.memref_squeeze %dma_wait3A_158 : memref<1x80x128xf32, #tpu.memory_space<vmem>> -> memref<80x128xf32, #tpu.memory_space<vmem>>
        %dma_wait3A_160 = arith.constant 0 : i32
        %dma_wait3A_161 = tpu.memref_slice %arg8[%add3A_121, %dma_wait3A_160] : memref<10240x128xf32, #tpu.memory_space<vmem_shared>> -> memref<80x128xf32, #tpu.memory_space<vmem_shared>>
        %dma_wait3A_162 = arith.constant 0 : i32
        %dma_wait3A_163 = tpu.memref_slice %arg8[%add3A_121, %dma_wait3A_162] : memref<10240x128xf32, #tpu.memory_space<vmem_shared>> -> memref<80x128xf32, #tpu.memory_space<vmem_shared>>
        %dma_wait3A_164 = arith.constant 0 : i32
        %dma_wait3A_165 = arith.constant 0 : i32
        %dma_wait3A_166 = tpu.memref_slice %arg9[%run_scoped3A, %dma_wait3A_164, %dma_wait3A_165] : memref<2x80x128xf32, #tpu.memory_space<vmem>> -> memref<1x80x128xf32, #tpu.memory_space<vmem>>
        %dma_wait3A_167 = tpu.memref_squeeze %dma_wait3A_166 : memref<1x80x128xf32, #tpu.memory_space<vmem>> -> memref<80x128xf32, #tpu.memory_space<vmem>>
        tpu.wait_dma2 semaphore(%run_scoped3A_143 : memref<!tpu.dma_semaphore, #tpu.memory_space<semaphore_mem>>) src(%dma_wait3A_167 : memref<80x128xf32, #tpu.memory_space<vmem>>) dst(%dma_wait3A_163 : memref<80x128xf32, #tpu.memory_space<vmem_shared>>)
        tpu.yield
      }) : () -> ()
      %add3A_122 = arith.constant 80 : i32
      %add3A_123 = arith.addi %mul3A_2, %add3A_122 : i32
      %run_scoped3A_124 = arith.constant 1 : i32
      "tpu.region"() ({
        %run_scoped3A_143 = tpu.sem_alloc : memref<!tpu.dma_semaphore, #tpu.memory_space<semaphore_mem>>
        %dma_start3A_144 = arith.constant 0 : i32
        %dma_start3A_145 = arith.constant 0 : i32
        %dma_start3A_146 = tpu.memref_slice %arg9[%run_scoped3A_124, %dma_start3A_144, %dma_start3A_145] : memref<2x80x128xf32, #tpu.memory_space<vmem>> -> memref<1x80x128xf32, #tpu.memory_space<vmem>>
        %dma_start3A_147 = tpu.memref_squeeze %dma_start3A_146 : memref<1x80x128xf32, #tpu.memory_space<vmem>> -> memref<80x128xf32, #tpu.memory_space<vmem>>
        %dma_start3A_148 = arith.constant 0 : i32
        %dma_start3A_149 = tpu.memref_slice %arg8[%add3A_123, %dma_start3A_148] : memref<10240x128xf32, #tpu.memory_space<vmem_shared>> -> memref<80x128xf32, #tpu.memory_space<vmem_shared>>
        %dma_start3A_150 = arith.constant 0 : i32
        %dma_start3A_151 = tpu.memref_slice %arg8[%add3A_123, %dma_start3A_150] : memref<10240x128xf32, #tpu.memory_space<vmem_shared>> -> memref<80x128xf32, #tpu.memory_space<vmem_shared>>
        %dma_start3A_152 = arith.constant 0 : i32
        %dma_start3A_153 = arith.constant 0 : i32
        %dma_start3A_154 = tpu.memref_slice %arg9[%run_scoped3A_124, %dma_start3A_152, %dma_start3A_153] : memref<2x80x128xf32, #tpu.memory_space<vmem>> -> memref<1x80x128xf32, #tpu.memory_space<vmem>>
        %dma_start3A_155 = tpu.memref_squeeze %dma_start3A_154 : memref<1x80x128xf32, #tpu.memory_space<vmem>> -> memref<80x128xf32, #tpu.memory_space<vmem>>
        tpu.enqueue_dma source(%dma_start3A_155 : memref<80x128xf32, #tpu.memory_space<vmem>>) target(%dma_start3A_151 : memref<80x128xf32, #tpu.memory_space<vmem_shared>>) target_semaphore(%run_scoped3A_143 : memref<!tpu.dma_semaphore, #tpu.memory_space<semaphore_mem>>)
        %dma_wait3A_156 = arith.constant 0 : i32
        %dma_wait3A_157 = arith.constant 0 : i32
        %dma_wait3A_158 = tpu.memref_slice %arg9[%run_scoped3A_124, %dma_wait3A_156, %dma_wait3A_157] : memref<2x80x128xf32, #tpu.memory_space<vmem>> -> memref<1x80x128xf32, #tpu.memory_space<vmem>>
        %dma_wait3A_159 = tpu.memref_squeeze %dma_wait3A_158 : memref<1x80x128xf32, #tpu.memory_space<vmem>> -> memref<80x128xf32, #tpu.memory_space<vmem>>
        %dma_wait3A_160 = arith.constant 0 : i32
        %dma_wait3A_161 = tpu.memref_slice %arg8[%add3A_123, %dma_wait3A_160] : memref<10240x128xf32, #tpu.memory_space<vmem_shared>> -> memref<80x128xf32, #tpu.memory_space<vmem_shared>>
        %dma_wait3A_162 = arith.constant 0 : i32
        %dma_wait3A_163 = tpu.memref_slice %arg8[%add3A_123, %dma_wait3A_162] : memref<10240x128xf32, #tpu.memory_space<vmem_shared>> -> memref<80x128xf32, #tpu.memory_space<vmem_shared>>
        %dma_wait3A_164 = arith.constant 0 : i32
        %dma_wait3A_165 = arith.constant 0 : i32
        %dma_wait3A_166 = tpu.memref_slice %arg9[%run_scoped3A_124, %dma_wait3A_164, %dma_wait3A_165] : memref<2x80x128xf32, #tpu.memory_space<vmem>> -> memref<1x80x128xf32, #tpu.memory_space<vmem>>
        %dma_wait3A_167 = tpu.memref_squeeze %dma_wait3A_166 : memref<1x80x128xf32, #tpu.memory_space<vmem>> -> memref<80x128xf32, #tpu.memory_space<vmem>>
        tpu.wait_dma2 semaphore(%run_scoped3A_143 : memref<!tpu.dma_semaphore, #tpu.memory_space<semaphore_mem>>) src(%dma_wait3A_167 : memref<80x128xf32, #tpu.memory_space<vmem>>) dst(%dma_wait3A_163 : memref<80x128xf32, #tpu.memory_space<vmem_shared>>)
        tpu.yield
      }) : () -> ()
      %add3A_125 = arith.constant 160 : i32
      %add3A_126 = arith.addi %mul3A_2, %add3A_125 : i32
      %run_scoped3A_127 = arith.constant 1 : i32
      "tpu.region"() ({
        %run_scoped3A_143 = tpu.sem_alloc : memref<!tpu.dma_semaphore, #tpu.memory_space<semaphore_mem>>
        %dma_start3A_144 = arith.constant 0 : i32
        %dma_start3A_145 = arith.constant 0 : i32
        %dma_start3A_146 = tpu.memref_slice %arg9[%run_scoped3A_127, %dma_start3A_144, %dma_start3A_145] : memref<2x80x128xf32, #tpu.memory_space<vmem>> -> memref<1x80x128xf32, #tpu.memory_space<vmem>>
        %dma_start3A_147 = tpu.memref_squeeze %dma_start3A_146 : memref<1x80x128xf32, #tpu.memory_space<vmem>> -> memref<80x128xf32, #tpu.memory_space<vmem>>
        %dma_start3A_148 = arith.constant 0 : i32
        %dma_start3A_149 = tpu.memref_slice %arg8[%add3A_126, %dma_start3A_148] : memref<10240x128xf32, #tpu.memory_space<vmem_shared>> -> memref<80x128xf32, #tpu.memory_space<vmem_shared>>
        %dma_start3A_150 = arith.constant 0 : i32
        %dma_start3A_151 = tpu.memref_slice %arg8[%add3A_126, %dma_start3A_150] : memref<10240x128xf32, #tpu.memory_space<vmem_shared>> -> memref<80x128xf32, #tpu.memory_space<vmem_shared>>
        %dma_start3A_152 = arith.constant 0 : i32
        %dma_start3A_153 = arith.constant 0 : i32
        %dma_start3A_154 = tpu.memref_slice %arg9[%run_scoped3A_127, %dma_start3A_152, %dma_start3A_153] : memref<2x80x128xf32, #tpu.memory_space<vmem>> -> memref<1x80x128xf32, #tpu.memory_space<vmem>>
        %dma_start3A_155 = tpu.memref_squeeze %dma_start3A_154 : memref<1x80x128xf32, #tpu.memory_space<vmem>> -> memref<80x128xf32, #tpu.memory_space<vmem>>
        tpu.enqueue_dma source(%dma_start3A_155 : memref<80x128xf32, #tpu.memory_space<vmem>>) target(%dma_start3A_151 : memref<80x128xf32, #tpu.memory_space<vmem_shared>>) target_semaphore(%run_scoped3A_143 : memref<!tpu.dma_semaphore, #tpu.memory_space<semaphore_mem>>)
        %dma_wait3A_156 = arith.constant 0 : i32
        %dma_wait3A_157 = arith.constant 0 : i32
        %dma_wait3A_158 = tpu.memref_slice %arg9[%run_scoped3A_127, %dma_wait3A_156, %dma_wait3A_157] : memref<2x80x128xf32, #tpu.memory_space<vmem>> -> memref<1x80x128xf32, #tpu.memory_space<vmem>>
        %dma_wait3A_159 = tpu.memref_squeeze %dma_wait3A_158 : memref<1x80x128xf32, #tpu.memory_space<vmem>> -> memref<80x128xf32, #tpu.memory_space<vmem>>
        %dma_wait3A_160 = arith.constant 0 : i32
        %dma_wait3A_161 = tpu.memref_slice %arg8[%add3A_126, %dma_wait3A_160] : memref<10240x128xf32, #tpu.memory_space<vmem_shared>> -> memref<80x128xf32, #tpu.memory_space<vmem_shared>>
        %dma_wait3A_162 = arith.constant 0 : i32
        %dma_wait3A_163 = tpu.memref_slice %arg8[%add3A_126, %dma_wait3A_162] : memref<10240x128xf32, #tpu.memory_space<vmem_shared>> -> memref<80x128xf32, #tpu.memory_space<vmem_shared>>
        %dma_wait3A_164 = arith.constant 0 : i32
        %dma_wait3A_165 = arith.constant 0 : i32
        %dma_wait3A_166 = tpu.memref_slice %arg9[%run_scoped3A_127, %dma_wait3A_164, %dma_wait3A_165] : memref<2x80x128xf32, #tpu.memory_space<vmem>> -> memref<1x80x128xf32, #tpu.memory_space<vmem>>
        %dma_wait3A_167 = tpu.memref_squeeze %dma_wait3A_166 : memref<1x80x128xf32, #tpu.memory_space<vmem>> -> memref<80x128xf32, #tpu.memory_space<vmem>>
        tpu.wait_dma2 semaphore(%run_scoped3A_143 : memref<!tpu.dma_semaphore, #tpu.memory_space<semaphore_mem>>) src(%dma_wait3A_167 : memref<80x128xf32, #tpu.memory_space<vmem>>) dst(%dma_wait3A_163 : memref<80x128xf32, #tpu.memory_space<vmem_shared>>)
        tpu.yield
      }) : () -> ()
      %add3A_128 = arith.constant 240 : i32
      %add3A_129 = arith.addi %mul3A_2, %add3A_128 : i32
      %run_scoped3A_130 = arith.constant 1 : i32
      "tpu.region"() ({
        %run_scoped3A_143 = tpu.sem_alloc : memref<!tpu.dma_semaphore, #tpu.memory_space<semaphore_mem>>
        %dma_start3A_144 = arith.constant 0 : i32
        %dma_start3A_145 = arith.constant 0 : i32
        %dma_start3A_146 = tpu.memref_slice %arg9[%run_scoped3A_130, %dma_start3A_144, %dma_start3A_145] : memref<2x80x128xf32, #tpu.memory_space<vmem>> -> memref<1x80x128xf32, #tpu.memory_space<vmem>>
        %dma_start3A_147 = tpu.memref_squeeze %dma_start3A_146 : memref<1x80x128xf32, #tpu.memory_space<vmem>> -> memref<80x128xf32, #tpu.memory_space<vmem>>
        %dma_start3A_148 = arith.constant 0 : i32
        %dma_start3A_149 = tpu.memref_slice %arg8[%add3A_129, %dma_start3A_148] : memref<10240x128xf32, #tpu.memory_space<vmem_shared>> -> memref<80x128xf32, #tpu.memory_space<vmem_shared>>
        %dma_start3A_150 = arith.constant 0 : i32
        %dma_start3A_151 = tpu.memref_slice %arg8[%add3A_129, %dma_start3A_150] : memref<10240x128xf32, #tpu.memory_space<vmem_shared>> -> memref<80x128xf32, #tpu.memory_space<vmem_shared>>
        %dma_start3A_152 = arith.constant 0 : i32
        %dma_start3A_153 = arith.constant 0 : i32
        %dma_start3A_154 = tpu.memref_slice %arg9[%run_scoped3A_130, %dma_start3A_152, %dma_start3A_153] : memref<2x80x128xf32, #tpu.memory_space<vmem>> -> memref<1x80x128xf32, #tpu.memory_space<vmem>>
        %dma_start3A_155 = tpu.memref_squeeze %dma_start3A_154 : memref<1x80x128xf32, #tpu.memory_space<vmem>> -> memref<80x128xf32, #tpu.memory_space<vmem>>
        tpu.enqueue_dma source(%dma_start3A_155 : memref<80x128xf32, #tpu.memory_space<vmem>>) target(%dma_start3A_151 : memref<80x128xf32, #tpu.memory_space<vmem_shared>>) target_semaphore(%run_scoped3A_143 : memref<!tpu.dma_semaphore, #tpu.memory_space<semaphore_mem>>)
        %dma_wait3A_156 = arith.constant 0 : i32
        %dma_wait3A_157 = arith.constant 0 : i32
        %dma_wait3A_158 = tpu.memref_slice %arg9[%run_scoped3A_130, %dma_wait3A_156, %dma_wait3A_157] : memref<2x80x128xf32, #tpu.memory_space<vmem>> -> memref<1x80x128xf32, #tpu.memory_space<vmem>>
        %dma_wait3A_159 = tpu.memref_squeeze %dma_wait3A_158 : memref<1x80x128xf32, #tpu.memory_space<vmem>> -> memref<80x128xf32, #tpu.memory_space<vmem>>
        %dma_wait3A_160 = arith.constant 0 : i32
        %dma_wait3A_161 = tpu.memref_slice %arg8[%add3A_129, %dma_wait3A_160] : memref<10240x128xf32, #tpu.memory_space<vmem_shared>> -> memref<80x128xf32, #tpu.memory_space<vmem_shared>>
        %dma_wait3A_162 = arith.constant 0 : i32
        %dma_wait3A_163 = tpu.memref_slice %arg8[%add3A_129, %dma_wait3A_162] : memref<10240x128xf32, #tpu.memory_space<vmem_shared>> -> memref<80x128xf32, #tpu.memory_space<vmem_shared>>
        %dma_wait3A_164 = arith.constant 0 : i32
        %dma_wait3A_165 = arith.constant 0 : i32
        %dma_wait3A_166 = tpu.memref_slice %arg9[%run_scoped3A_130, %dma_wait3A_164, %dma_wait3A_165] : memref<2x80x128xf32, #tpu.memory_space<vmem>> -> memref<1x80x128xf32, #tpu.memory_space<vmem>>
        %dma_wait3A_167 = tpu.memref_squeeze %dma_wait3A_166 : memref<1x80x128xf32, #tpu.memory_space<vmem>> -> memref<80x128xf32, #tpu.memory_space<vmem>>
        tpu.wait_dma2 semaphore(%run_scoped3A_143 : memref<!tpu.dma_semaphore, #tpu.memory_space<semaphore_mem>>) src(%dma_wait3A_167 : memref<80x128xf32, #tpu.memory_space<vmem>>) dst(%dma_wait3A_163 : memref<80x128xf32, #tpu.memory_space<vmem_shared>>)
        tpu.yield
      }) : () -> ()
      %add3A_131 = arith.constant 320 : i32
      %add3A_132 = arith.addi %mul3A_2, %add3A_131 : i32
      %run_scoped3A_133 = arith.constant 1 : i32
      "tpu.region"() ({
        %run_scoped3A_143 = tpu.sem_alloc : memref<!tpu.dma_semaphore, #tpu.memory_space<semaphore_mem>>
        %dma_start3A_144 = arith.constant 0 : i32
        %dma_start3A_145 = arith.constant 0 : i32
        %dma_start3A_146 = tpu.memref_slice %arg9[%run_scoped3A_133, %dma_start3A_144, %dma_start3A_145] : memref<2x80x128xf32, #tpu.memory_space<vmem>> -> memref<1x80x128xf32, #tpu.memory_space<vmem>>
        %dma_start3A_147 = tpu.memref_squeeze %dma_start3A_146 : memref<1x80x128xf32, #tpu.memory_space<vmem>> -> memref<80x128xf32, #tpu.memory_space<vmem>>
        %dma_start3A_148 = arith.constant 0 : i32
        %dma_start3A_149 = tpu.memref_slice %arg8[%add3A_132, %dma_start3A_148] : memref<10240x128xf32, #tpu.memory_space<vmem_shared>> -> memref<80x128xf32, #tpu.memory_space<vmem_shared>>
        %dma_start3A_150 = arith.constant 0 : i32
        %dma_start3A_151 = tpu.memref_slice %arg8[%add3A_132, %dma_start3A_150] : memref<10240x128xf32, #tpu.memory_space<vmem_shared>> -> memref<80x128xf32, #tpu.memory_space<vmem_shared>>
        %dma_start3A_152 = arith.constant 0 : i32
        %dma_start3A_153 = arith.constant 0 : i32
        %dma_start3A_154 = tpu.memref_slice %arg9[%run_scoped3A_133, %dma_start3A_152, %dma_start3A_153] : memref<2x80x128xf32, #tpu.memory_space<vmem>> -> memref<1x80x128xf32, #tpu.memory_space<vmem>>
        %dma_start3A_155 = tpu.memref_squeeze %dma_start3A_154 : memref<1x80x128xf32, #tpu.memory_space<vmem>> -> memref<80x128xf32, #tpu.memory_space<vmem>>
        tpu.enqueue_dma source(%dma_start3A_155 : memref<80x128xf32, #tpu.memory_space<vmem>>) target(%dma_start3A_151 : memref<80x128xf32, #tpu.memory_space<vmem_shared>>) target_semaphore(%run_scoped3A_143 : memref<!tpu.dma_semaphore, #tpu.memory_space<semaphore_mem>>)
        %dma_wait3A_156 = arith.constant 0 : i32
        %dma_wait3A_157 = arith.constant 0 : i32
        %dma_wait3A_158 = tpu.memref_slice %arg9[%run_scoped3A_133, %dma_wait3A_156, %dma_wait3A_157] : memref<2x80x128xf32, #tpu.memory_space<vmem>> -> memref<1x80x128xf32, #tpu.memory_space<vmem>>
        %dma_wait3A_159 = tpu.memref_squeeze %dma_wait3A_158 : memref<1x80x128xf32, #tpu.memory_space<vmem>> -> memref<80x128xf32, #tpu.memory_space<vmem>>
        %dma_wait3A_160 = arith.constant 0 : i32
        %dma_wait3A_161 = tpu.memref_slice %arg8[%add3A_132, %dma_wait3A_160] : memref<10240x128xf32, #tpu.memory_space<vmem_shared>> -> memref<80x128xf32, #tpu.memory_space<vmem_shared>>
        %dma_wait3A_162 = arith.constant 0 : i32
        %dma_wait3A_163 = tpu.memref_slice %arg8[%add3A_132, %dma_wait3A_162] : memref<10240x128xf32, #tpu.memory_space<vmem_shared>> -> memref<80x128xf32, #tpu.memory_space<vmem_shared>>
        %dma_wait3A_164 = arith.constant 0 : i32
        %dma_wait3A_165 = arith.constant 0 : i32
        %dma_wait3A_166 = tpu.memref_slice %arg9[%run_scoped3A_133, %dma_wait3A_164, %dma_wait3A_165] : memref<2x80x128xf32, #tpu.memory_space<vmem>> -> memref<1x80x128xf32, #tpu.memory_space<vmem>>
        %dma_wait3A_167 = tpu.memref_squeeze %dma_wait3A_166 : memref<1x80x128xf32, #tpu.memory_space<vmem>> -> memref<80x128xf32, #tpu.memory_space<vmem>>
        tpu.wait_dma2 semaphore(%run_scoped3A_143 : memref<!tpu.dma_semaphore, #tpu.memory_space<semaphore_mem>>) src(%dma_wait3A_167 : memref<80x128xf32, #tpu.memory_space<vmem>>) dst(%dma_wait3A_163 : memref<80x128xf32, #tpu.memory_space<vmem_shared>>)
        tpu.yield
      }) : () -> ()
      %add3A_134 = arith.constant 400 : i32
      %add3A_135 = arith.addi %mul3A_2, %add3A_134 : i32
      %run_scoped3A_136 = arith.constant 1 : i32
      "tpu.region"() ({
        %run_scoped3A_143 = tpu.sem_alloc : memref<!tpu.dma_semaphore, #tpu.memory_space<semaphore_mem>>
        %dma_start3A_144 = arith.constant 0 : i32
        %dma_start3A_145 = arith.constant 0 : i32
        %dma_start3A_146 = tpu.memref_slice %arg9[%run_scoped3A_136, %dma_start3A_144, %dma_start3A_145] : memref<2x80x128xf32, #tpu.memory_space<vmem>> -> memref<1x80x128xf32, #tpu.memory_space<vmem>>
        %dma_start3A_147 = tpu.memref_squeeze %dma_start3A_146 : memref<1x80x128xf32, #tpu.memory_space<vmem>> -> memref<80x128xf32, #tpu.memory_space<vmem>>
        %dma_start3A_148 = arith.constant 0 : i32
        %dma_start3A_149 = tpu.memref_slice %arg8[%add3A_135, %dma_start3A_148] : memref<10240x128xf32, #tpu.memory_space<vmem_shared>> -> memref<80x128xf32, #tpu.memory_space<vmem_shared>>
        %dma_start3A_150 = arith.constant 0 : i32
        %dma_start3A_151 = tpu.memref_slice %arg8[%add3A_135, %dma_start3A_150] : memref<10240x128xf32, #tpu.memory_space<vmem_shared>> -> memref<80x128xf32, #tpu.memory_space<vmem_shared>>
        %dma_start3A_152 = arith.constant 0 : i32
        %dma_start3A_153 = arith.constant 0 : i32
        %dma_start3A_154 = tpu.memref_slice %arg9[%run_scoped3A_136, %dma_start3A_152, %dma_start3A_153] : memref<2x80x128xf32, #tpu.memory_space<vmem>> -> memref<1x80x128xf32, #tpu.memory_space<vmem>>
        %dma_start3A_155 = tpu.memref_squeeze %dma_start3A_154 : memref<1x80x128xf32, #tpu.memory_space<vmem>> -> memref<80x128xf32, #tpu.memory_space<vmem>>
        tpu.enqueue_dma source(%dma_start3A_155 : memref<80x128xf32, #tpu.memory_space<vmem>>) target(%dma_start3A_151 : memref<80x128xf32, #tpu.memory_space<vmem_shared>>) target_semaphore(%run_scoped3A_143 : memref<!tpu.dma_semaphore, #tpu.memory_space<semaphore_mem>>)
        %dma_wait3A_156 = arith.constant 0 : i32
        %dma_wait3A_157 = arith.constant 0 : i32
        %dma_wait3A_158 = tpu.memref_slice %arg9[%run_scoped3A_136, %dma_wait3A_156, %dma_wait3A_157] : memref<2x80x128xf32, #tpu.memory_space<vmem>> -> memref<1x80x128xf32, #tpu.memory_space<vmem>>
        %dma_wait3A_159 = tpu.memref_squeeze %dma_wait3A_158 : memref<1x80x128xf32, #tpu.memory_space<vmem>> -> memref<80x128xf32, #tpu.memory_space<vmem>>
        %dma_wait3A_160 = arith.constant 0 : i32
        %dma_wait3A_161 = tpu.memref_slice %arg8[%add3A_135, %dma_wait3A_160] : memref<10240x128xf32, #tpu.memory_space<vmem_shared>> -> memref<80x128xf32, #tpu.memory_space<vmem_shared>>
        %dma_wait3A_162 = arith.constant 0 : i32
        %dma_wait3A_163 = tpu.memref_slice %arg8[%add3A_135, %dma_wait3A_162] : memref<10240x128xf32, #tpu.memory_space<vmem_shared>> -> memref<80x128xf32, #tpu.memory_space<vmem_shared>>
        %dma_wait3A_164 = arith.constant 0 : i32
        %dma_wait3A_165 = arith.constant 0 : i32
        %dma_wait3A_166 = tpu.memref_slice %arg9[%run_scoped3A_136, %dma_wait3A_164, %dma_wait3A_165] : memref<2x80x128xf32, #tpu.memory_space<vmem>> -> memref<1x80x128xf32, #tpu.memory_space<vmem>>
        %dma_wait3A_167 = tpu.memref_squeeze %dma_wait3A_166 : memref<1x80x128xf32, #tpu.memory_space<vmem>> -> memref<80x128xf32, #tpu.memory_space<vmem>>
        tpu.wait_dma2 semaphore(%run_scoped3A_143 : memref<!tpu.dma_semaphore, #tpu.memory_space<semaphore_mem>>) src(%dma_wait3A_167 : memref<80x128xf32, #tpu.memory_space<vmem>>) dst(%dma_wait3A_163 : memref<80x128xf32, #tpu.memory_space<vmem_shared>>)
        tpu.yield
      }) : () -> ()
      %add3A_137 = arith.constant 480 : i32
      %add3A_138 = arith.addi %mul3A_2, %add3A_137 : i32
      %run_scoped3A_139 = arith.constant 1 : i32
      "tpu.region"() ({
        %run_scoped3A_143 = tpu.sem_alloc : memref<!tpu.dma_semaphore, #tpu.memory_space<semaphore_mem>>
        %dma_start3A_144 = arith.constant 0 : i32
        %dma_start3A_145 = arith.constant 0 : i32
        %dma_start3A_146 = tpu.memref_slice %arg9[%run_scoped3A_139, %dma_start3A_144, %dma_start3A_145] : memref<2x80x128xf32, #tpu.memory_space<vmem>> -> memref<1x80x128xf32, #tpu.memory_space<vmem>>
        %dma_start3A_147 = tpu.memref_squeeze %dma_start3A_146 : memref<1x80x128xf32, #tpu.memory_space<vmem>> -> memref<80x128xf32, #tpu.memory_space<vmem>>
        %dma_start3A_148 = arith.constant 0 : i32
        %dma_start3A_149 = tpu.memref_slice %arg8[%add3A_138, %dma_start3A_148] : memref<10240x128xf32, #tpu.memory_space<vmem_shared>> -> memref<80x128xf32, #tpu.memory_space<vmem_shared>>
        %dma_start3A_150 = arith.constant 0 : i32
        %dma_start3A_151 = tpu.memref_slice %arg8[%add3A_138, %dma_start3A_150] : memref<10240x128xf32, #tpu.memory_space<vmem_shared>> -> memref<80x128xf32, #tpu.memory_space<vmem_shared>>
        %dma_start3A_152 = arith.constant 0 : i32
        %dma_start3A_153 = arith.constant 0 : i32
        %dma_start3A_154 = tpu.memref_slice %arg9[%run_scoped3A_139, %dma_start3A_152, %dma_start3A_153] : memref<2x80x128xf32, #tpu.memory_space<vmem>> -> memref<1x80x128xf32, #tpu.memory_space<vmem>>
        %dma_start3A_155 = tpu.memref_squeeze %dma_start3A_154 : memref<1x80x128xf32, #tpu.memory_space<vmem>> -> memref<80x128xf32, #tpu.memory_space<vmem>>
        tpu.enqueue_dma source(%dma_start3A_155 : memref<80x128xf32, #tpu.memory_space<vmem>>) target(%dma_start3A_151 : memref<80x128xf32, #tpu.memory_space<vmem_shared>>) target_semaphore(%run_scoped3A_143 : memref<!tpu.dma_semaphore, #tpu.memory_space<semaphore_mem>>)
        %dma_wait3A_156 = arith.constant 0 : i32
        %dma_wait3A_157 = arith.constant 0 : i32
        %dma_wait3A_158 = tpu.memref_slice %arg9[%run_scoped3A_139, %dma_wait3A_156, %dma_wait3A_157] : memref<2x80x128xf32, #tpu.memory_space<vmem>> -> memref<1x80x128xf32, #tpu.memory_space<vmem>>
        %dma_wait3A_159 = tpu.memref_squeeze %dma_wait3A_158 : memref<1x80x128xf32, #tpu.memory_space<vmem>> -> memref<80x128xf32, #tpu.memory_space<vmem>>
        %dma_wait3A_160 = arith.constant 0 : i32
        %dma_wait3A_161 = tpu.memref_slice %arg8[%add3A_138, %dma_wait3A_160] : memref<10240x128xf32, #tpu.memory_space<vmem_shared>> -> memref<80x128xf32, #tpu.memory_space<vmem_shared>>
        %dma_wait3A_162 = arith.constant 0 : i32
        %dma_wait3A_163 = tpu.memref_slice %arg8[%add3A_138, %dma_wait3A_162] : memref<10240x128xf32, #tpu.memory_space<vmem_shared>> -> memref<80x128xf32, #tpu.memory_space<vmem_shared>>
        %dma_wait3A_164 = arith.constant 0 : i32
        %dma_wait3A_165 = arith.constant 0 : i32
        %dma_wait3A_166 = tpu.memref_slice %arg9[%run_scoped3A_139, %dma_wait3A_164, %dma_wait3A_165] : memref<2x80x128xf32, #tpu.memory_space<vmem>> -> memref<1x80x128xf32, #tpu.memory_space<vmem>>
        %dma_wait3A_167 = tpu.memref_squeeze %dma_wait3A_166 : memref<1x80x128xf32, #tpu.memory_space<vmem>> -> memref<80x128xf32, #tpu.memory_space<vmem>>
        tpu.wait_dma2 semaphore(%run_scoped3A_143 : memref<!tpu.dma_semaphore, #tpu.memory_space<semaphore_mem>>) src(%dma_wait3A_167 : memref<80x128xf32, #tpu.memory_space<vmem>>) dst(%dma_wait3A_163 : memref<80x128xf32, #tpu.memory_space<vmem_shared>>)
        tpu.yield
      }) : () -> ()
      %add3A_140 = arith.constant 560 : i32
      %add3A_141 = arith.addi %mul3A_2, %add3A_140 : i32
      %run_scoped3A_142 = arith.constant 1 : i32
      "tpu.region"() ({
        %run_scoped3A_143 = tpu.sem_alloc : memref<!tpu.dma_semaphore, #tpu.memory_space<semaphore_mem>>
        %dma_start3A_144 = arith.constant 0 : i32
        %dma_start3A_145 = arith.constant 0 : i32
        %dma_start3A_146 = tpu.memref_slice %arg9[%run_scoped3A_142, %dma_start3A_144, %dma_start3A_145] : memref<2x80x128xf32, #tpu.memory_space<vmem>> -> memref<1x80x128xf32, #tpu.memory_space<vmem>>
        %dma_start3A_147 = tpu.memref_squeeze %dma_start3A_146 : memref<1x80x128xf32, #tpu.memory_space<vmem>> -> memref<80x128xf32, #tpu.memory_space<vmem>>
        %dma_start3A_148 = arith.constant 0 : i32
        %dma_start3A_149 = tpu.memref_slice %arg8[%add3A_141, %dma_start3A_148] : memref<10240x128xf32, #tpu.memory_space<vmem_shared>> -> memref<80x128xf32, #tpu.memory_space<vmem_shared>>
        %dma_start3A_150 = arith.constant 0 : i32
        %dma_start3A_151 = tpu.memref_slice %arg8[%add3A_141, %dma_start3A_150] : memref<10240x128xf32, #tpu.memory_space<vmem_shared>> -> memref<80x128xf32, #tpu.memory_space<vmem_shared>>
        %dma_start3A_152 = arith.constant 0 : i32
        %dma_start3A_153 = arith.constant 0 : i32
        %dma_start3A_154 = tpu.memref_slice %arg9[%run_scoped3A_142, %dma_start3A_152, %dma_start3A_153] : memref<2x80x128xf32, #tpu.memory_space<vmem>> -> memref<1x80x128xf32, #tpu.memory_space<vmem>>
        %dma_start3A_155 = tpu.memref_squeeze %dma_start3A_154 : memref<1x80x128xf32, #tpu.memory_space<vmem>> -> memref<80x128xf32, #tpu.memory_space<vmem>>
        tpu.enqueue_dma source(%dma_start3A_155 : memref<80x128xf32, #tpu.memory_space<vmem>>) target(%dma_start3A_151 : memref<80x128xf32, #tpu.memory_space<vmem_shared>>) target_semaphore(%run_scoped3A_143 : memref<!tpu.dma_semaphore, #tpu.memory_space<semaphore_mem>>)
        %dma_wait3A_156 = arith.constant 0 : i32
        %dma_wait3A_157 = arith.constant 0 : i32
        %dma_wait3A_158 = tpu.memref_slice %arg9[%run_scoped3A_142, %dma_wait3A_156, %dma_wait3A_157] : memref<2x80x128xf32, #tpu.memory_space<vmem>> -> memref<1x80x128xf32, #tpu.memory_space<vmem>>
        %dma_wait3A_159 = tpu.memref_squeeze %dma_wait3A_158 : memref<1x80x128xf32, #tpu.memory_space<vmem>> -> memref<80x128xf32, #tpu.memory_space<vmem>>
        %dma_wait3A_160 = arith.constant 0 : i32
        %dma_wait3A_161 = tpu.memref_slice %arg8[%add3A_141, %dma_wait3A_160] : memref<10240x128xf32, #tpu.memory_space<vmem_shared>> -> memref<80x128xf32, #tpu.memory_space<vmem_shared>>
        %dma_wait3A_162 = arith.constant 0 : i32
        %dma_wait3A_163 = tpu.memref_slice %arg8[%add3A_141, %dma_wait3A_162] : memref<10240x128xf32, #tpu.memory_space<vmem_shared>> -> memref<80x128xf32, #tpu.memory_space<vmem_shared>>
        %dma_wait3A_164 = arith.constant 0 : i32
        %dma_wait3A_165 = arith.constant 0 : i32
        %dma_wait3A_166 = tpu.memref_slice %arg9[%run_scoped3A_142, %dma_wait3A_164, %dma_wait3A_165] : memref<2x80x128xf32, #tpu.memory_space<vmem>> -> memref<1x80x128xf32, #tpu.memory_space<vmem>>
        %dma_wait3A_167 = tpu.memref_squeeze %dma_wait3A_166 : memref<1x80x128xf32, #tpu.memory_space<vmem>> -> memref<80x128xf32, #tpu.memory_space<vmem>>
        tpu.wait_dma2 semaphore(%run_scoped3A_143 : memref<!tpu.dma_semaphore, #tpu.memory_space<semaphore_mem>>) src(%dma_wait3A_167 : memref<80x128xf32, #tpu.memory_space<vmem>>) dst(%dma_wait3A_163 : memref<80x128xf32, #tpu.memory_space<vmem_shared>>)
        tpu.yield
      }) : () -> ()
    } else {
    }
    %dma_wait3A = arith.constant 0 : i32
    %dma_wait3A_23 = tpu.memref_slice %arg3[%add3A, %dma_wait3A] : memref<32x10000xi32, #tpu.memory_space<hbm>> -> memref<1x10000xi32, #tpu.memory_space<hbm>>
    %dma_wait3A_24 = tpu.memref_squeeze %dma_wait3A_23 : memref<1x10000xi32, #tpu.memory_space<hbm>> -> memref<10000xi32, #tpu.memory_space<hbm>>
    %dma_wait3A_25 = arith.constant 0 : i32
    %dma_wait3A_26 = tpu.memref_slice %arg3[%add3A, %dma_wait3A_25] : memref<32x10000xi32, #tpu.memory_space<hbm>> -> memref<1x10000xi32, #tpu.memory_space<hbm>>
    %dma_wait3A_27 = tpu.memref_squeeze %dma_wait3A_26 : memref<1x10000xi32, #tpu.memory_space<hbm>> -> memref<10000xi32, #tpu.memory_space<hbm>>
    tpu.wait_dma2 semaphore(%arg10 : memref<!tpu.dma_semaphore, #tpu.memory_space<semaphore_mem>>) src(%dma_wait3A_27 : memref<10000xi32, #tpu.memory_space<hbm>>) dst(%arg6 : memref<10000xi32, #tpu.memory_space<vmem>>)
    %dma_wait3A_28 = arith.constant 0 : i32
    %dma_wait3A_29 = arith.constant 0 : i32
    %dma_wait3A_30 = tpu.memref_slice %arg4[%add3A, %dma_wait3A_28, %dma_wait3A_29] : memref<32x125x80xi32, #tpu.memory_space<hbm>> -> memref<1x125x80xi32, #tpu.memory_space<hbm>>
    %dma_wait3A_31 = tpu.memref_squeeze %dma_wait3A_30 : memref<1x125x80xi32, #tpu.memory_space<hbm>> -> memref<125x80xi32, #tpu.memory_space<hbm>>
    %dma_wait3A_32 = arith.constant 0 : i32
    %dma_wait3A_33 = arith.constant 0 : i32
    %dma_wait3A_34 = tpu.memref_slice %arg4[%add3A, %dma_wait3A_32, %dma_wait3A_33] : memref<32x125x80xi32, #tpu.memory_space<hbm>> -> memref<1x125x80xi32, #tpu.memory_space<hbm>>
    %dma_wait3A_35 = tpu.memref_squeeze %dma_wait3A_34 : memref<1x125x80xi32, #tpu.memory_space<hbm>> -> memref<125x80xi32, #tpu.memory_space<hbm>>
    tpu.wait_dma2 semaphore(%arg10 : memref<!tpu.dma_semaphore, #tpu.memory_space<semaphore_mem>>) src(%dma_wait3A_35 : memref<125x80xi32, #tpu.memory_space<hbm>>) dst(%arg7 : memref<125x80xi32, #tpu.memory_space<vmem>>)
    %eq3A_36 = arith.constant 0 : i32
    %eq3A_37 = arith.cmpi eq, %arg0, %eq3A_36 : i32
    %convert_element_type3A_38 = arith.extui %eq3A_37 : i1 to i32
    %cond3A_39 = arith.constant 0 : i32
    %cond3A_40 = arith.cmpi ne, %convert_element_type3A_38, %cond3A_39 : i32
    scf.if %cond3A_40 {
      %dma_wait3A_113 = arith.constant 0 : i32
      %dma_wait3A_114 = tpu.memref_slice %arg8[%mul3A_2, %dma_wait3A_113] : memref<10240x128xf32, #tpu.memory_space<vmem_shared>> -> memref<640x128xf32, #tpu.memory_space<vmem_shared>>
      %dma_wait3A_115 = arith.constant 0 : i32
      %dma_wait3A_116 = tpu.memref_slice %arg2[%mul3A_2, %dma_wait3A_115] : memref<10240x128xf32, #tpu.memory_space<hbm>> -> memref<640x128xf32, #tpu.memory_space<hbm>>
      tpu.wait_dma2 semaphore(%arg13 : memref<!tpu.dma_semaphore, #tpu.memory_space<semaphore_mem>>) src(%dma_wait3A_116 : memref<640x128xf32, #tpu.memory_space<hbm>>) dst(%dma_wait3A_114 : memref<640x128xf32, #tpu.memory_space<vmem_shared>>)
    } else {
    }
    %barrier3A = arith.constant 0 : index
    tpu.barrier barrier_id(%barrier3A)
    %dma_start3A_41 = arith.constant 0 : i32
    %dma_start3A_42 = arith.constant 0 : i32
    %dma_start3A_43 = arith.constant 0 : i32
    %dma_start3A_44 = tpu.memref_slice %arg9[%dma_start3A_41, %dma_start3A_42, %dma_start3A_43] : memref<2x80x128xf32, #tpu.memory_space<vmem>> -> memref<1x80x128xf32, #tpu.memory_space<vmem>>
    %dma_start3A_45 = tpu.memref_squeeze %dma_start3A_44 : memref<1x80x128xf32, #tpu.memory_space<vmem>> -> memref<80x128xf32, #tpu.memory_space<vmem>>
    %dma_start3A_46 = arith.constant 0 : i32
    %dma_start3A_47 = tpu.memref_slice %arg6[%dma_start3A_46] : memref<10000xi32, #tpu.memory_space<vmem>> -> memref<80xi32, #tpu.memory_space<vmem>>
    %dma_start3A_48 = arith.constant 0 : i32
    %dma_start3A_49 = arith.constant 0 : i32
    %dma_start3A_50 = tpu.memref_slice %arg2[%dma_start3A_48, %dma_start3A_49] : memref<10240x128xf32, #tpu.memory_space<hbm>> -> memref<10240x128xf32, #tpu.memory_space<hbm>>
    tpu.enqueue_indirect_dma source(%dma_start3A_50 : memref<10240x128xf32, #tpu.memory_space<hbm>>) target(%dma_start3A_45 : memref<80x128xf32, #tpu.memory_space<vmem>>) offsets(%dma_start3A_47 : memref<80xi32, #tpu.memory_space<vmem>>) semaphore(%arg10 : memref<!tpu.dma_semaphore, #tpu.memory_space<semaphore_mem>>)
    %scan3A = arith.constant 0 : i32
    %scan3A_51 = arith.constant 0 : i32
    %scan3A_52 = arith.constant 62 : i32
    %scan3A_53 = arith.addi %scan3A_51, %scan3A_52 : i32
    %scan3A_54 = arith.constant 1 : i32
    scf.for %scan3A_113 = %scan3A_51 to %scan3A_53 step %scan3A_54  : i32 {
      %mul3A_114 = arith.constant 2 : i32
      %mul3A_115 = arith.muli %scan3A_113, %mul3A_114 : i32
      %add3A_116 = arith.constant 0 : i32
      %add3A_117 = arith.addi %mul3A_115, %add3A_116 : i32
      %add3A_118 = arith.constant 1 : i32
      %add3A_119 = arith.addi %add3A_117, %add3A_118 : i32
      %lt3A = arith.constant 125 : i32
      %lt3A_120 = arith.cmpi slt, %add3A_119, %lt3A : i32
      %convert_element_type3A_121 = arith.extui %lt3A_120 : i1 to i32
      %cond3A_122 = arith.constant 0 : i32
      %cond3A_123 = arith.cmpi ne, %convert_element_type3A_121, %cond3A_122 : i32
      scf.if %cond3A_123 {
        %ge3A = arith.constant 1 : i32
        %ge3A_179 = arith.cmpi sge, %add3A_117, %ge3A : i32
        %convert_element_type3A_180 = arith.extui %ge3A_179 : i1 to i32
        %cond3A_181 = arith.constant 0 : i32
        %cond3A_182 = arith.cmpi ne, %convert_element_type3A_180, %cond3A_181 : i32
        scf.if %cond3A_182 {
          %dma_wait3A_196 = arith.constant 1 : i32
          %dma_wait3A_197 = arith.constant 0 : i32
          %dma_wait3A_198 = arith.constant 0 : i32
          %dma_wait3A_199 = tpu.memref_slice %arg9[%dma_wait3A_196, %dma_wait3A_197, %dma_wait3A_198] : memref<2x80x128xf32, #tpu.memory_space<vmem>> -> memref<1x80x128xf32, #tpu.memory_space<vmem>>
          %dma_wait3A_200 = tpu.memref_squeeze %dma_wait3A_199 : memref<1x80x128xf32, #tpu.memory_space<vmem>> -> memref<80x128xf32, #tpu.memory_space<vmem>>
          %dma_wait3A_201 = arith.constant 0 : i32
          %dma_wait3A_202 = arith.constant 0 : i32
          %dma_wait3A_203 = tpu.memref_slice %arg5[%arg0, %dma_wait3A_201, %dma_wait3A_202] : memref<2x10240x128xf32, #tpu.memory_space<hbm>> -> memref<1x80x128xf32, #tpu.memory_space<hbm>>
          %dma_wait3A_204 = tpu.memref_squeeze %dma_wait3A_203 : memref<1x80x128xf32, #tpu.memory_space<hbm>> -> memref<80x128xf32, #tpu.memory_space<hbm>>
          %dma_wait3A_205 = arith.constant 0 : i32
          %dma_wait3A_206 = arith.constant 0 : i32
          %dma_wait3A_207 = tpu.memref_slice %arg5[%arg0, %dma_wait3A_205, %dma_wait3A_206] : memref<2x10240x128xf32, #tpu.memory_space<hbm>> -> memref<1x80x128xf32, #tpu.memory_space<hbm>>
          %dma_wait3A_208 = tpu.memref_squeeze %dma_wait3A_207 : memref<1x80x128xf32, #tpu.memory_space<hbm>> -> memref<80x128xf32, #tpu.memory_space<hbm>>
          %dma_wait3A_209 = arith.constant 0 : i32
          %dma_wait3A_210 = arith.constant 0 : i32
          %dma_wait3A_211 = tpu.memref_slice %arg9[%dma_wait3A_196, %dma_wait3A_209, %dma_wait3A_210] : memref<2x80x128xf32, #tpu.memory_space<vmem>> -> memref<1x80x128xf32, #tpu.memory_space<vmem>>
          %dma_wait3A_212 = tpu.memref_squeeze %dma_wait3A_211 : memref<1x80x128xf32, #tpu.memory_space<vmem>> -> memref<80x128xf32, #tpu.memory_space<vmem>>
          tpu.wait_dma2 semaphore(%arg13 : memref<!tpu.dma_semaphore, #tpu.memory_space<semaphore_mem>>) src(%dma_wait3A_212 : memref<80x128xf32, #tpu.memory_space<vmem>>) dst(%dma_wait3A_208 : memref<80x128xf32, #tpu.memory_space<hbm>>)
        } else {
        }
        %add3A_183 = arith.constant 1 : i32
        %add3A_184 = arith.addi %add3A_117, %add3A_183 : i32
        %mul3A_185 = arith.constant 80 : i32
        %mul3A_186 = arith.muli %add3A_184, %mul3A_185 : i32
        %dma_start3A_187 = arith.constant 1 : i32
        %dma_start3A_188 = arith.constant 0 : i32
        %dma_start3A_189 = arith.constant 0 : i32
        %dma_start3A_190 = tpu.memref_slice %arg9[%dma_start3A_187, %dma_start3A_188, %dma_start3A_189] : memref<2x80x128xf32, #tpu.memory_space<vmem>> -> memref<1x80x128xf32, #tpu.memory_space<vmem>>
        %dma_start3A_191 = tpu.memref_squeeze %dma_start3A_190 : memref<1x80x128xf32, #tpu.memory_space<vmem>> -> memref<80x128xf32, #tpu.memory_space<vmem>>
        %dma_start3A_192 = tpu.memref_slice %arg6[%mul3A_186] : memref<10000xi32, #tpu.memory_space<vmem>> -> memref<80xi32, #tpu.memory_space<vmem>>
        %dma_start3A_193 = arith.constant 0 : i32
        %dma_start3A_194 = arith.constant 0 : i32
        %dma_start3A_195 = tpu.memref_slice %arg2[%dma_start3A_193, %dma_start3A_194] : memref<10240x128xf32, #tpu.memory_space<hbm>> -> memref<10240x128xf32, #tpu.memory_space<hbm>>
        tpu.enqueue_indirect_dma source(%dma_start3A_195 : memref<10240x128xf32, #tpu.memory_space<hbm>>) target(%dma_start3A_191 : memref<80x128xf32, #tpu.memory_space<vmem>>) offsets(%dma_start3A_192 : memref<80xi32, #tpu.memory_space<vmem>>) semaphore(%arg11 : memref<!tpu.dma_semaphore, #tpu.memory_space<semaphore_mem>>)
      } else {
      }
      %mul3A_124 = arith.constant 80 : i32
      %mul3A_125 = arith.muli %add3A_117, %mul3A_124 : i32
      %dma_wait3A_126 = arith.constant 0 : i32
      %dma_wait3A_127 = arith.constant 0 : i32
      %dma_wait3A_128 = arith.constant 0 : i32
      %dma_wait3A_129 = tpu.memref_slice %arg9[%dma_wait3A_126, %dma_wait3A_127, %dma_wait3A_128] : memref<2x80x128xf32, #tpu.memory_space<vmem>> -> memref<1x80x128xf32, #tpu.memory_space<vmem>>
      %dma_wait3A_130 = tpu.memref_squeeze %dma_wait3A_129 : memref<1x80x128xf32, #tpu.memory_space<vmem>> -> memref<80x128xf32, #tpu.memory_space<vmem>>
      %dma_wait3A_131 = tpu.memref_slice %arg6[%mul3A_125] : memref<10000xi32, #tpu.memory_space<vmem>> -> memref<80xi32, #tpu.memory_space<vmem>>
      %dma_wait3A_132 = arith.constant 0 : i32
      %dma_wait3A_133 = arith.constant 0 : i32
      %dma_wait3A_134 = tpu.memref_slice %arg2[%dma_wait3A_132, %dma_wait3A_133] : memref<10240x128xf32, #tpu.memory_space<hbm>> -> memref<10240x128xf32, #tpu.memory_space<hbm>>
      tpu.wait_indirect_dma semaphore(%arg10 : memref<!tpu.dma_semaphore, #tpu.memory_space<semaphore_mem>>) src(%dma_wait3A_134 : memref<10240x128xf32, #tpu.memory_space<hbm>>) dst(%dma_wait3A_130 : memref<80x128xf32, #tpu.memory_space<vmem>>)
      %dma_start3A_135 = arith.constant 0 : i32
      %dma_start3A_136 = arith.constant 0 : i32
      %dma_start3A_137 = arith.constant 0 : i32
      %dma_start3A_138 = tpu.memref_slice %arg9[%dma_start3A_135, %dma_start3A_136, %dma_start3A_137] : memref<2x80x128xf32, #tpu.memory_space<vmem>> -> memref<1x80x128xf32, #tpu.memory_space<vmem>>
      %dma_start3A_139 = tpu.memref_squeeze %dma_start3A_138 : memref<1x80x128xf32, #tpu.memory_space<vmem>> -> memref<80x128xf32, #tpu.memory_space<vmem>>
      %dma_start3A_140 = arith.constant 0 : i32
      %dma_start3A_141 = tpu.memref_slice %arg7[%add3A_117, %dma_start3A_140] : memref<125x80xi32, #tpu.memory_space<vmem>> -> memref<1x80xi32, #tpu.memory_space<vmem>>
      %dma_start3A_142 = tpu.memref_squeeze %dma_start3A_141 : memref<1x80xi32, #tpu.memory_space<vmem>> -> memref<80xi32, #tpu.memory_space<vmem>>
      %dma_start3A_143 = arith.constant 0 : i32
      %dma_start3A_144 = arith.constant 0 : i32
      %dma_start3A_145 = tpu.memref_slice %arg8[%dma_start3A_143, %dma_start3A_144] : memref<10240x128xf32, #tpu.memory_space<vmem_shared>> -> memref<10240x128xf32, #tpu.memory_space<vmem_shared>>
      tpu.enqueue_indirect_dma source(%dma_start3A_139 : memref<80x128xf32, #tpu.memory_space<vmem>>) target(%dma_start3A_145 : memref<10240x128xf32, #tpu.memory_space<vmem_shared>>) offsets(%dma_start3A_142 : memref<80xi32, #tpu.memory_space<vmem>>) semaphore(%arg12 : memref<!tpu.dma_semaphore, #tpu.memory_space<semaphore_mem>>) {add = true}
      %mul3A_146 = arith.constant 2 : i32
      %mul3A_147 = arith.muli %scan3A_113, %mul3A_146 : i32
      %add3A_148 = arith.constant 1 : i32
      %add3A_149 = arith.addi %mul3A_147, %add3A_148 : i32
      %add3A_150 = arith.constant 1 : i32
      %add3A_151 = arith.addi %add3A_149, %add3A_150 : i32
      %lt3A_152 = arith.constant 125 : i32
      %lt3A_153 = arith.cmpi slt, %add3A_151, %lt3A_152 : i32
      %convert_element_type3A_154 = arith.extui %lt3A_153 : i1 to i32
      %cond3A_155 = arith.constant 0 : i32
      %cond3A_156 = arith.cmpi ne, %convert_element_type3A_154, %cond3A_155 : i32
      scf.if %cond3A_156 {
        %ge3A = arith.constant 1 : i32
        %ge3A_179 = arith.cmpi sge, %add3A_149, %ge3A : i32
        %convert_element_type3A_180 = arith.extui %ge3A_179 : i1 to i32
        %cond3A_181 = arith.constant 0 : i32
        %cond3A_182 = arith.cmpi ne, %convert_element_type3A_180, %cond3A_181 : i32
        scf.if %cond3A_182 {
          %dma_wait3A_196 = arith.constant 0 : i32
          %dma_wait3A_197 = arith.constant 0 : i32
          %dma_wait3A_198 = arith.constant 0 : i32
          %dma_wait3A_199 = tpu.memref_slice %arg9[%dma_wait3A_196, %dma_wait3A_197, %dma_wait3A_198] : memref<2x80x128xf32, #tpu.memory_space<vmem>> -> memref<1x80x128xf32, #tpu.memory_space<vmem>>
          %dma_wait3A_200 = tpu.memref_squeeze %dma_wait3A_199 : memref<1x80x128xf32, #tpu.memory_space<vmem>> -> memref<80x128xf32, #tpu.memory_space<vmem>>
          %dma_wait3A_201 = arith.constant 0 : i32
          %dma_wait3A_202 = arith.constant 0 : i32
          %dma_wait3A_203 = tpu.memref_slice %arg5[%arg0, %dma_wait3A_201, %dma_wait3A_202] : memref<2x10240x128xf32, #tpu.memory_space<hbm>> -> memref<1x80x128xf32, #tpu.memory_space<hbm>>
          %dma_wait3A_204 = tpu.memref_squeeze %dma_wait3A_203 : memref<1x80x128xf32, #tpu.memory_space<hbm>> -> memref<80x128xf32, #tpu.memory_space<hbm>>
          %dma_wait3A_205 = arith.constant 0 : i32
          %dma_wait3A_206 = arith.constant 0 : i32
          %dma_wait3A_207 = tpu.memref_slice %arg5[%arg0, %dma_wait3A_205, %dma_wait3A_206] : memref<2x10240x128xf32, #tpu.memory_space<hbm>> -> memref<1x80x128xf32, #tpu.memory_space<hbm>>
          %dma_wait3A_208 = tpu.memref_squeeze %dma_wait3A_207 : memref<1x80x128xf32, #tpu.memory_space<hbm>> -> memref<80x128xf32, #tpu.memory_space<hbm>>
          %dma_wait3A_209 = arith.constant 0 : i32
          %dma_wait3A_210 = arith.constant 0 : i32
          %dma_wait3A_211 = tpu.memref_slice %arg9[%dma_wait3A_196, %dma_wait3A_209, %dma_wait3A_210] : memref<2x80x128xf32, #tpu.memory_space<vmem>> -> memref<1x80x128xf32, #tpu.memory_space<vmem>>
          %dma_wait3A_212 = tpu.memref_squeeze %dma_wait3A_211 : memref<1x80x128xf32, #tpu.memory_space<vmem>> -> memref<80x128xf32, #tpu.memory_space<vmem>>
          tpu.wait_dma2 semaphore(%arg12 : memref<!tpu.dma_semaphore, #tpu.memory_space<semaphore_mem>>) src(%dma_wait3A_212 : memref<80x128xf32, #tpu.memory_space<vmem>>) dst(%dma_wait3A_208 : memref<80x128xf32, #tpu.memory_space<hbm>>)
        } else {
        }
        %add3A_183 = arith.constant 1 : i32
        %add3A_184 = arith.addi %add3A_149, %add3A_183 : i32
        %mul3A_185 = arith.constant 80 : i32
        %mul3A_186 = arith.muli %add3A_184, %mul3A_185 : i32
        %dma_start3A_187 = arith.constant 0 : i32
        %dma_start3A_188 = arith.constant 0 : i32
        %dma_start3A_189 = arith.constant 0 : i32
        %dma_start3A_190 = tpu.memref_slice %arg9[%dma_start3A_187, %dma_start3A_188, %dma_start3A_189] : memref<2x80x128xf32, #tpu.memory_space<vmem>> -> memref<1x80x128xf32, #tpu.memory_space<vmem>>
        %dma_start3A_191 = tpu.memref_squeeze %dma_start3A_190 : memref<1x80x128xf32, #tpu.memory_space<vmem>> -> memref<80x128xf32, #tpu.memory_space<vmem>>
        %dma_start3A_192 = tpu.memref_slice %arg6[%mul3A_186] : memref<10000xi32, #tpu.memory_space<vmem>> -> memref<80xi32, #tpu.memory_space<vmem>>
        %dma_start3A_193 = arith.constant 0 : i32
        %dma_start3A_194 = arith.constant 0 : i32
        %dma_start3A_195 = tpu.memref_slice %arg2[%dma_start3A_193, %dma_start3A_194] : memref<10240x128xf32, #tpu.memory_space<hbm>> -> memref<10240x128xf32, #tpu.memory_space<hbm>>
        tpu.enqueue_indirect_dma source(%dma_start3A_195 : memref<10240x128xf32, #tpu.memory_space<hbm>>) target(%dma_start3A_191 : memref<80x128xf32, #tpu.memory_space<vmem>>) offsets(%dma_start3A_192 : memref<80xi32, #tpu.memory_space<vmem>>) semaphore(%arg10 : memref<!tpu.dma_semaphore, #tpu.memory_space<semaphore_mem>>)
      } else {
      }
      %mul3A_157 = arith.constant 80 : i32
      %mul3A_158 = arith.muli %add3A_149, %mul3A_157 : i32
      %dma_wait3A_159 = arith.constant 1 : i32
      %dma_wait3A_160 = arith.constant 0 : i32
      %dma_wait3A_161 = arith.constant 0 : i32
      %dma_wait3A_162 = tpu.memref_slice %arg9[%dma_wait3A_159, %dma_wait3A_160, %dma_wait3A_161] : memref<2x80x128xf32, #tpu.memory_space<vmem>> -> memref<1x80x128xf32, #tpu.memory_space<vmem>>
      %dma_wait3A_163 = tpu.memref_squeeze %dma_wait3A_162 : memref<1x80x128xf32, #tpu.memory_space<vmem>> -> memref<80x128xf32, #tpu.memory_space<vmem>>
      %dma_wait3A_164 = tpu.memref_slice %arg6[%mul3A_158] : memref<10000xi32, #tpu.memory_space<vmem>> -> memref<80xi32, #tpu.memory_space<vmem>>
      %dma_wait3A_165 = arith.constant 0 : i32
      %dma_wait3A_166 = arith.constant 0 : i32
      %dma_wait3A_167 = tpu.memref_slice %arg2[%dma_wait3A_165, %dma_wait3A_166] : memref<10240x128xf32, #tpu.memory_space<hbm>> -> memref<10240x128xf32, #tpu.memory_space<hbm>>
      tpu.wait_indirect_dma semaphore(%arg11 : memref<!tpu.dma_semaphore, #tpu.memory_space<semaphore_mem>>) src(%dma_wait3A_167 : memref<10240x128xf32, #tpu.memory_space<hbm>>) dst(%dma_wait3A_163 : memref<80x128xf32, #tpu.memory_space<vmem>>)
      %dma_start3A_168 = arith.constant 1 : i32
      %dma_start3A_169 = arith.constant 0 : i32
      %dma_start3A_170 = arith.constant 0 : i32
      %dma_start3A_171 = tpu.memref_slice %arg9[%dma_start3A_168, %dma_start3A_169, %dma_start3A_170] : memref<2x80x128xf32, #tpu.memory_space<vmem>> -> memref<1x80x128xf32, #tpu.memory_space<vmem>>
      %dma_start3A_172 = tpu.memref_squeeze %dma_start3A_171 : memref<1x80x128xf32, #tpu.memory_space<vmem>> -> memref<80x128xf32, #tpu.memory_space<vmem>>
      %dma_start3A_173 = arith.constant 0 : i32
      %dma_start3A_174 = tpu.memref_slice %arg7[%add3A_149, %dma_start3A_173] : memref<125x80xi32, #tpu.memory_space<vmem>> -> memref<1x80xi32, #tpu.memory_space<vmem>>
      %dma_start3A_175 = tpu.memref_squeeze %dma_start3A_174 : memref<1x80xi32, #tpu.memory_space<vmem>> -> memref<80xi32, #tpu.memory_space<vmem>>
      %dma_start3A_176 = arith.constant 0 : i32
      %dma_start3A_177 = arith.constant 0 : i32
      %dma_start3A_178 = tpu.memref_slice %arg8[%dma_start3A_176, %dma_start3A_177] : memref<10240x128xf32, #tpu.memory_space<vmem_shared>> -> memref<10240x128xf32, #tpu.memory_space<vmem_shared>>
      tpu.enqueue_indirect_dma source(%dma_start3A_172 : memref<80x128xf32, #tpu.memory_space<vmem>>) target(%dma_start3A_178 : memref<10240x128xf32, #tpu.memory_space<vmem_shared>>) offsets(%dma_start3A_175 : memref<80xi32, #tpu.memory_space<vmem>>) semaphore(%arg13 : memref<!tpu.dma_semaphore, #tpu.memory_space<semaphore_mem>>) {add = true}
    }
    %scan3A_55 = arith.constant 62 : i32
    %dma_wait3A_56 = arith.constant 0 : i32
    %dma_wait3A_57 = arith.constant 0 : i32
    %dma_wait3A_58 = arith.constant 0 : i32
    %dma_wait3A_59 = tpu.memref_slice %arg9[%dma_wait3A_56, %dma_wait3A_57, %dma_wait3A_58] : memref<2x80x128xf32, #tpu.memory_space<vmem>> -> memref<1x80x128xf32, #tpu.memory_space<vmem>>
    %dma_wait3A_60 = tpu.memref_squeeze %dma_wait3A_59 : memref<1x80x128xf32, #tpu.memory_space<vmem>> -> memref<80x128xf32, #tpu.memory_space<vmem>>
    %dma_wait3A_61 = arith.constant 9920 : i32
    %dma_wait3A_62 = tpu.memref_slice %arg6[%dma_wait3A_61] : memref<10000xi32, #tpu.memory_space<vmem>> -> memref<80xi32, #tpu.memory_space<vmem>>
    %dma_wait3A_63 = arith.constant 0 : i32
    %dma_wait3A_64 = arith.constant 0 : i32
    %dma_wait3A_65 = tpu.memref_slice %arg2[%dma_wait3A_63, %dma_wait3A_64] : memref<10240x128xf32, #tpu.memory_space<hbm>> -> memref<10240x128xf32, #tpu.memory_space<hbm>>
    tpu.wait_indirect_dma semaphore(%arg10 : memref<!tpu.dma_semaphore, #tpu.memory_space<semaphore_mem>>) src(%dma_wait3A_65 : memref<10240x128xf32, #tpu.memory_space<hbm>>) dst(%dma_wait3A_60 : memref<80x128xf32, #tpu.memory_space<vmem>>)
    %dma_start3A_66 = arith.constant 0 : i32
    %dma_start3A_67 = arith.constant 124 : i32
    %dma_start3A_68 = arith.constant 0 : i32
    %dma_start3A_69 = arith.constant 0 : i32
    %dma_start3A_70 = tpu.memref_slice %arg9[%dma_start3A_66, %dma_start3A_68, %dma_start3A_69] : memref<2x80x128xf32, #tpu.memory_space<vmem>> -> memref<1x80x128xf32, #tpu.memory_space<vmem>>
    %dma_start3A_71 = tpu.memref_squeeze %dma_start3A_70 : memref<1x80x128xf32, #tpu.memory_space<vmem>> -> memref<80x128xf32, #tpu.memory_space<vmem>>
    %dma_start3A_72 = arith.constant 0 : i32
    %dma_start3A_73 = tpu.memref_slice %arg7[%dma_start3A_67, %dma_start3A_72] : memref<125x80xi32, #tpu.memory_space<vmem>> -> memref<1x80xi32, #tpu.memory_space<vmem>>
    %dma_start3A_74 = tpu.memref_squeeze %dma_start3A_73 : memref<1x80xi32, #tpu.memory_space<vmem>> -> memref<80xi32, #tpu.memory_space<vmem>>
    %dma_start3A_75 = arith.constant 0 : i32
    %dma_start3A_76 = arith.constant 0 : i32
    %dma_start3A_77 = tpu.memref_slice %arg8[%dma_start3A_75, %dma_start3A_76] : memref<10240x128xf32, #tpu.memory_space<vmem_shared>> -> memref<10240x128xf32, #tpu.memory_space<vmem_shared>>
    tpu.enqueue_indirect_dma source(%dma_start3A_71 : memref<80x128xf32, #tpu.memory_space<vmem>>) target(%dma_start3A_77 : memref<10240x128xf32, #tpu.memory_space<vmem_shared>>) offsets(%dma_start3A_74 : memref<80xi32, #tpu.memory_space<vmem>>) semaphore(%arg12 : memref<!tpu.dma_semaphore, #tpu.memory_space<semaphore_mem>>) {add = true}
    %dma_wait3A_78 = arith.constant 0 : i32
    %dma_wait3A_79 = arith.constant 0 : i32
    %dma_wait3A_80 = arith.constant 0 : i32
    %dma_wait3A_81 = tpu.memref_slice %arg9[%dma_wait3A_78, %dma_wait3A_79, %dma_wait3A_80] : memref<2x80x128xf32, #tpu.memory_space<vmem>> -> memref<1x80x128xf32, #tpu.memory_space<vmem>>
    %dma_wait3A_82 = tpu.memref_squeeze %dma_wait3A_81 : memref<1x80x128xf32, #tpu.memory_space<vmem>> -> memref<80x128xf32, #tpu.memory_space<vmem>>
    %dma_wait3A_83 = arith.constant 0 : i32
    %dma_wait3A_84 = arith.constant 0 : i32
    %dma_wait3A_85 = tpu.memref_slice %arg5[%arg0, %dma_wait3A_83, %dma_wait3A_84] : memref<2x10240x128xf32, #tpu.memory_space<hbm>> -> memref<1x80x128xf32, #tpu.memory_space<hbm>>
    %dma_wait3A_86 = tpu.memref_squeeze %dma_wait3A_85 : memref<1x80x128xf32, #tpu.memory_space<hbm>> -> memref<80x128xf32, #tpu.memory_space<hbm>>
    %dma_wait3A_87 = arith.constant 0 : i32
    %dma_wait3A_88 = arith.constant 0 : i32
    %dma_wait3A_89 = tpu.memref_slice %arg5[%arg0, %dma_wait3A_87, %dma_wait3A_88] : memref<2x10240x128xf32, #tpu.memory_space<hbm>> -> memref<1x80x128xf32, #tpu.memory_space<hbm>>
    %dma_wait3A_90 = tpu.memref_squeeze %dma_wait3A_89 : memref<1x80x128xf32, #tpu.memory_space<hbm>> -> memref<80x128xf32, #tpu.memory_space<hbm>>
    %dma_wait3A_91 = arith.constant 0 : i32
    %dma_wait3A_92 = arith.constant 0 : i32
    %dma_wait3A_93 = tpu.memref_slice %arg9[%dma_wait3A_78, %dma_wait3A_91, %dma_wait3A_92] : memref<2x80x128xf32, #tpu.memory_space<vmem>> -> memref<1x80x128xf32, #tpu.memory_space<vmem>>
    %dma_wait3A_94 = tpu.memref_squeeze %dma_wait3A_93 : memref<1x80x128xf32, #tpu.memory_space<vmem>> -> memref<80x128xf32, #tpu.memory_space<vmem>>
    tpu.wait_dma2 semaphore(%arg12 : memref<!tpu.dma_semaphore, #tpu.memory_space<semaphore_mem>>) src(%dma_wait3A_94 : memref<80x128xf32, #tpu.memory_space<vmem>>) dst(%dma_wait3A_90 : memref<80x128xf32, #tpu.memory_space<hbm>>)
    %dma_wait3A_95 = arith.constant 1 : i32
    %dma_wait3A_96 = arith.constant 0 : i32
    %dma_wait3A_97 = arith.constant 0 : i32
    %dma_wait3A_98 = tpu.memref_slice %arg9[%dma_wait3A_95, %dma_wait3A_96, %dma_wait3A_97] : memref<2x80x128xf32, #tpu.memory_space<vmem>> -> memref<1x80x128xf32, #tpu.memory_space<vmem>>
    %dma_wait3A_99 = tpu.memref_squeeze %dma_wait3A_98 : memref<1x80x128xf32, #tpu.memory_space<vmem>> -> memref<80x128xf32, #tpu.memory_space<vmem>>
    %dma_wait3A_100 = arith.constant 0 : i32
    %dma_wait3A_101 = arith.constant 0 : i32
    %dma_wait3A_102 = tpu.memref_slice %arg5[%arg0, %dma_wait3A_100, %dma_wait3A_101] : memref<2x10240x128xf32, #tpu.memory_space<hbm>> -> memref<1x80x128xf32, #tpu.memory_space<hbm>>
    %dma_wait3A_103 = tpu.memref_squeeze %dma_wait3A_102 : memref<1x80x128xf32, #tpu.memory_space<hbm>> -> memref<80x128xf32, #tpu.memory_space<hbm>>
    %dma_wait3A_104 = arith.constant 0 : i32
    %dma_wait3A_105 = arith.constant 0 : i32
    %dma_wait3A_106 = tpu.memref_slice %arg5[%arg0, %dma_wait3A_104, %dma_wait3A_105] : memref<2x10240x128xf32, #tpu.memory_space<hbm>> -> memref<1x80x128xf32, #tpu.memory_space<hbm>>
    %dma_wait3A_107 = tpu.memref_squeeze %dma_wait3A_106 : memref<1x80x128xf32, #tpu.memory_space<hbm>> -> memref<80x128xf32, #tpu.memory_space<hbm>>
    %dma_wait3A_108 = arith.constant 0 : i32
    %dma_wait3A_109 = arith.constant 0 : i32
    %dma_wait3A_110 = tpu.memref_slice %arg9[%dma_wait3A_95, %dma_wait3A_108, %dma_wait3A_109] : memref<2x80x128xf32, #tpu.memory_space<vmem>> -> memref<1x80x128xf32, #tpu.memory_space<vmem>>
    %dma_wait3A_111 = tpu.memref_squeeze %dma_wait3A_110 : memref<1x80x128xf32, #tpu.memory_space<vmem>> -> memref<80x128xf32, #tpu.memory_space<vmem>>
    tpu.wait_dma2 semaphore(%arg13 : memref<!tpu.dma_semaphore, #tpu.memory_space<semaphore_mem>>) src(%dma_wait3A_111 : memref<80x128xf32, #tpu.memory_space<vmem>>) dst(%dma_wait3A_107 : memref<80x128xf32, #tpu.memory_space<hbm>>)
    %barrier3A_112 = arith.constant 0 : index
    tpu.barrier barrier_id(%barrier3A_112)
    "tpu.region"() ({
      %run_scoped3A = tpu.sem_alloc : memref<!tpu.dma_semaphore, #tpu.memory_space<semaphore_mem>>
      %dma_start3A_113 = arith.constant 0 : i32
      %dma_start3A_114 = tpu.memref_slice %arg5[%arg0, %mul3A_2, %dma_start3A_113] : memref<2x10240x128xf32, #tpu.memory_space<hbm>> -> memref<1x640x128xf32, #tpu.memory_space<hbm>>
      %dma_start3A_115 = tpu.memref_squeeze %dma_start3A_114 : memref<1x640x128xf32, #tpu.memory_space<hbm>> -> memref<640x128xf32, #tpu.memory_space<hbm>>
      %dma_start3A_116 = arith.constant 0 : i32
      %dma_start3A_117 = tpu.memref_slice %arg8[%mul3A_2, %dma_start3A_116] : memref<10240x128xf32, #tpu.memory_space<vmem_shared>> -> memref<640x128xf32, #tpu.memory_space<vmem_shared>>
      tpu.enqueue_dma source(%dma_start3A_117 : memref<640x128xf32, #tpu.memory_space<vmem_shared>>) target(%dma_start3A_115 : memref<640x128xf32, #tpu.memory_space<hbm>>) target_semaphore(%run_scoped3A : memref<!tpu.dma_semaphore, #tpu.memory_space<semaphore_mem>>)
      %dma_wait3A_118 = arith.constant 0 : i32
      %dma_wait3A_119 = tpu.memref_slice %arg5[%arg0, %mul3A_2, %dma_wait3A_118] : memref<2x10240x128xf32, #tpu.memory_space<hbm>> -> memref<1x640x128xf32, #tpu.memory_space<hbm>>
      %dma_wait3A_120 = tpu.memref_squeeze %dma_wait3A_119 : memref<1x640x128xf32, #tpu.memory_space<hbm>> -> memref<640x128xf32, #tpu.memory_space<hbm>>
      %dma_wait3A_121 = arith.constant 0 : i32
      %dma_wait3A_122 = tpu.memref_slice %arg8[%mul3A_2, %dma_wait3A_121] : memref<10240x128xf32, #tpu.memory_space<vmem_shared>> -> memref<640x128xf32, #tpu.memory_space<vmem_shared>>
      tpu.wait_dma2 semaphore(%run_scoped3A : memref<!tpu.dma_semaphore, #tpu.memory_space<semaphore_mem>>) src(%dma_wait3A_122 : memref<640x128xf32, #tpu.memory_space<vmem_shared>>) dst(%dma_wait3A_120 : memref<640x128xf32, #tpu.memory_space<hbm>>)
      tpu.yield
    }) : () -> ()
    return
  }
}

module attributes {stable_mosaic.version = 14 : i64} {
  func.func @_tc_b1_body(%arg0: memref<10240x128xf32, #tpu.memory_space<vmem>>, %arg1: memref<128x128xf32, #tpu.memory_space<vmem>>, %arg2: memref<10240x128xf32, #tpu.memory_space<vmem>>) attributes {dimension_semantics = [], scalar_prefetch = 0 : i64, scratch_operands = 0 : i64, tpu.core_type = #tpu.core_type<tc>} {
    %get3A = arith.constant 0 : index
    %get3A_0 = arith.constant 0 : index
    %get3A_1 = vector.load %arg0[%get3A, %get3A_0] : memref<10240x128xf32, #tpu.memory_space<vmem>>, vector<10240x128xf32>
    %get3A_2 = arith.constant 0 : index
    %get3A_3 = arith.constant 0 : index
    %get3A_4 = vector.load %arg1[%get3A_2, %get3A_3] : memref<128x128xf32, #tpu.memory_space<vmem>>, vector<128x128xf32>
    %dot_general3A = arith.constant dense<0.000000e+00> : vector<10240x128xf32>
    %dot_general3A_5 = tpu.matmul %get3A_1, %get3A_4, %dot_general3A {dimension_numbers = #tpu.dot_dimension_numbers<[1], [0], [0], [1], [0, 0, 1, 1], [], []>, transpose_lhs_hint = false} : vector<10240x128xf32>, vector<128x128xf32>, vector<10240x128xf32> -> vector<10240x128xf32>
    %swap3A = arith.constant 0 : index
    %swap3A_6 = arith.constant 0 : index
    %swap3A_7 = vector.load %arg2[%swap3A, %swap3A_6] : memref<10240x128xf32, #tpu.memory_space<vmem>>, vector<10240x128xf32>
    tpu.vector_store %arg2[%swap3A, %swap3A_6], %dot_general3A_5 {strides = array<i32>} : memref<10240x128xf32, #tpu.memory_space<vmem>>, vector<10240x128xf32>,
    return
  }
}

module attributes {stable_mosaic.version = 14 : i64} {
  func.func @_tc_b2_body(%arg0: memref<2x10240xf32, #tpu.memory_space<vmem>>, %arg1: memref<10240x128xf32, #tpu.memory_space<vmem>>, %arg2: memref<10240x128xf32, #tpu.memory_space<vmem>>, %arg3: memref<10240x1xf32, #tpu.memory_space<vmem>>) attributes {dimension_semantics = [], scalar_prefetch = 0 : i64, scratch_operands = 0 : i64, tpu.core_type = #tpu.core_type<tc>} {
    %get3A = arith.constant 0 : index
    %get3A_0 = arith.constant 0 : index
    %get3A_1 = vector.load %arg0[%get3A, %get3A_0] : memref<2x10240xf32, #tpu.memory_space<vmem>>, vector<2x10240xf32>
    %broadcast_in_dim3A = arith.constant 1.000000e+00 : f32
    %broadcast_in_dim3A_2 = vector.broadcast %broadcast_in_dim3A : f32 to vector<2x1xf32>
    %dot_general3A = arith.constant dense<0.000000e+00> : vector<10240x1xf32>
    %dot_general3A_3 = tpu.matmul %get3A_1, %broadcast_in_dim3A_2, %dot_general3A {dimension_numbers = #tpu.dot_dimension_numbers<[0], [0], [1], [1], [0, 1, 1, 1], [], []>, transpose_lhs_hint = false} : vector<2x10240xf32>, vector<2x1xf32>, vector<10240x1xf32> -> vector<10240x1xf32>
    %add3A = arith.constant 1.000000e+00 : f32
    %add3A_4 = vector.broadcast %add3A : f32 to vector<10240x1xf32>
    %add3A_5 = arith.addf %dot_general3A_3, %add3A_4 : vector<10240x1xf32>
    %rsqrt3A = math.rsqrt %add3A_5 : vector<10240x1xf32>
    %get3A_6 = arith.constant 0 : index
    %get3A_7 = arith.constant 0 : index
    %get3A_8 = vector.load %arg1[%get3A_6, %get3A_7] : memref<10240x128xf32, #tpu.memory_space<vmem>>, vector<10240x128xf32>
    %mul3A = vector.broadcast %rsqrt3A : vector<10240x1xf32> to vector<10240x128xf32>
    %mul3A_9 = arith.mulf %mul3A, %get3A_8 : vector<10240x128xf32>
    %swap3A = arith.constant 0 : index
    %swap3A_10 = arith.constant 0 : index
    %swap3A_11 = vector.load %arg2[%swap3A, %swap3A_10] : memref<10240x128xf32, #tpu.memory_space<vmem>>, vector<10240x128xf32>
    tpu.vector_store %arg2[%swap3A, %swap3A_10], %mul3A_9 {strides = array<i32>} : memref<10240x128xf32, #tpu.memory_space<vmem>>, vector<10240x128xf32>,
    %swap3A_12 = arith.constant 0 : index
    %swap3A_13 = arith.constant 0 : index
    %swap3A_14 = vector.load %arg3[%swap3A_12, %swap3A_13] : memref<10240x1xf32, #tpu.memory_space<vmem>>, vector<10240x1xf32>
    tpu.vector_store %arg3[%swap3A_12, %swap3A_13], %rsqrt3A {strides = array<i32>} : memref<10240x1xf32, #tpu.memory_space<vmem>>, vector<10240x1xf32>,
    return
  }
}

module attributes {stable_mosaic.version = 14 : i64} {
  func.func @_tc_d_body(%arg0: memref<2x10240x128xf32, #tpu.memory_space<vmem>>, %arg1: memref<10240x1xf32, #tpu.memory_space<vmem>>, %arg2: memref<1x128xf32, #tpu.memory_space<vmem>>, %arg3: memref<128x128xf32, #tpu.memory_space<vmem>>, %arg4: memref<10240x128xf32, #tpu.memory_space<vmem>>) attributes {dimension_semantics = [], scalar_prefetch = 0 : i64, scratch_operands = 0 : i64, tpu.core_type = #tpu.core_type<tc>} {
    %get3A = arith.constant 0 : index
    %get3A_0 = arith.constant 0 : index
    %get3A_1 = arith.constant 0 : index
    %get3A_2 = vector.load %arg0[%get3A, %get3A_0, %get3A_1] : memref<2x10240x128xf32, #tpu.memory_space<vmem>>, vector<1x10240x128xf32>
    %get3A_3 = vector.shape_cast %get3A_2 : vector<1x10240x128xf32> to vector<10240x128xf32>
    %get3A_4 = arith.constant 1 : index
    %get3A_5 = arith.constant 0 : index
    %get3A_6 = arith.constant 0 : index
    %get3A_7 = vector.load %arg0[%get3A_4, %get3A_5, %get3A_6] : memref<2x10240x128xf32, #tpu.memory_space<vmem>>, vector<1x10240x128xf32>
    %get3A_8 = vector.shape_cast %get3A_7 : vector<1x10240x128xf32> to vector<10240x128xf32>
    %add3A = arith.addf %get3A_3, %get3A_8 : vector<10240x128xf32>
    %get3A_9 = arith.constant 0 : index
    %get3A_10 = arith.constant 0 : index
    %get3A_11 = vector.load %arg1[%get3A_9, %get3A_10] : memref<10240x1xf32, #tpu.memory_space<vmem>>, vector<10240x1xf32>
    %mul3A = vector.broadcast %get3A_11 : vector<10240x1xf32> to vector<10240x128xf32>
    %mul3A_12 = arith.mulf %mul3A, %add3A : vector<10240x128xf32>
    %get3A_13 = arith.constant 0 : index
    %get3A_14 = arith.constant 0 : index
    %get3A_15 = vector.load %arg2[%get3A_13, %get3A_14] : memref<1x128xf32, #tpu.memory_space<vmem>>, vector<1x128xf32>
    %add3A_16 = vector.broadcast %get3A_15 : vector<1x128xf32> to vector<10240x128xf32>
    %add3A_17 = arith.addf %mul3A_12, %add3A_16 : vector<10240x128xf32>
    %max3A = arith.constant 0.000000e+00 : f32
    %max3A_18 = vector.broadcast %max3A : f32 to vector<10240x128xf32>
    %max3A_19 = arith.maximumf %add3A_17, %max3A_18 : vector<10240x128xf32>
    %get3A_20 = arith.constant 0 : index
    %get3A_21 = arith.constant 0 : index
    %get3A_22 = vector.load %arg1[%get3A_20, %get3A_21] : memref<10240x1xf32, #tpu.memory_space<vmem>>, vector<10240x1xf32>
    %get3A_23 = arith.constant 0 : index
    %get3A_24 = arith.constant 0 : index
    %get3A_25 = vector.load %arg3[%get3A_23, %get3A_24] : memref<128x128xf32, #tpu.memory_space<vmem>>, vector<128x128xf32>
    %dot_general3A = arith.constant dense<0.000000e+00> : vector<10240x128xf32>
    %dot_general3A_26 = tpu.matmul %max3A_19, %get3A_25, %dot_general3A {dimension_numbers = #tpu.dot_dimension_numbers<[1], [0], [0], [1], [0, 0, 1, 1], [], []>, transpose_lhs_hint = false} : vector<10240x128xf32>, vector<128x128xf32>, vector<10240x128xf32> -> vector<10240x128xf32>
    %mul3A_27 = vector.broadcast %get3A_22 : vector<10240x1xf32> to vector<10240x128xf32>
    %mul3A_28 = arith.mulf %mul3A_27, %dot_general3A_26 : vector<10240x128xf32>
    %swap3A = arith.constant 0 : index
    %swap3A_29 = arith.constant 0 : index
    %swap3A_30 = vector.load %arg4[%swap3A, %swap3A_29] : memref<10240x128xf32, #tpu.memory_space<vmem>>, vector<10240x128xf32>
    tpu.vector_store %arg4[%swap3A, %swap3A_29], %mul3A_28 {strides = array<i32>} : memref<10240x128xf32, #tpu.memory_space<vmem>>, vector<10240x128xf32>,
    return
  }
}

module attributes {stable_mosaic.version = 14 : i64} {
  func.func @_tc_e_body(%arg0: memref<2x10240x128xf32, #tpu.memory_space<vmem>>, %arg1: memref<10240x1xf32, #tpu.memory_space<vmem>>, %arg2: memref<1x128xf32, #tpu.memory_space<vmem>>, %arg3: memref<4x128xf32, #tpu.memory_space<vmem>>) attributes {dimension_semantics = [], scalar_prefetch = 0 : i64, scratch_operands = 0 : i64, tpu.core_type = #tpu.core_type<tc>} {
    %get3A = arith.constant 0 : index
    %get3A_0 = arith.constant 0 : index
    %get3A_1 = arith.constant 0 : index
    %get3A_2 = vector.load %arg0[%get3A, %get3A_0, %get3A_1] : memref<2x10240x128xf32, #tpu.memory_space<vmem>>, vector<1x10240x128xf32>
    %get3A_3 = vector.shape_cast %get3A_2 : vector<1x10240x128xf32> to vector<10240x128xf32>
    %get3A_4 = arith.constant 1 : index
    %get3A_5 = arith.constant 0 : index
    %get3A_6 = arith.constant 0 : index
    %get3A_7 = vector.load %arg0[%get3A_4, %get3A_5, %get3A_6] : memref<2x10240x128xf32, #tpu.memory_space<vmem>>, vector<1x10240x128xf32>
    %get3A_8 = vector.shape_cast %get3A_7 : vector<1x10240x128xf32> to vector<10240x128xf32>
    %add3A = arith.addf %get3A_3, %get3A_8 : vector<10240x128xf32>
    %get3A_9 = arith.constant 0 : index
    %get3A_10 = arith.constant 0 : index
    %get3A_11 = vector.load %arg1[%get3A_9, %get3A_10] : memref<10240x1xf32, #tpu.memory_space<vmem>>, vector<10240x1xf32>
    %mul3A = vector.broadcast %get3A_11 : vector<10240x1xf32> to vector<10240x128xf32>
    %mul3A_12 = arith.mulf %mul3A, %add3A : vector<10240x128xf32>
    %get3A_13 = arith.constant 0 : index
    %get3A_14 = arith.constant 0 : index
    %get3A_15 = vector.load %arg2[%get3A_13, %get3A_14] : memref<1x128xf32, #tpu.memory_space<vmem>>, vector<1x128xf32>
    %add3A_16 = vector.broadcast %get3A_15 : vector<1x128xf32> to vector<10240x128xf32>
    %add3A_17 = arith.addf %mul3A_12, %add3A_16 : vector<10240x128xf32>
    %max3A = arith.constant 0.000000e+00 : f32
    %max3A_18 = vector.broadcast %max3A : f32 to vector<10240x128xf32>
    %max3A_19 = arith.maximumf %add3A_17, %max3A_18 : vector<10240x128xf32>
    %iota3A = tpu.iota {dimensions = array<i32: 0>} : vector<4x10240xi32>
    %iota3A_20 = tpu.iota {dimensions = array<i32: 1>} : vector<4x10240xi32>
    %jit3A = arith.constant 2500 : i32
    %div3A = vector.broadcast %jit3A : i32 to vector<4x10240xi32>
    %div3A_21 = arith.divsi %iota3A_20, %div3A : vector<4x10240xi32>
    %sign3A = arith.constant 0 : i32
    %sign3A_22 = vector.broadcast %sign3A : i32 to vector<4x10240xi32>
    %sign3A_23 = arith.cmpi sgt, %iota3A_20, %sign3A_22 : vector<4x10240xi32>
    %sign3A_24 = arith.extui %sign3A_23 : vector<4x10240xi1> to vector<4x10240xi32>
    %sign3A_25 = arith.constant 0 : i32
    %sign3A_26 = vector.broadcast %sign3A_25 : i32 to vector<4x10240xi32>
    %sign3A_27 = arith.cmpi slt, %iota3A_20, %sign3A_26 : vector<4x10240xi32>
    %sign3A_28 = arith.extui %sign3A_27 : vector<4x10240xi1> to vector<4x10240xi32>
    %sign3A_29 = arith.subi %sign3A_24, %sign3A_28 : vector<4x10240xi32>
    %sign3A_30 = arith.constant 0 : i32
    %sign3A_31 = arith.cmpi sgt, %jit3A, %sign3A_30 : i32
    %sign3A_32 = arith.extui %sign3A_31 : i1 to i32
    %sign3A_33 = arith.constant 0 : i32
    %sign3A_34 = arith.cmpi slt, %jit3A, %sign3A_33 : i32
    %sign3A_35 = arith.extui %sign3A_34 : i1 to i32
    %sign3A_36 = arith.subi %sign3A_32, %sign3A_35 : i32
    %ne3A = vector.broadcast %sign3A_36 : i32 to vector<4x10240xi32>
    %ne3A_37 = arith.cmpi ne, %sign3A_29, %ne3A : vector<4x10240xi32>
    %rem3A = vector.broadcast %jit3A : i32 to vector<4x10240xi32>
    %rem3A_38 = arith.remsi %iota3A_20, %rem3A : vector<4x10240xi32>
    %ne3A_39 = arith.constant 0 : i32
    %ne3A_40 = vector.broadcast %ne3A_39 : i32 to vector<4x10240xi32>
    %ne3A_41 = arith.cmpi ne, %rem3A_38, %ne3A_40 : vector<4x10240xi32>
    %and3A = arith.andi %ne3A_37, %ne3A_41 : vector<4x10240xi1>
    %sub3A = arith.constant 1 : i32
    %sub3A_42 = vector.broadcast %sub3A : i32 to vector<4x10240xi32>
    %sub3A_43 = arith.subi %div3A_21, %sub3A_42 : vector<4x10240xi32>
    %select_n3A = arith.select %and3A, %sub3A_43, %div3A_21 : vector<4x10240xi1>, vector<4x10240xi32>
    %eq3A = arith.cmpi eq, %select_n3A, %iota3A : vector<4x10240xi32>
    %lt3A = arith.constant 10000 : i32
    %lt3A_44 = vector.broadcast %lt3A : i32 to vector<4x10240xi32>
    %lt3A_45 = arith.cmpi slt, %iota3A_20, %lt3A_44 : vector<4x10240xi32>
    %and3A_46 = arith.andi %eq3A, %lt3A_45 : vector<4x10240xi1>
    %jit3A_47 = arith.constant 4.000000e-04 : f32
    %jit3A_48 = arith.constant 0.000000e+00 : f32
    %broadcast_in_dim3A = vector.broadcast %jit3A_47 : f32 to vector<4x10240xf32>
    %broadcast_in_dim3A_49 = vector.broadcast %jit3A_48 : f32 to vector<4x10240xf32>
    %select_n3A_50 = arith.select %and3A_46, %broadcast_in_dim3A, %broadcast_in_dim3A_49 : vector<4x10240xi1>, vector<4x10240xf32>
    %dot_general3A = arith.constant dense<0.000000e+00> : vector<4x128xf32>
    %dot_general3A_51 = tpu.matmul %select_n3A_50, %max3A_19, %dot_general3A {dimension_numbers = #tpu.dot_dimension_numbers<[1], [0], [0], [1], [0, 0, 1, 1], [], []>, transpose_lhs_hint = false} : vector<4x10240xf32>, vector<10240x128xf32>, vector<4x128xf32> -> vector<4x128xf32>
    %swap3A = arith.constant 0 : index
    %swap3A_52 = arith.constant 0 : index
    %swap3A_53 = vector.load %arg3[%swap3A, %swap3A_52] : memref<4x128xf32, #tpu.memory_space<vmem>>, vector<4x128xf32>
    tpu.vector_store %arg3[%swap3A, %swap3A_52], %dot_general3A_51 {strides = array<i32>} : memref<4x128xf32, #tpu.memory_space<vmem>>, vector<4x128xf32>,
    return
  }
}

</mosaic_0001>

<sc_bundles>
// kernel: kernel.12.cloned.1.call-start
scs
__scs_entry_jumppad:
0x0: {  	(pc) =	sbr.rel $0x88, $3  }
0x1: {  	(tag) =	ssettag $0x0;
	lr =	simm.s32 $0x1  }
0x2: {  	[smem:$0x3F9B] =	sst lr;
	_ =	strace $0xD0000000  }
0x3: {  	_ = 	snop  }
0x4: {  	_ = 	snop  }
0x5: {  	_ = 	snop  }
0x6: {  	_ = 	snop  }
0x7: {  	_ = 	snop  }
__scs_overlays_trampoline_lowered:
0x8: {  	[smem:$0x3FAA] =	sst s0  }
0x9: {  	[smem:$0x3FAB] =	sst s1  }
0xa: {  	[smem:$0x3FAC] =	sst s2  }
0xb: {  	[smem:$0x3FAD] =	sst s3  }
0xc: {  	[smem:$0x3FAE] =	sst s4  }
0xd: {  	[smem:$0x3FAF] =	sst s5  }
0xe: {  	[smem:$0x3FB0] =	sst s6  }
0xf: {  	[smem:$0x3FB1] =	sst s7  }
0x10: {  	[smem:$0x3FB2] =	sst s8  }
0x11: {  	[smem:$0x3FB3] =	sst s9;
	s0 =	simm.s32 @!p0 $0x0  }
0x12: {  	s1 =	sld [smem:$0x3F99];
	s0 =	simm.s32 @p0 $0x1  }
0x13: {  	[smem:$0x3FB4] =	sst s0;
	s0 =	simm.s32 @!p1 $0x0  }
0x14: {  	s2 =	sld [smem:$0x3F98];
	s0 =	simm.s32 @p1 $0x1  }
0x15: {  	[smem:$0x3FB5] =	sst s0;
	s0 =	simm.s32 @!p2 $0x0  }
0x16: {  	s3 =	sld [smem:$0x3FDB];
	s0 =	simm.s32 @p2 $0x1  }
0x17: {  	s4 =	simm.s32 $0x1BF5;
	[smem:$0x3FB7] =	sst s0  }
0x18: {  	s0 =	sld [smem:$0x3F9A];
	_ =	swait.ge [sflag:s4], $0x0  }
0x19: {  	s7 =	sld [smem:$0x3F9B]  }
0x1a: {  	s8 =	sadd.s32 $0xFFFFE003, lr  }
0x1b: {  	s9 =	sadd.s32 $0xFFFFFEF7, lr;
	s5 =	simm.s32 $0xFFFFFFFF;
	p2 =	slt.u32 s8, $0xFFFFF086  }
0x1c: {  	p1 =	slt.u32 s9, $0xF7A;
	s5 =	simm.s32 @!p2 $0x0  }
0x1d: {  	s5 =	simm.s32 @p1 $0x1;
	p0 =	seq.s32 s7, s2  }
0x1e: {  	s7 =	smul.u32 @!p0 $0xF7A, s2;
	p2 =	seq.s32 @!p0 s5, $0x0  }
0x1f: {  	s9 =	smul.u32 $0xF7A, s1;
	s8 =	simm.s32 @!p0 $0x1BF5;
	p2 =	por !p2, p0  }
0x20: {  	[sflag:s8] =	ssyncset.s32 @!p0 $0xFFFFF086;
	s6 =	sadd.s32 @!p0 s3, s7;
	s7 =	simm.s32 @!p0 $0x108  }
0x21: {  	s3 =	sadd.s32 s3, s9;
	s6 =	sadd.s32 @!p0 $0x88, s6;
	s7 =	simm.s32 @p2 $0x1082  }
0x22: {  	[simem:s7], [sflag:s8] =	dma.local @!p0 [hbm:s6], $0xF7A  }
0x23: {  	s9 =	sor.u32 $0xD0000000, s2;
	s6 =	simm.s32 $0x108;
	_ =	swait.ge @!p0 [sflag:s8], $0x0  }
0x24: {  	s3 =	sadd.s32 $0x88, s3;
	s6 =	simm.s32 @!p1 $0x1082;
	[sflag:s4] =	ssyncset.s32 $0xFFFFF086  }
0x25: {  	[simem:s6], [sflag:s4] =	dma.local [hbm:s3], $0xF7A  }
0x26: {  	[smem:$0x3F9B] =	sst s1;
	(tag) =	ssettag s2;
	_ =	strace s9  }
0x27: {  	s1 =	sld [smem:$0x3FAB]  }
0x28: {  	s2 =	sld [smem:$0x3FAC]  }
0x29: {  	s4 =	sld [smem:$0x3FAE]  }
0x2a: {  	p0 =	seq.s32 s5, $0x0;
	s5 =	sld [smem:$0x3FAF]  }
0x2b: {  	s6 =	sld [smem:$0x3FB0]  }
0x2c: {  	s7 =	sld [smem:$0x3FB1]  }
0x2d: {  	s3 =	simm.s32 $0x108;
	s8 =	sld [smem:$0x3FB2]  }
0x2e: {  	s3 =	simm.s32 @!p0 $0x1082;
	s9 =	sld [smem:$0x3FB3]  }
0x2f: {  	lr =	sadd.s32 s0, s3;
	s0 =	sld [smem:$0x3FAA]  }
0x30: {  	s3 =	sld [smem:$0x3FAD]  }
0x31: {  	[smem:$0x3FB6] =	sst s10  }
0x32: {  	s10 =	sld [smem:$0x3FB4];
	_ =	sdelay $0x3  }
0x33: {  	p0 =	seq.s32 s10, $0x1;
	s10 =	sld [smem:$0x3FB6];
	_ =	sdelay $0x3  }
0x34: {  	[smem:$0x3FB6] =	sst s10  }
0x35: {  	s10 =	sld [smem:$0x3FB5];
	_ =	sdelay $0x3  }
0x36: {  	p1 =	seq.s32 s10, $0x1;
	s10 =	sld [smem:$0x3FB6];
	_ =	sdelay $0x3  }
0x37: {  	[smem:$0x3FB6] =	sst s10  }
0x38: {  	s10 =	sld [smem:$0x3FB7]  }
0x39: {  	_ = 	snop;
	(pc) =	sbr.ind lr, $3  }
0x3a: {  	_ = 	snop  }
0x3b: {  	_ = 	snop  }
0x3c: {  	p2 =	seq.s32 s10, $0x1;
	s10 =	sld [smem:$0x3FB6]  }
0x3d: {  	_ =	shalt  }
0x3e: {  	_ =	shalt  }
0x3f: {  	_ =	shalt  }
0x40: {  	_ =	shalt  }
0x41: {  	_ =	shalt  }
0x42: {  	_ =	shalt  }
0x43: {  	_ =	shalt  }
0x44: {  	_ =	shalt  }
0x45: {  	_ =	shalt  }
0x46: {  	_ =	shalt  }
0x47: {  	_ =	shalt  }
0x48: {  	_ =	shalt  }
0x49: {  	_ =	shalt  }
0x4a: {  	_ =	shalt  }
0x4b: {  	_ =	shalt  }
0x4c: {  	_ =	shalt  }
0x4d: {  	_ =	shalt  }
0x4e: {  	_ =	shalt  }
0x4f: {  	_ =	shalt  }
0x50: {  	_ =	shalt  }
0x51: {  	_ =	shalt  }
0x52: {  	_ =	shalt  }
0x53: {  	_ =	shalt  }
0x54: {  	_ =	shalt  }
0x55: {  	_ =	shalt  }
0x56: {  	_ =	shalt  }
0x57: {  	_ =	shalt  }
0x58: {  	_ =	shalt  }
0x59: {  	_ =	shalt  }
0x5a: {  	_ =	shalt  }
0x5b: {  	_ =	shalt  }
0x5c: {  	_ =	shalt  }
0x5d: {  	_ =	shalt  }
0x5e: {  	_ =	shalt  }
0x5f: {  	_ =	shalt  }
0x60: {  	_ =	shalt  }
0x61: {  	_ =	shalt  }
0x62: {  	_ =	shalt  }
0x63: {  	_ =	shalt  }
0x64: {  	_ =	shalt  }
0x65: {  	_ =	shalt  }
0x66: {  	_ =	shalt  }
0x67: {  	_ =	shalt  }
0x68: {  	_ =	shalt  }
0x69: {  	_ =	shalt  }
0x6a: {  	_ =	shalt  }
0x6b: {  	_ =	shalt  }
0x6c: {  	_ =	shalt  }
0x6d: {  	_ =	shalt  }
0x6e: {  	_ =	shalt  }
0x6f: {  	_ =	shalt  }
0x70: {  	_ =	shalt  }
0x71: {  	_ =	shalt  }
0x72: {  	_ =	shalt  }
0x73: {  	_ =	shalt  }
0x74: {  	_ =	shalt  }
0x75: {  	_ =	shalt  }
0x76: {  	_ =	shalt  }
0x77: {  	_ =	shalt  }
0x78: {  	_ =	shalt  }
0x79: {  	_ =	shalt  }
0x7a: {  	_ =	shalt  }
0x7b: {  	_ =	shalt  }
0x7c: {  	_ =	shalt  }
0x7d: {  	_ =	shalt  }
0x7e: {  	_ =	shalt  }
0x7f: {  	_ =	shalt  }
0x80: {  	_ =	shalt  }
0x81: {  	_ =	shalt  }
0x82: {  	_ =	shalt  }
0x83: {  	_ =	shalt  }
0x84: {  	_ =	shalt  }
0x85: {  	_ =	shalt  }
0x86: {  	_ =	shalt  }
0x87: {  	_ =	shalt  }
.Lfunc_end0:
.L_simem_size_0:
called_computation.1_lowered:
.L_overlay_start_0:
0x88: {  	s2 =	sld [smem:$0x3FD9]  }
0x89: {  	s3 =	sld [smem:$0x3FFE];
	_ =	sdelay $0x1  }
0x8a: {  	s1 =	srdreg.scid  }
0x8b: {  	s0 =	sand.u32 $0x1, s1  }
0x8c: {  	s16 =	sshll.u32 s0, $0xA;
	s2 =	sadd.s32 s3, s2  }
0x8d: {  	s2 =	sadd.s32 s2, s16  }
0x8e: {  	[smem:$0x3FC2] =	sst s2  }
0x8f: {  	_ = 	snop  }
0x90: {  	(tm) =	ssettm $0x1  }
0x91: {  	s17 =	sld [smem:$0x3FFB];
	_ =	sdelay $0x3  }
0x92: {  	_ =	strace s17  }
0x93: {  	s2 =	sld [smem:$0x3FFC];
	_ =	sdelay $0x3  }
0x94: {  	_ =	strace s2  }
0x95: {  	s2 =	sld [smem:$0x3FFD];
	_ =	sdelay $0x3  }
0x96: {  	_ =	strace s2  }
0x97: {  	_ =	strace $0x8FFFFFFF  }
0x98: {  	s18 =	sld [smem:$0x3FDB];
	_ =	sdelay $0x1  }
0x99: {  	s19 =	simm.s32 $_scs_section_size  }
0x9a: {  	s4 =	simm.s32 $_size__tile_overlayer_lowered;
	s5 =	simm.s32 $_tile_overlayer_lowered  }
0x9b: {  	s22 =	simm.s32 $0x1BFF;
	s21 =	sshll.u32 s5, $0x1;
	s2 =	sadd.s32 s19, s18  }
0x9c: {  	s6 =	simm.s32 $0x0;
	s20 =	sshll.u32 s4, $0x1;
	s4 =	sadd.s32 s21, s2  }
0x9d: {  	[timem:s6], [sflag:s22] =	dma.local [hbm:s4], s20  }
0x9e: {  	_ =	swait.ge [sflag:s22], s20  }
0x9f: {  	s3 =	ssub.s32 $0x0, s20;
	[sflag:s22] =	ssyncset.done $0x0  }
0xa0: {  	[sflag:s22] =	ssyncadd.s32 s3;
	_ =	sdelay $0x1  }
0xa1: {  	s23 =	simm.s32 $0x1B8B  }
0xa2: {  	_ =	swait.ge [sflag:s23], $0x1  }
0xa3: {  	[sflag:s23] =	ssyncset.done $0x0  }
0xa4: {  	s25 =	simm.s32 $0x1B8E;
	s24 =	sld [smem:$0x3FFE];
	[sflag:s23] =	ssyncadd.s32 $0xFFFFFFFF  }
0xa5: {  	s26 =	simm.s32 $execute0_lowered;
	[smem:$0x3FD2] =	sst s25  }
0xa6: {  	s4 =	sshll.u32 s26, $0x1;
	_ =	strace $0x80000049;
	[dreg:$0x1] =	wrdreg $0xFFFFFFFF  }
0xa7: {  	s28 =	simm.s32 $_size_execute0_lowered;
	s2 =	sadd.s32 s2, s4;
	[dreg:$0x0] =	wrdreg $0x0  }
0xa8: {  	s4 =	sshll.u32 s28, $0x1;
	[dreg:$0x2] =	wrdreg s2  }
0xa9: {  	[dreg:$0x3] =	wrdreg s4  }
0xaa: {  	[dreg:$0x4] =	wrdreg $0xC0  }
0xab: {  	_ =	task [dreg:s6], $0x5FFFF  }
0xac: {  	[dreg:$0x1] =	wrdreg $0xFFFFFFFF  }
0xad: {  	[dreg:$0x0] =	wrdreg $0x60  }
0xae: {  	[dreg:$0x2] =	wrdreg s24  }
0xaf: {  	[dreg:$0x3] =	wrdreg $0x67800  }
0xb0: {  	[dreg:$0x4] =	wrdreg $0x9  }
0xb1: {  	_ =	task.clear_ibuf [dreg:s6], $0x5FFFF;
	_ =	strace $0x90000049  }
0xb2: {  	s29 =	simm.s32 $0x9;
	_ =	strace $0x8000004B  }
0xb3: {  	_ =	swait.ge [sflag:s29], $0x1  }
0xb4: {  	[sflag:s29] =	ssyncadd.s32 $0xFFFFFFFF  }
0xb5: {  	_ =	strace $0x9000004B  }
0xb6: {  	_ =	sfence  }
0xb7: {  	s30 =	sld [smem:$0x0];
	_ =	sdelay $0x2  }
0xb8: {  	s31 =	sshll.u32 s1, $0xD;
	s1 =	sshrl.u32 s1, $0x2  }
0xb9: {  	s3 =	sand.u32 $0x4000, s31;
	s1 =	sadd.s32 s1, s30  }
0xba: {  	s0 =	sor.u32 s3, s0;
	s1 =	sshll.u32 s1, $0x11  }
0xbb: {  	s0 =	sor.u32 s1, s0  }
0xbc: {  	s0 =	sadd.s32 $0x8F2B, s0  }
0xbd: {  	[sflag:s0] =	ssyncadd.remote.s32 $0x1  }
0xbe: {  	_ =	sfence.sel $0xFFFF  }
0xbf: {  	[dreg:$0x0] =	wrdreg $0xFFFFFFFF;
	(pc) =	sbr.abs _section_cstart, $3  }
0xc0: {  	[dreg:$0x1] =	wrdreg $0xFFFFFFFF  }
0xc1: {  	_ =	task.clear_ibuf [dreg:s6], $0x2FFFF;
	_ =	strace $0x9FFFFFFF  }
0xc2: {  	(tm) =	ssettm $0x7FFFFFFF  }
0xc3: {  	_ =	shalt  }
tec
execute0_lowered:
.L_overlay_start_1:
0x0: {  	(tag) =	ssettag $0x1  }
0x1: {  	s0 =	srdreg.scid;
	s5 =	rddreg [dreg:$0x0]  }
0x2: {  	s12 =	stileid.u32;
	s2 =	rddreg [dreg:$0x1];
	s28 =	simm.s32 $0x1CF80  }
0x3: {  	s29 =	simm.s32 $0x3;
	s30 =	simm.s32 $0xA0;
	s8 =	smul.u32 $0x14000, s12  }
0x4: {  	s31 =	simm.s32 $0x2;
	s0 =	sand.u32 $0x1, s0;
	s9 =	smul.u32 $0x50000, s12  }
0x5: {  	s6 =	sshll.u32 s12, $0x7;
	s23 =	smul.u32 $0x2800, s12;
	s1 =	sshll.u32 s0, $0x4  }
0x6: {  	s6 =	sand.u32 $0x380, s6;
	s19 =	smul.u32 $0x140000, s0;
	s1 =	sor.u32 s12, s1  }
0x7: {  	s20 =	ssub.s32 $0x2, s0;
	p0 =	sne.s32 s0, $0x0;
	s3 =	sshrl.u32 s1, $0x3  }
0x8: {  	s0 =	simm.s32 $0x4;
	s10 =	sshrl.u32 s20, $0x1;
	s4 =	smul.u32 $0x13C00, s3  }
0x9: {  	s9 =	sshrl.u32 s9, $0x2;
	s1 =	sshll.u32 s1, $0xB;
	s3 =	simm.s32 $0x0  }
0xa: {  	s1 =	sadd.s32 s1, s5;
	[smem:$0x7FF] =	sst s3;
	s4 =	sor.u32 s6, s4  }
0xb: {  	_ =	strace $0x8000004A;
	s6 =	sadd.s32 s8, s19;
	s8 =	ssub.s32 s20, s10  }
0xc: {  	s19 =	simm.s32 $0x400;
	s20 =	sshll.u32 s12, $0x6;
	s7 =	sshrl.u32 s4, $0x3  }
0xd: {  	s4 =	sadd.s32 $0x31400, s5;
	s6 =	sshrl.u32 s6, $0x3;
	s7 =	sadd.s32 s7, s5  }
0xe: {  	s11 =	sadd.s32 s6, s5;
	s5 =	sadd.s32 $0x17600, s7;
	s7 =	sadd.s32 s9, s2  }
0xf: {  	s10 =	simm.s32 $0x0;
	s17 =	smax.u32 s8, $0x1;
	s21 =	sadd.s32 $0x2800, s7  }
0x10: {  	s8 =	simm.s32 $0x6580;
	s22 =	sadd.s32 $0x5000, s7;
	[dreg:$0x3] =	wrdreg s21  }
0x11: {  	s6 =	sadd.s32 $0x21400, s1;
	s9 =	sadd.s32 $0x7800, s7;
	[dreg:$0x4] =	wrdreg s22  }
0x12: {  	s15 =	sadd.s32 s4, s23;
	s24 =	sadd.s32 $0xA000, s7;
	[dreg:$0x5] =	wrdreg s9  }
0x13: {  	s1 =	simm.s32 $0x2800;
	s25 =	sadd.s32 $0xC800, s7;
	[dreg:$0x6] =	wrdreg s24  }
0x14: {  	s16 =	sadd.s32 $0x59400, s11;
	s26 =	sadd.s32 $0xF000, s7;
	[dreg:$0x7] =	wrdreg s25  }
0x15: {  	s14 =	sadd.s32 $0x11800, s7;
	s23 =	sshrl.u32 s7, $0x3;
	[dreg:$0x8] =	wrdreg s26  }
0x16: {  	s21 =	simm.s32 $0x2780;
	s22 =	sor.u32 $0x1C04, s20;
	s24 =	simm.s32 $0x1  }
0x17: {  	v0 =	vimm.f32 $0.0e+00;
	s25 =	simm.s32 $0x50;
	s26 =	simm.s32 $0x1A780;
	s9 =	simm.s32 $0x5  }
.LBB2_1:
.Ltmp0:
0x18: {  	(pc) =	sbr.rel @p0 .LBB2_3-.Ltmp0, $4  }
0x19: {  	s11 =	simm.s32 $0x80  }
0x1a: {  	[tilespmem:s3], [sflag:$0x1] =	stream.strided.gather [hbm4b:s5+s11], $0x2780, s19, s11, $0x38;
	[tilespmem:$0x1F780] =	vst v63  }
0x1b: {  	_ = 	snop  }
0x1c: {  	[tilespmem:s21], [sflag:$0x1] =	stream.linear.gather [hbm4b:s6+s3], $0x3E80, $0x38;
	[tilespmem:$0x1F780] =	vst v63  }
.Ltmp1:
0x1d: {  	(pc) =	sbr.rel .LBB2_6-.Ltmp1, $2  }
0x1e: {  	_ =	sdelay $0x2  }
0x1f: {  	[spmem:s23], [sflag:s22] =	dma.local [hbm:s15], $0x2800  }
.LBB2_3:
0x20: {  	s11 =	sshra.s32 s3, $0x2;
	s12 =	sadd.s32 $0x200, s3  }
.LBB2_4:
0x21: {  	p1 =	sne.s32 s12, $0x9E00;
	[tilespmem:s11+$0x1CFF0] =	vst v0  }
0x22: {  	[tilespmem:s11+$0x1CF80] =	vst v0  }
0x23: {  	[tilespmem:s11+$0x1CF90] =	vst v0  }
.Ltmp2:
0x24: {  	[tilespmem:s11+$0x1CFA0] =	vst v0;
	(pc) =	sbr.rel @p1 .LBB2_4-.Ltmp2, $4  }
0x25: {  	[tilespmem:s11+$0x1CFB0] =	vst v0  }
0x26: {  	[tilespmem:s11+$0x1CFC0] =	vst v0  }
0x27: {  	[tilespmem:s11+$0x1CFD0] =	vst v0  }
0x28: {  	[tilespmem:s11+$0x1CFE0] =	vst v0;
	s11 =	sshra.s32 s12, $0x2;
	s12 =	sadd.s32 $0x200, s12  }
0x29: {  	[tilespmem:s11+$0x1CFF0] =	vst v0  }
0x2a: {  	[tilespmem:s11+$0x1CF80] =	vst v0  }
0x2b: {  	[tilespmem:s11+$0x1CF90] =	vst v0  }
0x2c: {  	[tilespmem:s11+$0x1CFA0] =	vst v0  }
0x2d: {  	[tilespmem:s11+$0x1CFB0] =	vst v0  }
0x2e: {  	[tilespmem:s11+$0x1CFC0] =	vst v0  }
0x2f: {  	[tilespmem:s11+$0x1CFD0] =	vst v0  }
0x30: {  	[tilespmem:s11+$0x1CFE0] =	vst v0  }
0x31: {  	[spmem:s7] =	stream.linear.scatter [tilespmem:s28], [sflag:$0x5], $0x2800, $0x38;
	[tilespmem:$0x1F780] =	vst v63  }
0x32: {  	_ =	swait.ge [sflag:s9], $0x2800  }
0x33: {  	[sflag:s9] =	ssyncset.done $0x0  }
0x34: {  	s12 =	rddreg [dreg:$0x3];
	[sflag:s9] =	ssyncadd.s32 $0xFFFFD800  }
0x35: {  	[spmem:s12] =	stream.linear.scatter [tilespmem:s28], [sflag:$0x5], $0x2800, $0x38;
	[tilespmem:$0x1F780] =	vst v63  }
0x36: {  	_ =	swait.ge [sflag:s9], $0x2800  }
0x37: {  	[sflag:s9] =	ssyncset.done $0x0  }
0x38: {  	s13 =	rddreg [dreg:$0x4];
	[sflag:s9] =	ssyncadd.s32 $0xFFFFD800  }
0x39: {  	[spmem:s13] =	stream.linear.scatter [tilespmem:s28], [sflag:$0x5], $0x2800, $0x38;
	[tilespmem:$0x1F780] =	vst v63  }
0x3a: {  	_ =	swait.ge [sflag:s9], $0x2800  }
0x3b: {  	[sflag:s9] =	ssyncset.done $0x0  }
0x3c: {  	s18 =	rddreg [dreg:$0x5];
	[sflag:s9] =	ssyncadd.s32 $0xFFFFD800  }
0x3d: {  	[spmem:s18] =	stream.linear.scatter [tilespmem:s28], [sflag:$0x5], $0x2800, $0x38;
	[tilespmem:$0x1F780] =	vst v63  }
0x3e: {  	_ =	swait.ge [sflag:s9], $0x2800  }
0x3f: {  	[sflag:s9] =	ssyncset.done $0x0  }
0x40: {  	s12 =	rddreg [dreg:$0x6];
	[sflag:s9] =	ssyncadd.s32 $0xFFFFD800  }
0x41: {  	[spmem:s12] =	stream.linear.scatter [tilespmem:s28], [sflag:$0x5], $0x2800, $0x38;
	[tilespmem:$0x1F780] =	vst v63  }
0x42: {  	_ =	swait.ge [sflag:s9], $0x2800  }
0x43: {  	[sflag:s9] =	ssyncset.done $0x0  }
0x44: {  	s13 =	rddreg [dreg:$0x7];
	[sflag:s9] =	ssyncadd.s32 $0xFFFFD800  }
0x45: {  	[spmem:s13] =	stream.linear.scatter [tilespmem:s28], [sflag:$0x5], $0x2800, $0x38;
	[tilespmem:$0x1F780] =	vst v63  }
0x46: {  	_ =	swait.ge [sflag:s9], $0x2800  }
0x47: {  	[sflag:s9] =	ssyncset.done $0x0  }
0x48: {  	s18 =	rddreg [dreg:$0x8];
	[sflag:s9] =	ssyncadd.s32 $0xFFFFD800  }
0x49: {  	[spmem:s18] =	stream.linear.scatter [tilespmem:s28], [sflag:$0x5], $0x2800, $0x38;
	[tilespmem:$0x1F780] =	vst v63  }
0x4a: {  	_ =	swait.ge [sflag:s9], $0x2800  }
0x4b: {  	[sflag:s9] =	ssyncset.done $0x0  }
0x4c: {  	[sflag:s9] =	ssyncadd.s32 $0xFFFFD800  }
0x4d: {  	[spmem:s14] =	stream.linear.scatter [tilespmem:s28], [sflag:$0x5], $0x2800, $0x38;
	[tilespmem:$0x1F780] =	vst v63  }
0x4e: {  	_ =	swait.ge [sflag:s9], $0x2800  }
0x4f: {  	[sflag:s9] =	ssyncset.done $0x0  }
0x50: {  	[sflag:s9] =	ssyncadd.s32 $0xFFFFD800  }
.LBB2_6:
0x51: {  	_ =	swait.ge [sflag:s24], $0x2780  }
0x52: {  	[sflag:s24] =	ssyncset.done $0x0  }
0x53: {  	[sflag:s24] =	ssyncadd.s32 $0xFFFFD880  }
0x54: {  	_ =	swait.ge [sflag:s24], $0x3E80  }
0x55: {  	[sflag:s24] =	ssyncset.done $0x0  }
0x56: {  	s11 =	simm.s32 @!p0 $0x4;
	[sflag:s24] =	ssyncadd.s32 $0xFFFFC180  }
0x57: {  	_ =	swait.ge @!p0 [sflag:s11], $0x2800  }
0x58: {  	[sflag:s11] =	ssyncset.done @!p0 $0x0  }
0x59: {  	[sflag:s11] =	ssyncadd.s32 @!p0 $0xFFFFD800  }
0x5a: {  	[bflag:$0x0] =	sbarrier.arrive $0xFFFF  }
0x5b: {  	[tilespmem:s26], [sflag:$0x1] =	stream.indirect.gather [hbm4b:s4+s25], $0x80, s3, s25, $0xb8;
	[tilespmem:$0x1F780] =	vst v63  }
0x5c: {  	_ = 	snop  }
0x5d: {  	[tilespmem:s28], [sflag:$0x2] =	stream.indirect.gather [hbm4b:s4+s25], $0x80, s25, s25, $0xb8;
	[tilespmem:$0x1F780] =	vst v63  }
0x5e: {  	_ =	swait.ge [sflag:s24], $0x2800  }
0x5f: {  	[sflag:s24] =	ssyncset.done $0x0  }
0x60: {  	[sflag:s24] =	ssyncadd.s32 $0xFFFFD800  }
0x61: {  	[spmem:s2] =	stream.indirect.scatter.add.f32 [tilespmem:s26], [sflag:$0x3], $0x80, s21, s25, $0xb8;
	[tilespmem:$0x1F780] =	vst v63  }
0x62: {  	_ =	swait.ge [sflag:s29], $0x2800  }
0x63: {  	[sflag:s29] =	ssyncset.done $0x0  }
0x64: {  	[sflag:s29] =	ssyncadd.s32 $0xFFFFD800  }
0x65: {  	[tilespmem:s26], [sflag:$0x1] =	stream.indirect.gather [hbm4b:s4+s25], $0x80, s30, s25, $0xb8;
	[tilespmem:$0x1F780] =	vst v63  }
0x66: {  	_ =	swait.ge [sflag:s31], $0x2800  }
0x67: {  	[sflag:s31] =	ssyncset.done $0x0  }
0x68: {  	[sflag:s31] =	ssyncadd.s32 $0xFFFFD800  }
0x69: {  	[spmem:s2] =	stream.indirect.scatter.add.f32 [tilespmem:s28], [sflag:$0x4], $0x80, s1, s25, $0xb8;
	[tilespmem:$0x1F780] =	vst v63  }
0x6a: {  	_ =	swait.ge [sflag:s0], $0x2800  }
0x6b: {  	[sflag:s0] =	ssyncset.done $0x0  }
0x6c: {  	s12 =	simm.s32 $0xF0;
	[sflag:s0] =	ssyncadd.s32 $0xFFFFD800  }
0x6d: {  	[tilespmem:s28], [sflag:$0x2] =	stream.indirect.gather [hbm4b:s4+s25], $0x80, s12, s25, $0xb8;
	[tilespmem:$0x1F780] =	vst v63  }
0x6e: {  	_ =	swait.ge [sflag:s24], $0x2800  }
0x6f: {  	[sflag:s24] =	ssyncset.done $0x0  }
0x70: {  	s13 =	simm.s32 $0x2880;
	[sflag:s24] =	ssyncadd.s32 $0xFFFFD800  }
0x71: {  	[spmem:s2] =	stream.indirect.scatter.add.f32 [tilespmem:s26], [sflag:$0x3], $0x80, s13, s25, $0xb8;
	[tilespmem:$0x1F780] =	vst v63  }
0x72: {  	_ =	swait.ge [sflag:s29], $0x2800  }
0x73: {  	[sflag:s29] =	ssyncset.done $0x0  }
0x74: {  	s18 =	simm.s32 $0x140;
	[sflag:s29] =	ssyncadd.s32 $0xFFFFD800  }
0x75: {  	[tilespmem:s26], [sflag:$0x1] =	stream.indirect.gather [hbm4b:s4+s25], $0x80, s18, s25, $0xb8;
	[tilespmem:$0x1F780] =	vst v63  }
0x76: {  	_ =	swait.ge [sflag:s31], $0x2800  }
0x77: {  	s11 =	simm.s32 $0xFFFF1000;
	[sflag:s31] =	ssyncset.done $0x0  }
0x78: {  	s12 =	simm.s32 $0x190;
	s18 =	simm.s32 $0x2900;
	[sflag:s31] =	ssyncadd.s32 $0xFFFFD800  }
.LBB2_7:
0x79: {  	[spmem:s2] =	stream.indirect.scatter.add.f32 [tilespmem:s28], [sflag:$0x4], $0x80, s18, s25, $0xb8;
	[tilespmem:$0x1F780] =	vst v63  }
0x7a: {  	s18 =	smov.u32 s11  }
0x7b: {  	p1 =	sne.s32 s11, $0xFFFFFC00;
	s11 =	sadd.s32 $0x400, s11;
	_ =	swait.ge [sflag:s0], $0x2800  }
0x7c: {  	[sflag:s0] =	ssyncset.done $0x0  }
0x7d: {  	[sflag:s0] =	ssyncadd.s32 $0xFFFFD800  }
0x7e: {  	[tilespmem:s28], [sflag:$0x2] =	stream.indirect.gather [hbm4b:s4+s25], $0x80, s12, s25, $0xb8;
	[tilespmem:$0x1F780] =	vst v63  }
0x7f: {  	_ =	swait.ge [sflag:s24], $0x2800  }
0x80: {  	s18 =	sshra.s32 s18, $0x2;
	[sflag:s24] =	ssyncset.done $0x0  }
0x81: {  	s13 =	sadd.s32 $0x6580, s18;
	[sflag:s24] =	ssyncadd.s32 $0xFFFFD800  }
0x82: {  	[spmem:s2] =	stream.indirect.scatter.add.f32 [tilespmem:s26], [sflag:$0x3], $0x80, s13, s25, $0xb8;
	[tilespmem:$0x1F780] =	vst v63  }
0x83: {  	_ =	swait.ge [sflag:s29], $0x2800  }
0x84: {  	[sflag:s29] =	ssyncset.done $0x0  }
.Ltmp3:
0x85: {  	s13 =	sadd.s32 $0x50, s12;
	[sflag:s29] =	ssyncadd.s32 $0xFFFFD800;
	(pc) =	sbr.rel @p1 .LBB2_7-.Ltmp3, $4  }
0x86: {  	[tilespmem:s26], [sflag:$0x1] =	stream.indirect.gather [hbm4b:s4+s25], $0x80, s13, s25, $0xb8;
	[tilespmem:$0x1F780] =	vst v63  }
0x87: {  	_ =	swait.ge [sflag:s31], $0x2800  }
0x88: {  	[sflag:s31] =	ssyncset.done $0x0  }
0x89: {  	s18 =	sadd.s32 $0x6600, s18;
	s12 =	sadd.s32 $0xA0, s12;
	[sflag:s31] =	ssyncadd.s32 $0xFFFFD800  }
0x8a: {  	[spmem:s2] =	stream.indirect.scatter.add.f32 [tilespmem:s28], [sflag:$0x4], $0x80, s18, s25, $0xb8;
	[tilespmem:$0x1F780] =	vst v63  }
0x8b: {  	_ =	swait.ge [sflag:s24], $0x2800  }
0x8c: {  	[sflag:s24] =	ssyncset.done $0x0  }
0x8d: {  	[sflag:s24] =	ssyncadd.s32 $0xFFFFD800  }
0x8e: {  	[spmem:s2] =	stream.indirect.scatter.add.f32 [tilespmem:s26], [sflag:$0x3], $0x80, s8, s25, $0xb8;
	[tilespmem:$0x1F780] =	vst v63  }
0x8f: {  	_ =	swait.ge [sflag:s29], $0x2800  }
0x90: {  	[sflag:s29] =	ssyncset.done $0x0  }
0x91: {  	[sflag:s29] =	ssyncadd.s32 $0xFFFFD800  }
0x92: {  	_ =	swait.ge [sflag:s0], $0x2800  }
0x93: {  	s10 =	sadd.s32 $0x1, s10;
	[sflag:s0] =	ssyncset.done $0x0  }
0x94: {  	p1 =	sne.s32 s10, s17;
	[sflag:s0] =	ssyncadd.s32 $0xFFFFD800  }
.Ltmp4:
0x95: {  	s11 =	sor.u32 $0x1C05, s20;
	[bflag:$0x0] =	sbarrier.arrive $0xFFFF;
	(pc) =	sbr.rel @p1 .LBB2_1-.Ltmp4, $4  }
0x96: {  	[hbm:s16], [sflag:s11] =	dma.local [spmem:s23], $0x2800  }
0x97: {  	_ =	swait.ge [sflag:s9], $0x2800  }
0x98: {  	[sflag:s9] =	ssyncset.done $0x0  }
0x99: {  	[sflag:s9] =	ssyncadd.s32 $0xFFFFD800  }
0x9a: {  	_ =	sfence.sel $0x180000  }
0x9b: {  	[bflag:$0x0] =	sbarrier.arrive $0xFFFF  }
0x9c: {  	_ =	strace $0x9000004A  }
0x9d: {  	s0 =	stileid.u32;
	[bflag:$0x2] =	sbarrier.arrive $0xFFFF  }
0x9e: {  	p0 =	sne.s32 s0, $0x0;
	s0 =	rddreg [dreg:$0x2]  }
0x9f: {  	s0 =	sadd.s32 @!p0 $0x100000, s0  }
0xa0: {  	[sflag:s0] =	ssyncadd.tile.s32 @!p0 $0x1;
	_ =	shalt  }
.Lfunc_end2:
_tile_overlayer_lowered:
.L_overlay_start_2:
0xa1: {  	(tag) =	ssettag $0x2  }
0xa2: {  	s0 =	rddreg [dreg:$0x0];
	s2 =	stileid.u32  }
0xa3: {  	s1 =	rddreg [dreg:$0x1];
	p0 =	sne.s32 s2, $0x0  }
0xa4: {  	s3 =	rddreg [dreg:$0x2];
	[bflag:$0x3] =	sbarrier.arrive $0xFFFF;
	s2 =	simm.s32 @!p0 $0x1C05  }
0xa5: {  	[timem:s3], [sflag:s2] =	dma.local @!p0 [hbm:s0], s1  }
0xa6: {  	s0 =	simm.s32 @!p0 $0x5  }
0xa7: {  	_ =	swait.ge @!p0 [sflag:s0], s1  }
0xa8: {  	s1 =	ssub.s32 @!p0 $0x0, s1;
	[sflag:s0] =	ssyncset.done @!p0 $0x0  }
0xa9: {  	[sflag:s0] =	ssyncadd.s32 @!p0 s1  }
0xaa: {  	[bflag:$0x3] =	sbarrier.arrive $0xFFFF  }
0xab: {  	_ =	shalt  }

// kernel: kernel.15.cloned.1.call-start
scs
__scs_entry_jumppad:
0x0: {  	(pc) =	sbr.rel $0x88, $3  }
0x1: {  	(tag) =	ssettag $0x0;
	lr =	simm.s32 $0x1  }
0x2: {  	[smem:$0x3F9B] =	sst lr;
	_ =	strace $0xD0000000  }
0x3: {  	_ = 	snop  }
0x4: {  	_ = 	snop  }
0x5: {  	_ = 	snop  }
0x6: {  	_ = 	snop  }
0x7: {  	_ = 	snop  }
__scs_overlays_trampoline_lowered:
0x8: {  	[smem:$0x3FAA] =	sst s0  }
0x9: {  	[smem:$0x3FAB] =	sst s1  }
0xa: {  	[smem:$0x3FAC] =	sst s2  }
0xb: {  	[smem:$0x3FAD] =	sst s3  }
0xc: {  	[smem:$0x3FAE] =	sst s4  }
0xd: {  	[smem:$0x3FAF] =	sst s5  }
0xe: {  	[smem:$0x3FB0] =	sst s6  }
0xf: {  	[smem:$0x3FB1] =	sst s7  }
0x10: {  	[smem:$0x3FB2] =	sst s8  }
0x11: {  	[smem:$0x3FB3] =	sst s9;
	s0 =	simm.s32 @!p0 $0x0  }
0x12: {  	s1 =	sld [smem:$0x3F99];
	s0 =	simm.s32 @p0 $0x1  }
0x13: {  	[smem:$0x3FB4] =	sst s0;
	s0 =	simm.s32 @!p1 $0x0  }
0x14: {  	s2 =	sld [smem:$0x3F98];
	s0 =	simm.s32 @p1 $0x1  }
0x15: {  	[smem:$0x3FB5] =	sst s0;
	s0 =	simm.s32 @!p2 $0x0  }
0x16: {  	s3 =	sld [smem:$0x3FDB];
	s0 =	simm.s32 @p2 $0x1  }
0x17: {  	s4 =	simm.s32 $0x1BF5;
	[smem:$0x3FB7] =	sst s0  }
0x18: {  	s0 =	sld [smem:$0x3F9A];
	_ =	swait.ge [sflag:s4], $0x0  }
0x19: {  	s7 =	sld [smem:$0x3F9B]  }
0x1a: {  	s8 =	sadd.s32 $0xFFFFE003, lr  }
0x1b: {  	s9 =	sadd.s32 $0xFFFFFEF7, lr;
	s5 =	simm.s32 $0xFFFFFFFF;
	p2 =	slt.u32 s8, $0xFFFFF086  }
0x1c: {  	p1 =	slt.u32 s9, $0xF7A;
	s5 =	simm.s32 @!p2 $0x0  }
0x1d: {  	s5 =	simm.s32 @p1 $0x1;
	p0 =	seq.s32 s7, s2  }
0x1e: {  	s7 =	smul.u32 @!p0 $0xF7A, s2;
	p2 =	seq.s32 @!p0 s5, $0x0  }
0x1f: {  	s9 =	smul.u32 $0xF7A, s1;
	s8 =	simm.s32 @!p0 $0x1BF5;
	p2 =	por !p2, p0  }
0x20: {  	[sflag:s8] =	ssyncset.s32 @!p0 $0xFFFFF086;
	s6 =	sadd.s32 @!p0 s3, s7;
	s7 =	simm.s32 @!p0 $0x108  }
0x21: {  	s3 =	sadd.s32 s3, s9;
	s6 =	sadd.s32 @!p0 $0x88, s6;
	s7 =	simm.s32 @p2 $0x1082  }
0x22: {  	[simem:s7], [sflag:s8] =	dma.local @!p0 [hbm:s6], $0xF7A  }
0x23: {  	s9 =	sor.u32 $0xD0000000, s2;
	s6 =	simm.s32 $0x108;
	_ =	swait.ge @!p0 [sflag:s8], $0x0  }
0x24: {  	s3 =	sadd.s32 $0x88, s3;
	s6 =	simm.s32 @!p1 $0x1082;
	[sflag:s4] =	ssyncset.s32 $0xFFFFF086  }
0x25: {  	[simem:s6], [sflag:s4] =	dma.local [hbm:s3], $0xF7A  }
0x26: {  	[smem:$0x3F9B] =	sst s1;
	(tag) =	ssettag s2;
	_ =	strace s9  }
0x27: {  	s1 =	sld [smem:$0x3FAB]  }
0x28: {  	s2 =	sld [smem:$0x3FAC]  }
0x29: {  	s4 =	sld [smem:$0x3FAE]  }
0x2a: {  	p0 =	seq.s32 s5, $0x0;
	s5 =	sld [smem:$0x3FAF]  }
0x2b: {  	s6 =	sld [smem:$0x3FB0]  }
0x2c: {  	s7 =	sld [smem:$0x3FB1]  }
0x2d: {  	s3 =	simm.s32 $0x108;
	s8 =	sld [smem:$0x3FB2]  }
0x2e: {  	s3 =	simm.s32 @!p0 $0x1082;
	s9 =	sld [smem:$0x3FB3]  }
0x2f: {  	lr =	sadd.s32 s0, s3;
	s0 =	sld [smem:$0x3FAA]  }
0x30: {  	s3 =	sld [smem:$0x3FAD]  }
0x31: {  	[smem:$0x3FB6] =	sst s10  }
0x32: {  	s10 =	sld [smem:$0x3FB4];
	_ =	sdelay $0x3  }
0x33: {  	p0 =	seq.s32 s10, $0x1;
	s10 =	sld [smem:$0x3FB6];
	_ =	sdelay $0x3  }
0x34: {  	[smem:$0x3FB6] =	sst s10  }
0x35: {  	s10 =	sld [smem:$0x3FB5];
	_ =	sdelay $0x3  }
0x36: {  	p1 =	seq.s32 s10, $0x1;
	s10 =	sld [smem:$0x3FB6];
	_ =	sdelay $0x3  }
0x37: {  	[smem:$0x3FB6] =	sst s10  }
0x38: {  	s10 =	sld [smem:$0x3FB7]  }
0x39: {  	_ = 	snop;
	(pc) =	sbr.ind lr, $3  }
0x3a: {  	_ = 	snop  }
0x3b: {  	_ = 	snop  }
0x3c: {  	p2 =	seq.s32 s10, $0x1;
	s10 =	sld [smem:$0x3FB6]  }
0x3d: {  	_ =	shalt  }
0x3e: {  	_ =	shalt  }
0x3f: {  	_ =	shalt  }
0x40: {  	_ =	shalt  }
0x41: {  	_ =	shalt  }
0x42: {  	_ =	shalt  }
0x43: {  	_ =	shalt  }
0x44: {  	_ =	shalt  }
0x45: {  	_ =	shalt  }
0x46: {  	_ =	shalt  }
0x47: {  	_ =	shalt  }
0x48: {  	_ =	shalt  }
0x49: {  	_ =	shalt  }
0x4a: {  	_ =	shalt  }
0x4b: {  	_ =	shalt  }
0x4c: {  	_ =	shalt  }
0x4d: {  	_ =	shalt  }
0x4e: {  	_ =	shalt  }
0x4f: {  	_ =	shalt  }
0x50: {  	_ =	shalt  }
0x51: {  	_ =	shalt  }
0x52: {  	_ =	shalt  }
0x53: {  	_ =	shalt  }
0x54: {  	_ =	shalt  }
0x55: {  	_ =	shalt  }
0x56: {  	_ =	shalt  }
0x57: {  	_ =	shalt  }
0x58: {  	_ =	shalt  }
0x59: {  	_ =	shalt  }
0x5a: {  	_ =	shalt  }
0x5b: {  	_ =	shalt  }
0x5c: {  	_ =	shalt  }
0x5d: {  	_ =	shalt  }
0x5e: {  	_ =	shalt  }
0x5f: {  	_ =	shalt  }
0x60: {  	_ =	shalt  }
0x61: {  	_ =	shalt  }
0x62: {  	_ =	shalt  }
0x63: {  	_ =	shalt  }
0x64: {  	_ =	shalt  }
0x65: {  	_ =	shalt  }
0x66: {  	_ =	shalt  }
0x67: {  	_ =	shalt  }
0x68: {  	_ =	shalt  }
0x69: {  	_ =	shalt  }
0x6a: {  	_ =	shalt  }
0x6b: {  	_ =	shalt  }
0x6c: {  	_ =	shalt  }
0x6d: {  	_ =	shalt  }
0x6e: {  	_ =	shalt  }
0x6f: {  	_ =	shalt  }
0x70: {  	_ =	shalt  }
0x71: {  	_ =	shalt  }
0x72: {  	_ =	shalt  }
0x73: {  	_ =	shalt  }
0x74: {  	_ =	shalt  }
0x75: {  	_ =	shalt  }
0x76: {  	_ =	shalt  }
0x77: {  	_ =	shalt  }
0x78: {  	_ =	shalt  }
0x79: {  	_ =	shalt  }
0x7a: {  	_ =	shalt  }
0x7b: {  	_ =	shalt  }
0x7c: {  	_ =	shalt  }
0x7d: {  	_ =	shalt  }
0x7e: {  	_ =	shalt  }
0x7f: {  	_ =	shalt  }
0x80: {  	_ =	shalt  }
0x81: {  	_ =	shalt  }
0x82: {  	_ =	shalt  }
0x83: {  	_ =	shalt  }
0x84: {  	_ =	shalt  }
0x85: {  	_ =	shalt  }
0x86: {  	_ =	shalt  }
0x87: {  	_ =	shalt  }
.Lfunc_end0:
.L_simem_size_0:
called_computation.2_lowered:
.L_overlay_start_0:
0x88: {  	s2 =	sld [smem:$0x3FD9]  }
0x89: {  	s3 =	sld [smem:$0x3FFE];
	_ =	sdelay $0x1  }
0x8a: {  	s1 =	srdreg.scid  }
0x8b: {  	s0 =	sand.u32 $0x1, s1  }
0x8c: {  	s16 =	sshll.u32 s0, $0xA;
	s2 =	sadd.s32 s3, s2  }
0x8d: {  	s2 =	sadd.s32 s2, s16  }
0x8e: {  	[smem:$0x3FC2] =	sst s2  }
0x8f: {  	_ = 	snop  }
0x90: {  	(tm) =	ssettm $0x1  }
0x91: {  	s17 =	sld [smem:$0x3FFB];
	_ =	sdelay $0x3  }
0x92: {  	_ =	strace s17  }
0x93: {  	s2 =	sld [smem:$0x3FFC];
	_ =	sdelay $0x3  }
0x94: {  	_ =	strace s2  }
0x95: {  	s2 =	sld [smem:$0x3FFD];
	_ =	sdelay $0x3  }
0x96: {  	_ =	strace s2  }
0x97: {  	_ =	strace $0x8FFFFFFF  }
0x98: {  	s18 =	sld [smem:$0x3FDB];
	_ =	sdelay $0x1  }
0x99: {  	s19 =	simm.s32 $_scs_section_size  }
0x9a: {  	s4 =	simm.s32 $_size__tile_overlayer_lowered;
	s5 =	simm.s32 $_tile_overlayer_lowered  }
0x9b: {  	s22 =	simm.s32 $0x1BFF;
	s21 =	sshll.u32 s5, $0x1;
	s2 =	sadd.s32 s19, s18  }
0x9c: {  	s6 =	simm.s32 $0x0;
	s20 =	sshll.u32 s4, $0x1;
	s4 =	sadd.s32 s21, s2  }
0x9d: {  	[timem:s6], [sflag:s22] =	dma.local [hbm:s4], s20  }
0x9e: {  	_ =	swait.ge [sflag:s22], s20  }
0x9f: {  	s3 =	ssub.s32 $0x0, s20;
	[sflag:s22] =	ssyncset.done $0x0  }
0xa0: {  	[sflag:s22] =	ssyncadd.s32 s3;
	_ =	sdelay $0x1  }
0xa1: {  	s23 =	simm.s32 $0x1B8B  }
0xa2: {  	_ =	swait.ge [sflag:s23], $0x1  }
0xa3: {  	[sflag:s23] =	ssyncset.done $0x0  }
0xa4: {  	s25 =	simm.s32 $0x1B8E;
	s24 =	sld [smem:$0x3FFE];
	[sflag:s23] =	ssyncadd.s32 $0xFFFFFFFF  }
0xa5: {  	s26 =	simm.s32 $execute0_lowered;
	[smem:$0x3FD2] =	sst s25  }
0xa6: {  	s4 =	sshll.u32 s26, $0x1;
	_ =	strace $0x8000004C;
	[dreg:$0x1] =	wrdreg $0xFFFFFFFF  }
0xa7: {  	s28 =	simm.s32 $_size_execute0_lowered;
	s2 =	sadd.s32 s2, s4;
	[dreg:$0x0] =	wrdreg $0x0  }
0xa8: {  	s4 =	sshll.u32 s28, $0x1;
	[dreg:$0x2] =	wrdreg s2  }
0xa9: {  	[dreg:$0x3] =	wrdreg s4  }
0xaa: {  	[dreg:$0x4] =	wrdreg $0xC0  }
0xab: {  	_ =	task [dreg:s6], $0x5FFFF  }
0xac: {  	[dreg:$0x1] =	wrdreg $0xFFFFFFFF  }
0xad: {  	[dreg:$0x0] =	wrdreg $0x60  }
0xae: {  	[dreg:$0x2] =	wrdreg s24  }
0xaf: {  	[dreg:$0x3] =	wrdreg $0x67800  }
0xb0: {  	[dreg:$0x4] =	wrdreg $0x9  }
0xb1: {  	_ =	task.clear_ibuf [dreg:s6], $0x5FFFF;
	_ =	strace $0x9000004C  }
0xb2: {  	s29 =	simm.s32 $0x9;
	_ =	strace $0x8000004E  }
0xb3: {  	_ =	swait.ge [sflag:s29], $0x1  }
0xb4: {  	[sflag:s29] =	ssyncadd.s32 $0xFFFFFFFF  }
0xb5: {  	_ =	strace $0x9000004E  }
0xb6: {  	_ =	sfence  }
0xb7: {  	s30 =	sld [smem:$0x0];
	_ =	sdelay $0x2  }
0xb8: {  	s31 =	sshll.u32 s1, $0xD;
	s1 =	sshrl.u32 s1, $0x2  }
0xb9: {  	s3 =	sand.u32 $0x4000, s31;
	s1 =	sadd.s32 s1, s30  }
0xba: {  	s0 =	sor.u32 s3, s0;
	s1 =	sshll.u32 s1, $0x11  }
0xbb: {  	s0 =	sor.u32 s1, s0  }
0xbc: {  	s0 =	sadd.s32 $0x8F2B, s0  }
0xbd: {  	[sflag:s0] =	ssyncadd.remote.s32 $0x1  }
0xbe: {  	_ =	sfence.sel $0xFFFF  }
0xbf: {  	[dreg:$0x0] =	wrdreg $0xFFFFFFFF;
	(pc) =	sbr.abs _section_cstart, $3  }
0xc0: {  	[dreg:$0x1] =	wrdreg $0xFFFFFFFF  }
0xc1: {  	_ =	task.clear_ibuf [dreg:s6], $0x2FFFF;
	_ =	strace $0x9FFFFFFF  }
0xc2: {  	(tm) =	ssettm $0x7FFFFFFF  }
0xc3: {  	_ =	shalt  }
tec
execute0_lowered:
.L_overlay_start_1:
0x0: {  	(tag) =	ssettag $0x1  }
0x1: {  	s0 =	srdreg.scid;
	s5 =	rddreg [dreg:$0x0]  }
0x2: {  	s12 =	stileid.u32;
	s2 =	rddreg [dreg:$0x1];
	s28 =	simm.s32 $0x1CF80  }
0x3: {  	s29 =	simm.s32 $0x3;
	s30 =	simm.s32 $0xA0;
	s8 =	smul.u32 $0x14000, s12  }
0x4: {  	s31 =	simm.s32 $0x2;
	s0 =	sand.u32 $0x1, s0;
	s9 =	smul.u32 $0x50000, s12  }
0x5: {  	s6 =	sshll.u32 s12, $0x7;
	s23 =	smul.u32 $0x2800, s12;
	s1 =	sshll.u32 s0, $0x4  }
0x6: {  	s6 =	sand.u32 $0x380, s6;
	s19 =	smul.u32 $0x140000, s0;
	s1 =	sor.u32 s12, s1  }
0x7: {  	s20 =	ssub.s32 $0x2, s0;
	p0 =	sne.s32 s0, $0x0;
	s3 =	sshrl.u32 s1, $0x3  }
0x8: {  	s0 =	simm.s32 $0x4;
	s10 =	sshrl.u32 s20, $0x1;
	s4 =	smul.u32 $0x13C00, s3  }
0x9: {  	s9 =	sshrl.u32 s9, $0x2;
	s1 =	sshll.u32 s1, $0xB;
	s3 =	simm.s32 $0x0  }
0xa: {  	s1 =	sadd.s32 s1, s5;
	[smem:$0x7FF] =	sst s3;
	s4 =	sor.u32 s6, s4  }
0xb: {  	_ =	strace $0x8000004D;
	s6 =	sadd.s32 s8, s19;
	s8 =	ssub.s32 s20, s10  }
0xc: {  	s19 =	simm.s32 $0x400;
	s20 =	sshll.u32 s12, $0x6;
	s7 =	sshrl.u32 s4, $0x3  }
0xd: {  	s4 =	sadd.s32 $0x31400, s5;
	s6 =	sshrl.u32 s6, $0x3;
	s7 =	sadd.s32 s7, s5  }
0xe: {  	s11 =	sadd.s32 s6, s5;
	s5 =	sadd.s32 $0x17600, s7;
	s7 =	sadd.s32 s9, s2  }
0xf: {  	s10 =	simm.s32 $0x0;
	s17 =	smax.u32 s8, $0x1;
	s21 =	sadd.s32 $0x2800, s7  }
0x10: {  	s8 =	simm.s32 $0x6580;
	s22 =	sadd.s32 $0x5000, s7;
	[dreg:$0x3] =	wrdreg s21  }
0x11: {  	s6 =	sadd.s32 $0x21400, s1;
	s9 =	sadd.s32 $0x7800, s7;
	[dreg:$0x4] =	wrdreg s22  }
0x12: {  	s15 =	sadd.s32 s4, s23;
	s24 =	sadd.s32 $0xA000, s7;
	[dreg:$0x5] =	wrdreg s9  }
0x13: {  	s1 =	simm.s32 $0x2800;
	s25 =	sadd.s32 $0xC800, s7;
	[dreg:$0x6] =	wrdreg s24  }
0x14: {  	s16 =	sadd.s32 $0x59400, s11;
	s26 =	sadd.s32 $0xF000, s7;
	[dreg:$0x7] =	wrdreg s25  }
0x15: {  	s14 =	sadd.s32 $0x11800, s7;
	s23 =	sshrl.u32 s7, $0x3;
	[dreg:$0x8] =	wrdreg s26  }
0x16: {  	s21 =	simm.s32 $0x2780;
	s22 =	sor.u32 $0x1C04, s20;
	s24 =	simm.s32 $0x1  }
0x17: {  	v0 =	vimm.f32 $0.0e+00;
	s25 =	simm.s32 $0x50;
	s26 =	simm.s32 $0x1A780;
	s9 =	simm.s32 $0x5  }
.LBB2_1:
.Ltmp0:
0x18: {  	(pc) =	sbr.rel @p0 .LBB2_3-.Ltmp0, $4  }
0x19: {  	s11 =	simm.s32 $0x80  }
0x1a: {  	[tilespmem:s3], [sflag:$0x1] =	stream.strided.gather [hbm4b:s5+s11], $0x2780, s19, s11, $0x38;
	[tilespmem:$0x1F780] =	vst v63  }
0x1b: {  	_ = 	snop  }
0x1c: {  	[tilespmem:s21], [sflag:$0x1] =	stream.linear.gather [hbm4b:s6+s3], $0x3E80, $0x38;
	[tilespmem:$0x1F780] =	vst v63  }
.Ltmp1:
0x1d: {  	(pc) =	sbr.rel .LBB2_6-.Ltmp1, $2  }
0x1e: {  	_ =	sdelay $0x2  }
0x1f: {  	[spmem:s23], [sflag:s22] =	dma.local [hbm:s15], $0x2800  }
.LBB2_3:
0x20: {  	s11 =	sshra.s32 s3, $0x2;
	s12 =	sadd.s32 $0x200, s3  }
.LBB2_4:
0x21: {  	p1 =	sne.s32 s12, $0x9E00;
	[tilespmem:s11+$0x1CFF0] =	vst v0  }
0x22: {  	[tilespmem:s11+$0x1CF80] =	vst v0  }
0x23: {  	[tilespmem:s11+$0x1CF90] =	vst v0  }
.Ltmp2:
0x24: {  	[tilespmem:s11+$0x1CFA0] =	vst v0;
	(pc) =	sbr.rel @p1 .LBB2_4-.Ltmp2, $4  }
0x25: {  	[tilespmem:s11+$0x1CFB0] =	vst v0  }
0x26: {  	[tilespmem:s11+$0x1CFC0] =	vst v0  }
0x27: {  	[tilespmem:s11+$0x1CFD0] =	vst v0  }
0x28: {  	[tilespmem:s11+$0x1CFE0] =	vst v0;
	s11 =	sshra.s32 s12, $0x2;
	s12 =	sadd.s32 $0x200, s12  }
0x29: {  	[tilespmem:s11+$0x1CFF0] =	vst v0  }
0x2a: {  	[tilespmem:s11+$0x1CF80] =	vst v0  }
0x2b: {  	[tilespmem:s11+$0x1CF90] =	vst v0  }
0x2c: {  	[tilespmem:s11+$0x1CFA0] =	vst v0  }
0x2d: {  	[tilespmem:s11+$0x1CFB0] =	vst v0  }
0x2e: {  	[tilespmem:s11+$0x1CFC0] =	vst v0  }
0x2f: {  	[tilespmem:s11+$0x1CFD0] =	vst v0  }
0x30: {  	[tilespmem:s11+$0x1CFE0] =	vst v0  }
0x31: {  	[spmem:s7] =	stream.linear.scatter [tilespmem:s28], [sflag:$0x5], $0x2800, $0x38;
	[tilespmem:$0x1F780] =	vst v63  }
0x32: {  	_ =	swait.ge [sflag:s9], $0x2800  }
0x33: {  	[sflag:s9] =	ssyncset.done $0x0  }
0x34: {  	s12 =	rddreg [dreg:$0x3];
	[sflag:s9] =	ssyncadd.s32 $0xFFFFD800  }
0x35: {  	[spmem:s12] =	stream.linear.scatter [tilespmem:s28], [sflag:$0x5], $0x2800, $0x38;
	[tilespmem:$0x1F780] =	vst v63  }
0x36: {  	_ =	swait.ge [sflag:s9], $0x2800  }
0x37: {  	[sflag:s9] =	ssyncset.done $0x0  }
0x38: {  	s13 =	rddreg [dreg:$0x4];
	[sflag:s9] =	ssyncadd.s32 $0xFFFFD800  }
0x39: {  	[spmem:s13] =	stream.linear.scatter [tilespmem:s28], [sflag:$0x5], $0x2800, $0x38;
	[tilespmem:$0x1F780] =	vst v63  }
0x3a: {  	_ =	swait.ge [sflag:s9], $0x2800  }
0x3b: {  	[sflag:s9] =	ssyncset.done $0x0  }
0x3c: {  	s18 =	rddreg [dreg:$0x5];
	[sflag:s9] =	ssyncadd.s32 $0xFFFFD800  }
0x3d: {  	[spmem:s18] =	stream.linear.scatter [tilespmem:s28], [sflag:$0x5], $0x2800, $0x38;
	[tilespmem:$0x1F780] =	vst v63  }
0x3e: {  	_ =	swait.ge [sflag:s9], $0x2800  }
0x3f: {  	[sflag:s9] =	ssyncset.done $0x0  }
0x40: {  	s12 =	rddreg [dreg:$0x6];
	[sflag:s9] =	ssyncadd.s32 $0xFFFFD800  }
0x41: {  	[spmem:s12] =	stream.linear.scatter [tilespmem:s28], [sflag:$0x5], $0x2800, $0x38;
	[tilespmem:$0x1F780] =	vst v63  }
0x42: {  	_ =	swait.ge [sflag:s9], $0x2800  }
0x43: {  	[sflag:s9] =	ssyncset.done $0x0  }
0x44: {  	s13 =	rddreg [dreg:$0x7];
	[sflag:s9] =	ssyncadd.s32 $0xFFFFD800  }
0x45: {  	[spmem:s13] =	stream.linear.scatter [tilespmem:s28], [sflag:$0x5], $0x2800, $0x38;
	[tilespmem:$0x1F780] =	vst v63  }
0x46: {  	_ =	swait.ge [sflag:s9], $0x2800  }
0x47: {  	[sflag:s9] =	ssyncset.done $0x0  }
0x48: {  	s18 =	rddreg [dreg:$0x8];
	[sflag:s9] =	ssyncadd.s32 $0xFFFFD800  }
0x49: {  	[spmem:s18] =	stream.linear.scatter [tilespmem:s28], [sflag:$0x5], $0x2800, $0x38;
	[tilespmem:$0x1F780] =	vst v63  }
0x4a: {  	_ =	swait.ge [sflag:s9], $0x2800  }
0x4b: {  	[sflag:s9] =	ssyncset.done $0x0  }
0x4c: {  	[sflag:s9] =	ssyncadd.s32 $0xFFFFD800  }
0x4d: {  	[spmem:s14] =	stream.linear.scatter [tilespmem:s28], [sflag:$0x5], $0x2800, $0x38;
	[tilespmem:$0x1F780] =	vst v63  }
0x4e: {  	_ =	swait.ge [sflag:s9], $0x2800  }
0x4f: {  	[sflag:s9] =	ssyncset.done $0x0  }
0x50: {  	[sflag:s9] =	ssyncadd.s32 $0xFFFFD800  }
.LBB2_6:
0x51: {  	_ =	swait.ge [sflag:s24], $0x2780  }
0x52: {  	[sflag:s24] =	ssyncset.done $0x0  }
0x53: {  	[sflag:s24] =	ssyncadd.s32 $0xFFFFD880  }
0x54: {  	_ =	swait.ge [sflag:s24], $0x3E80  }
0x55: {  	[sflag:s24] =	ssyncset.done $0x0  }
0x56: {  	s11 =	simm.s32 @!p0 $0x4;
	[sflag:s24] =	ssyncadd.s32 $0xFFFFC180  }
0x57: {  	_ =	swait.ge @!p0 [sflag:s11], $0x2800  }
0x58: {  	[sflag:s11] =	ssyncset.done @!p0 $0x0  }
0x59: {  	[sflag:s11] =	ssyncadd.s32 @!p0 $0xFFFFD800  }
0x5a: {  	[bflag:$0x0] =	sbarrier.arrive $0xFFFF  }
0x5b: {  	[tilespmem:s26], [sflag:$0x1] =	stream.indirect.gather [hbm4b:s4+s25], $0x80, s3, s25, $0xb8;
	[tilespmem:$0x1F780] =	vst v63  }
0x5c: {  	_ = 	snop  }
0x5d: {  	[tilespmem:s28], [sflag:$0x2] =	stream.indirect.gather [hbm4b:s4+s25], $0x80, s25, s25, $0xb8;
	[tilespmem:$0x1F780] =	vst v63  }
0x5e: {  	_ =	swait.ge [sflag:s24], $0x2800  }
0x5f: {  	[sflag:s24] =	ssyncset.done $0x0  }
0x60: {  	[sflag:s24] =	ssyncadd.s32 $0xFFFFD800  }
0x61: {  	[spmem:s2] =	stream.indirect.scatter.add.f32 [tilespmem:s26], [sflag:$0x3], $0x80, s21, s25, $0xb8;
	[tilespmem:$0x1F780] =	vst v63  }
0x62: {  	_ =	swait.ge [sflag:s29], $0x2800  }
0x63: {  	[sflag:s29] =	ssyncset.done $0x0  }
0x64: {  	[sflag:s29] =	ssyncadd.s32 $0xFFFFD800  }
0x65: {  	[tilespmem:s26], [sflag:$0x1] =	stream.indirect.gather [hbm4b:s4+s25], $0x80, s30, s25, $0xb8;
	[tilespmem:$0x1F780] =	vst v63  }
0x66: {  	_ =	swait.ge [sflag:s31], $0x2800  }
0x67: {  	[sflag:s31] =	ssyncset.done $0x0  }
0x68: {  	[sflag:s31] =	ssyncadd.s32 $0xFFFFD800  }
0x69: {  	[spmem:s2] =	stream.indirect.scatter.add.f32 [tilespmem:s28], [sflag:$0x4], $0x80, s1, s25, $0xb8;
	[tilespmem:$0x1F780] =	vst v63  }
0x6a: {  	_ =	swait.ge [sflag:s0], $0x2800  }
0x6b: {  	[sflag:s0] =	ssyncset.done $0x0  }
0x6c: {  	s12 =	simm.s32 $0xF0;
	[sflag:s0] =	ssyncadd.s32 $0xFFFFD800  }
0x6d: {  	[tilespmem:s28], [sflag:$0x2] =	stream.indirect.gather [hbm4b:s4+s25], $0x80, s12, s25, $0xb8;
	[tilespmem:$0x1F780] =	vst v63  }
0x6e: {  	_ =	swait.ge [sflag:s24], $0x2800  }
0x6f: {  	[sflag:s24] =	ssyncset.done $0x0  }
0x70: {  	s13 =	simm.s32 $0x2880;
	[sflag:s24] =	ssyncadd.s32 $0xFFFFD800  }
0x71: {  	[spmem:s2] =	stream.indirect.scatter.add.f32 [tilespmem:s26], [sflag:$0x3], $0x80, s13, s25, $0xb8;
	[tilespmem:$0x1F780] =	vst v63  }
0x72: {  	_ =	swait.ge [sflag:s29], $0x2800  }
0x73: {  	[sflag:s29] =	ssyncset.done $0x0  }
0x74: {  	s18 =	simm.s32 $0x140;
	[sflag:s29] =	ssyncadd.s32 $0xFFFFD800  }
0x75: {  	[tilespmem:s26], [sflag:$0x1] =	stream.indirect.gather [hbm4b:s4+s25], $0x80, s18, s25, $0xb8;
	[tilespmem:$0x1F780] =	vst v63  }
0x76: {  	_ =	swait.ge [sflag:s31], $0x2800  }
0x77: {  	s11 =	simm.s32 $0xFFFF1000;
	[sflag:s31] =	ssyncset.done $0x0  }
0x78: {  	s12 =	simm.s32 $0x190;
	s18 =	simm.s32 $0x2900;
	[sflag:s31] =	ssyncadd.s32 $0xFFFFD800  }
.LBB2_7:
0x79: {  	[spmem:s2] =	stream.indirect.scatter.add.f32 [tilespmem:s28], [sflag:$0x4], $0x80, s18, s25, $0xb8;
	[tilespmem:$0x1F780] =	vst v63  }
0x7a: {  	s18 =	smov.u32 s11  }
0x7b: {  	p1 =	sne.s32 s11, $0xFFFFFC00;
	s11 =	sadd.s32 $0x400, s11;
	_ =	swait.ge [sflag:s0], $0x2800  }
0x7c: {  	[sflag:s0] =	ssyncset.done $0x0  }
0x7d: {  	[sflag:s0] =	ssyncadd.s32 $0xFFFFD800  }
0x7e: {  	[tilespmem:s28], [sflag:$0x2] =	stream.indirect.gather [hbm4b:s4+s25], $0x80, s12, s25, $0xb8;
	[tilespmem:$0x1F780] =	vst v63  }
0x7f: {  	_ =	swait.ge [sflag:s24], $0x2800  }
0x80: {  	s18 =	sshra.s32 s18, $0x2;
	[sflag:s24] =	ssyncset.done $0x0  }
0x81: {  	s13 =	sadd.s32 $0x6580, s18;
	[sflag:s24] =	ssyncadd.s32 $0xFFFFD800  }
0x82: {  	[spmem:s2] =	stream.indirect.scatter.add.f32 [tilespmem:s26], [sflag:$0x3], $0x80, s13, s25, $0xb8;
	[tilespmem:$0x1F780] =	vst v63  }
0x83: {  	_ =	swait.ge [sflag:s29], $0x2800  }
0x84: {  	[sflag:s29] =	ssyncset.done $0x0  }
.Ltmp3:
0x85: {  	s13 =	sadd.s32 $0x50, s12;
	[sflag:s29] =	ssyncadd.s32 $0xFFFFD800;
	(pc) =	sbr.rel @p1 .LBB2_7-.Ltmp3, $4  }
0x86: {  	[tilespmem:s26], [sflag:$0x1] =	stream.indirect.gather [hbm4b:s4+s25], $0x80, s13, s25, $0xb8;
	[tilespmem:$0x1F780] =	vst v63  }
0x87: {  	_ =	swait.ge [sflag:s31], $0x2800  }
0x88: {  	[sflag:s31] =	ssyncset.done $0x0  }
0x89: {  	s18 =	sadd.s32 $0x6600, s18;
	s12 =	sadd.s32 $0xA0, s12;
	[sflag:s31] =	ssyncadd.s32 $0xFFFFD800  }
0x8a: {  	[spmem:s2] =	stream.indirect.scatter.add.f32 [tilespmem:s28], [sflag:$0x4], $0x80, s18, s25, $0xb8;
	[tilespmem:$0x1F780] =	vst v63  }
0x8b: {  	_ =	swait.ge [sflag:s24], $0x2800  }
0x8c: {  	[sflag:s24] =	ssyncset.done $0x0  }
0x8d: {  	[sflag:s24] =	ssyncadd.s32 $0xFFFFD800  }
0x8e: {  	[spmem:s2] =	stream.indirect.scatter.add.f32 [tilespmem:s26], [sflag:$0x3], $0x80, s8, s25, $0xb8;
	[tilespmem:$0x1F780] =	vst v63  }
0x8f: {  	_ =	swait.ge [sflag:s29], $0x2800  }
0x90: {  	[sflag:s29] =	ssyncset.done $0x0  }
0x91: {  	[sflag:s29] =	ssyncadd.s32 $0xFFFFD800  }
0x92: {  	_ =	swait.ge [sflag:s0], $0x2800  }
0x93: {  	s10 =	sadd.s32 $0x1, s10;
	[sflag:s0] =	ssyncset.done $0x0  }
0x94: {  	p1 =	sne.s32 s10, s17;
	[sflag:s0] =	ssyncadd.s32 $0xFFFFD800  }
.Ltmp4:
0x95: {  	s11 =	sor.u32 $0x1C05, s20;
	[bflag:$0x0] =	sbarrier.arrive $0xFFFF;
	(pc) =	sbr.rel @p1 .LBB2_1-.Ltmp4, $4  }
0x96: {  	[hbm:s16], [sflag:s11] =	dma.local [spmem:s23], $0x2800  }
0x97: {  	_ =	swait.ge [sflag:s9], $0x2800  }
0x98: {  	[sflag:s9] =	ssyncset.done $0x0  }
0x99: {  	[sflag:s9] =	ssyncadd.s32 $0xFFFFD800  }
0x9a: {  	_ =	sfence.sel $0x180000  }
0x9b: {  	[bflag:$0x0] =	sbarrier.arrive $0xFFFF  }
0x9c: {  	_ =	strace $0x9000004D  }
0x9d: {  	s0 =	stileid.u32;
	[bflag:$0x2] =	sbarrier.arrive $0xFFFF  }
0x9e: {  	p0 =	sne.s32 s0, $0x0;
	s0 =	rddreg [dreg:$0x2]  }
0x9f: {  	s0 =	sadd.s32 @!p0 $0x100000, s0  }
0xa0: {  	[sflag:s0] =	ssyncadd.tile.s32 @!p0 $0x1;
	_ =	shalt  }
.Lfunc_end2:
_tile_overlayer_lowered:
.L_overlay_start_2:
0xa1: {  	(tag) =	ssettag $0x2  }
0xa2: {  	s0 =	rddreg [dreg:$0x0];
	s2 =	stileid.u32  }
0xa3: {  	s1 =	rddreg [dreg:$0x1];
	p0 =	sne.s32 s2, $0x0  }
0xa4: {  	s3 =	rddreg [dreg:$0x2];
	[bflag:$0x3] =	sbarrier.arrive $0xFFFF;
	s2 =	simm.s32 @!p0 $0x1C05  }
0xa5: {  	[timem:s3], [sflag:s2] =	dma.local @!p0 [hbm:s0], s1  }
0xa6: {  	s0 =	simm.s32 @!p0 $0x5  }
0xa7: {  	_ =	swait.ge @!p0 [sflag:s0], s1  }
0xa8: {  	s1 =	ssub.s32 @!p0 $0x0, s1;
	[sflag:s0] =	ssyncset.done @!p0 $0x0  }
0xa9: {  	[sflag:s0] =	ssyncadd.s32 @!p0 s1  }
0xaa: {  	[bflag:$0x3] =	sbarrier.arrive $0xFFFF  }
0xab: {  	_ =	shalt  }

// kernel: kernel.9.cloned.1.call-start
scs
__scs_entry_jumppad:
0x0: {  	(pc) =	sbr.rel $0x88, $3  }
0x1: {  	(tag) =	ssettag $0x0;
	lr =	simm.s32 $0x1  }
0x2: {  	[smem:$0x3F9B] =	sst lr;
	_ =	strace $0xD0000000  }
0x3: {  	_ = 	snop  }
0x4: {  	_ = 	snop  }
0x5: {  	_ = 	snop  }
0x6: {  	_ = 	snop  }
0x7: {  	_ = 	snop  }
__scs_overlays_trampoline_lowered:
0x8: {  	[smem:$0x3FAA] =	sst s0  }
0x9: {  	[smem:$0x3FAB] =	sst s1  }
0xa: {  	[smem:$0x3FAC] =	sst s2  }
0xb: {  	[smem:$0x3FAD] =	sst s3  }
0xc: {  	[smem:$0x3FAE] =	sst s4  }
0xd: {  	[smem:$0x3FAF] =	sst s5  }
0xe: {  	[smem:$0x3FB0] =	sst s6  }
0xf: {  	[smem:$0x3FB1] =	sst s7  }
0x10: {  	[smem:$0x3FB2] =	sst s8  }
0x11: {  	[smem:$0x3FB3] =	sst s9;
	s0 =	simm.s32 @!p0 $0x0  }
0x12: {  	s1 =	sld [smem:$0x3F99];
	s0 =	simm.s32 @p0 $0x1  }
0x13: {  	[smem:$0x3FB4] =	sst s0;
	s0 =	simm.s32 @!p1 $0x0  }
0x14: {  	s2 =	sld [smem:$0x3F98];
	s0 =	simm.s32 @p1 $0x1  }
0x15: {  	[smem:$0x3FB5] =	sst s0;
	s0 =	simm.s32 @!p2 $0x0  }
0x16: {  	s3 =	sld [smem:$0x3FDB];
	s0 =	simm.s32 @p2 $0x1  }
0x17: {  	s4 =	simm.s32 $0x1BF5;
	[smem:$0x3FB7] =	sst s0  }
0x18: {  	s0 =	sld [smem:$0x3F9A];
	_ =	swait.ge [sflag:s4], $0x0  }
0x19: {  	s7 =	sld [smem:$0x3F9B]  }
0x1a: {  	s8 =	sadd.s32 $0xFFFFE003, lr  }
0x1b: {  	s9 =	sadd.s32 $0xFFFFFEF7, lr;
	s5 =	simm.s32 $0xFFFFFFFF;
	p2 =	slt.u32 s8, $0xFFFFF086  }
0x1c: {  	p1 =	slt.u32 s9, $0xF7A;
	s5 =	simm.s32 @!p2 $0x0  }
0x1d: {  	s5 =	simm.s32 @p1 $0x1;
	p0 =	seq.s32 s7, s2  }
0x1e: {  	s7 =	smul.u32 @!p0 $0xF7A, s2;
	p2 =	seq.s32 @!p0 s5, $0x0  }
0x1f: {  	s9 =	smul.u32 $0xF7A, s1;
	s8 =	simm.s32 @!p0 $0x1BF5;
	p2 =	por !p2, p0  }
0x20: {  	[sflag:s8] =	ssyncset.s32 @!p0 $0xFFFFF086;
	s6 =	sadd.s32 @!p0 s3, s7;
	s7 =	simm.s32 @!p0 $0x108  }
0x21: {  	s3 =	sadd.s32 s3, s9;
	s6 =	sadd.s32 @!p0 $0x88, s6;
	s7 =	simm.s32 @p2 $0x1082  }
0x22: {  	[simem:s7], [sflag:s8] =	dma.local @!p0 [hbm:s6], $0xF7A  }
0x23: {  	s9 =	sor.u32 $0xD0000000, s2;
	s6 =	simm.s32 $0x108;
	_ =	swait.ge @!p0 [sflag:s8], $0x0  }
0x24: {  	s3 =	sadd.s32 $0x88, s3;
	s6 =	simm.s32 @!p1 $0x1082;
	[sflag:s4] =	ssyncset.s32 $0xFFFFF086  }
0x25: {  	[simem:s6], [sflag:s4] =	dma.local [hbm:s3], $0xF7A  }
0x26: {  	[smem:$0x3F9B] =	sst s1;
	(tag) =	ssettag s2;
	_ =	strace s9  }
0x27: {  	s1 =	sld [smem:$0x3FAB]  }
0x28: {  	s2 =	sld [smem:$0x3FAC]  }
0x29: {  	s4 =	sld [smem:$0x3FAE]  }
0x2a: {  	p0 =	seq.s32 s5, $0x0;
	s5 =	sld [smem:$0x3FAF]  }
0x2b: {  	s6 =	sld [smem:$0x3FB0]  }
0x2c: {  	s7 =	sld [smem:$0x3FB1]  }
0x2d: {  	s3 =	simm.s32 $0x108;
	s8 =	sld [smem:$0x3FB2]  }
0x2e: {  	s3 =	simm.s32 @!p0 $0x1082;
	s9 =	sld [smem:$0x3FB3]  }
0x2f: {  	lr =	sadd.s32 s0, s3;
	s0 =	sld [smem:$0x3FAA]  }
0x30: {  	s3 =	sld [smem:$0x3FAD]  }
0x31: {  	[smem:$0x3FB6] =	sst s10  }
0x32: {  	s10 =	sld [smem:$0x3FB4];
	_ =	sdelay $0x3  }
0x33: {  	p0 =	seq.s32 s10, $0x1;
	s10 =	sld [smem:$0x3FB6];
	_ =	sdelay $0x3  }
0x34: {  	[smem:$0x3FB6] =	sst s10  }
0x35: {  	s10 =	sld [smem:$0x3FB5];
	_ =	sdelay $0x3  }
0x36: {  	p1 =	seq.s32 s10, $0x1;
	s10 =	sld [smem:$0x3FB6];
	_ =	sdelay $0x3  }
0x37: {  	[smem:$0x3FB6] =	sst s10  }
0x38: {  	s10 =	sld [smem:$0x3FB7]  }
0x39: {  	_ = 	snop;
	(pc) =	sbr.ind lr, $3  }
0x3a: {  	_ = 	snop  }
0x3b: {  	_ = 	snop  }
0x3c: {  	p2 =	seq.s32 s10, $0x1;
	s10 =	sld [smem:$0x3FB6]  }
0x3d: {  	_ =	shalt  }
0x3e: {  	_ =	shalt  }
0x3f: {  	_ =	shalt  }
0x40: {  	_ =	shalt  }
0x41: {  	_ =	shalt  }
0x42: {  	_ =	shalt  }
0x43: {  	_ =	shalt  }
0x44: {  	_ =	shalt  }
0x45: {  	_ =	shalt  }
0x46: {  	_ =	shalt  }
0x47: {  	_ =	shalt  }
0x48: {  	_ =	shalt  }
0x49: {  	_ =	shalt  }
0x4a: {  	_ =	shalt  }
0x4b: {  	_ =	shalt  }
0x4c: {  	_ =	shalt  }
0x4d: {  	_ =	shalt  }
0x4e: {  	_ =	shalt  }
0x4f: {  	_ =	shalt  }
0x50: {  	_ =	shalt  }
0x51: {  	_ =	shalt  }
0x52: {  	_ =	shalt  }
0x53: {  	_ =	shalt  }
0x54: {  	_ =	shalt  }
0x55: {  	_ =	shalt  }
0x56: {  	_ =	shalt  }
0x57: {  	_ =	shalt  }
0x58: {  	_ =	shalt  }
0x59: {  	_ =	shalt  }
0x5a: {  	_ =	shalt  }
0x5b: {  	_ =	shalt  }
0x5c: {  	_ =	shalt  }
0x5d: {  	_ =	shalt  }
0x5e: {  	_ =	shalt  }
0x5f: {  	_ =	shalt  }
0x60: {  	_ =	shalt  }
0x61: {  	_ =	shalt  }
0x62: {  	_ =	shalt  }
0x63: {  	_ =	shalt  }
0x64: {  	_ =	shalt  }
0x65: {  	_ =	shalt  }
0x66: {  	_ =	shalt  }
0x67: {  	_ =	shalt  }
0x68: {  	_ =	shalt  }
0x69: {  	_ =	shalt  }
0x6a: {  	_ =	shalt  }
0x6b: {  	_ =	shalt  }
0x6c: {  	_ =	shalt  }
0x6d: {  	_ =	shalt  }
0x6e: {  	_ =	shalt  }
0x6f: {  	_ =	shalt  }
0x70: {  	_ =	shalt  }
0x71: {  	_ =	shalt  }
0x72: {  	_ =	shalt  }
0x73: {  	_ =	shalt  }
0x74: {  	_ =	shalt  }
0x75: {  	_ =	shalt  }
0x76: {  	_ =	shalt  }
0x77: {  	_ =	shalt  }
0x78: {  	_ =	shalt  }
0x79: {  	_ =	shalt  }
0x7a: {  	_ =	shalt  }
0x7b: {  	_ =	shalt  }
0x7c: {  	_ =	shalt  }
0x7d: {  	_ =	shalt  }
0x7e: {  	_ =	shalt  }
0x7f: {  	_ =	shalt  }
0x80: {  	_ =	shalt  }
0x81: {  	_ =	shalt  }
0x82: {  	_ =	shalt  }
0x83: {  	_ =	shalt  }
0x84: {  	_ =	shalt  }
0x85: {  	_ =	shalt  }
0x86: {  	_ =	shalt  }
0x87: {  	_ =	shalt  }
.Lfunc_end0:
.L_simem_size_0:
called_computation_lowered:
.L_overlay_start_0:
0x88: {  	s2 =	sld [smem:$0x3FD9]  }
0x89: {  	s3 =	sld [smem:$0x3FFE];
	_ =	sdelay $0x1  }
0x8a: {  	s1 =	srdreg.scid  }
0x8b: {  	s0 =	sand.u32 $0x1, s1  }
0x8c: {  	s17 =	sshll.u32 s0, $0xA;
	s2 =	sadd.s32 s3, s2  }
0x8d: {  	s2 =	sadd.s32 s2, s17  }
0x8e: {  	[smem:$0x3FC2] =	sst s2  }
0x8f: {  	_ = 	snop  }
0x90: {  	s2 =	sld [smem:$0x3FD0];
	(tm) =	ssettm $0x1  }
0x91: {  	s18 =	sld [smem:$0x3FFB];
	_ =	sdelay $0x3  }
0x92: {  	_ =	strace s18  }
0x93: {  	s3 =	sld [smem:$0x3FFC];
	_ =	sdelay $0x3  }
0x94: {  	_ =	strace s3  }
0x95: {  	s3 =	sld [smem:$0x3FFD];
	_ =	sdelay $0x3  }
0x96: {  	_ =	strace s3  }
0x97: {  	_ =	strace $0x8FFFFFFF  }
0x98: {  	s19 =	sld [smem:$0x3FDB];
	_ =	sdelay $0x1  }
0x99: {  	s4 =	simm.s32 $_scs_section_size  }
0x9a: {  	s5 =	simm.s32 $_size__tile_overlayer_lowered;
	s6 =	simm.s32 $_tile_overlayer_lowered  }
0x9b: {  	s22 =	simm.s32 $0x1BFF;
	s21 =	sshll.u32 s6, $0x1;
	s3 =	sadd.s32 s4, s19  }
0x9c: {  	s7 =	simm.s32 $0x0;
	s20 =	sshll.u32 s5, $0x1;
	s5 =	sadd.s32 s21, s3  }
0x9d: {  	[timem:s7], [sflag:s22] =	dma.local [hbm:s5], s20  }
0x9e: {  	_ =	swait.ge [sflag:s22], s20  }
0x9f: {  	s4 =	ssub.s32 $0x0, s20;
	[sflag:s22] =	ssyncset.done $0x0  }
0xa0: {  	[sflag:s22] =	ssyncadd.s32 s4;
	_ =	sdelay $0x1  }
0xa1: {  	s23 =	simm.s32 $0x1B8B  }
0xa2: {  	_ =	swait.ge [sflag:s23], $0x1  }
0xa3: {  	[sflag:s23] =	ssyncset.done $0x0  }
0xa4: {  	s25 =	simm.s32 $0x1B8E;
	s24 =	sld [smem:$0x3FFE];
	[sflag:s23] =	ssyncadd.s32 $0xFFFFFFFF  }
0xa5: {  	s26 =	simm.s32 $execute0_lowered;
	[smem:$0x3FD2] =	sst s25  }
0xa6: {  	s5 =	sshll.u32 s26, $0x1;
	_ =	strace $0x80000046;
	[dreg:$0x1] =	wrdreg $0xFFFFFFFF  }
0xa7: {  	s28 =	simm.s32 $_size_execute0_lowered;
	s3 =	sadd.s32 s3, s5;
	[dreg:$0x0] =	wrdreg $0x0  }
0xa8: {  	s5 =	sshll.u32 s28, $0x1;
	[dreg:$0x2] =	wrdreg s3  }
0xa9: {  	[dreg:$0x3] =	wrdreg s5  }
0xaa: {  	[dreg:$0x4] =	wrdreg $0xC0  }
0xab: {  	_ =	task [dreg:s7], $0x5FFFF  }
0xac: {  	[dreg:$0x1] =	wrdreg $0xFFFFFFFF  }
0xad: {  	[dreg:$0x0] =	wrdreg $0x60  }
0xae: {  	[dreg:$0x2] =	wrdreg s24  }
0xaf: {  	[dreg:$0x3] =	wrdreg s2  }
0xb0: {  	[dreg:$0x4] =	wrdreg $0x8F800  }
0xb1: {  	[dreg:$0x5] =	wrdreg $0x9  }
0xb2: {  	_ =	task.clear_ibuf [dreg:s7], $0x6FFFF;
	_ =	strace $0x90000046  }
0xb3: {  	s29 =	simm.s32 $0x9;
	_ =	strace $0x80000048  }
0xb4: {  	_ =	swait.ge [sflag:s29], $0x1  }
0xb5: {  	[sflag:s29] =	ssyncadd.s32 $0xFFFFFFFF  }
0xb6: {  	_ =	strace $0x90000048  }
0xb7: {  	_ =	sfence  }
0xb8: {  	s30 =	sld [smem:$0x0];
	_ =	sdelay $0x2  }
0xb9: {  	s31 =	sshll.u32 s1, $0xD;
	s1 =	sshrl.u32 s1, $0x2  }
0xba: {  	s3 =	sand.u32 $0x4000, s31;
	s1 =	sadd.s32 s1, s30  }
0xbb: {  	s0 =	sor.u32 s3, s0;
	s1 =	sshll.u32 s1, $0x11  }
0xbc: {  	s0 =	sor.u32 s1, s0  }
0xbd: {  	s0 =	sadd.s32 $0x8F2B, s0  }
0xbe: {  	[sflag:s0] =	ssyncadd.remote.s32 $0x1  }
0xbf: {  	_ =	sfence.sel $0xFFFF  }
0xc0: {  	[dreg:$0x0] =	wrdreg $0xFFFFFFFF;
	(pc) =	sbr.abs _section_cstart, $3  }
0xc1: {  	[dreg:$0x1] =	wrdreg $0xFFFFFFFF  }
0xc2: {  	_ =	task.clear_ibuf [dreg:s7], $0x2FFFF;
	_ =	strace $0x9FFFFFFF  }
0xc3: {  	(tm) =	ssettm $0x7FFFFFFF  }
tec
execute0_lowered:
.L_overlay_start_1:
0x0: {  	(tag) =	ssettag $0x1  }
0x1: {  	s0 =	rddreg [dreg:$0x0]  }
0x2: {  	s3 =	rddreg [dreg:$0x2];
	s4 =	simm.s32 $0x0  }
0x3: {  	s15 =	stileid.u32;
	s1 =	srdreg.scid;
	s12 =	simm.s32 $0x1  }
0x4: {  	s16 =	simm.s32 $0x7;
	s17 =	simm.s32 $0x8F00;
	s18 =	simm.s32 $0x4F00  }
0x5: {  	s28 =	simm.s32 $0x3;
	s29 =	simm.s32 $0x4;
	s30 =	simm.s32 $0x5  }
0x6: {  	s31 =	simm.s32 $0x6;
	[smem:$0x7FF] =	sst s4;
	s2 =	smul.u32 $0x280, s15  }
0x7: {  	s1 =	sand.u32 $0x1, s1;
	s7 =	sadd.s32 $0x2C00, s0;
	s8 =	sand.u32 $0x7, s15  }
0x8: {  	s19 =	smul.u32 $0x500, s15;
	s14 =	sshll.u32 s15, $0x7;
	s26 =	sshll.u32 s15, $0x6  }
0x9: {  	_ =	strace $0x80000047;
	s5 =	sshll.u32 s1, $0x4;
	p1 =	sne.s32 s8, $0x0  }
0xa: {  	s10 =	sshll.u32 s1, $0x7;
	s20 =	sand.u32 $0x380, s14;
	s8 =	smul.u32 $0x2710, s8  }
0xb: {  	s1 =	ssub.s32 $0x2, s1;
	s6 =	sshrl.u32 s2, $0x3;
	s5 =	sor.u32 s15, s5  }
0xc: {  	s24 =	sshrl.u32 s1, $0x1;
	s2 =	sadd.s32 s2, s3;
	s9 =	sadd.s32 s6, s0  }
0xd: {  	p0 =	seq.s32 s5, $0x0;
	s11 =	sshrl.u32 s5, $0x3;
	s6 =	sor.u32 s10, s19  }
0xe: {  	s5 =	sshll.u32 s5, $0xB;
	s1 =	ssub.s32 s1, s24;
	s15 =	sshrl.u32 s2, $0x3  }
0xf: {  	s24 =	simm.s32 $0x5080;
	p0 =	por !p1, !p0;
	s13 =	smul.u32 $0x13C00, s11  }
0x10: {  	s2 =	simm.s32 $0x0;
	s6 =	sshrl.u32 s6, $0x3;
	p0 =	por !p0, !p0  }
0x11: {  	s21 =	sadd.s32 s6, s0;
	s12 =	simm.s32 @!p0 $0x0;
	s10 =	sor.u32 s20, s13  }
0x12: {  	s13 =	smax.u32 s1, $0x1;
	s11 =	ssub.s32 s11, s12;
	s22 =	sshrl.u32 s10, $0x3  }
0x13: {  	s1 =	simm.s32 $0x10;
	s12 =	smul.u32 $0x27100, s11;
	s23 =	sadd.s32 s22, s0  }
0x14: {  	s0 =	sadd.s32 s5, s0;
	s5 =	simm.s32 $0x1;
	s19 =	smul.u32 $0x9C4, s11  }
0x15: {  	s10 =	sadd.s32 $0x21400, s0;
	s11 =	sadd.s32 $0x17600, s23;
	s25 =	sadd.s32 s8, s12  }
0x16: {  	s0 =	simm.s32 $0x20;
	s12 =	sadd.s32 $0x16C00, s21;
	s8 =	sadd.s32 $0x13880, s25  }
0x17: {  	s21 =	simm.s32 $0x50;
	s6 =	sshrl.u32 s25, $0x3;
	s8 =	sshrl.u32 s8, $0x3  }
0x18: {  	v1 =	vlaneseq.u32;
	s25 =	simm.s32 $0x5100;
	s6 =	sadd.s32 s7, s6;
	s7 =	sadd.s32 s7, s8  }
0x19: {  	v1 =	vor.u32 $0x2710, v1;
	v0 =	vmov s19;
	s8 =	sadd.s32 $0x16600, s9;
	s9 =	sor.u32 $0x1C07, s26;
	s26 =	simm.s32 $0x2  }
.LBB2_1:
0x1a: {  	[tilespmem:s4], [sflag:$0x1] =	stream.linear.gather [hbm4b:s6+s4], $0x2710, $0x38;
	[tilespmem:$0x9200] =	vst v63  }
0x1b: {  	s14 =	simm.s32 $0x2780  }
0x1c: {  	[tilespmem:s14], [sflag:$0x1] =	stream.linear.gather [hbm4b:s7+s4], $0x2710, $0x38;
	[tilespmem:$0x9200] =	vst v63  }
0x1d: {  	[spmem:s15], [sflag:s9] =	dma.local [hbm:s8], $0x50  }
0x1e: {  	_ =	swait.ge [sflag:s16], $0x50  }
0x1f: {  	[sflag:s16] =	ssyncset.done $0x0  }
0x20: {  	[sflag:s16] =	ssyncadd.s32 $0xFFFFFFB0  }
0x21: {  	_ =	swait.ge [sflag:s5], $0x2710  }
0x22: {  	[sflag:s5] =	ssyncset.done $0x0  }
0x23: {  	[sflag:s5] =	ssyncadd.s32 $0xFFFFD8F0  }
0x24: {  	_ =	swait.ge [sflag:s5], $0x2710  }
0x25: {  	[sflag:s5] =	ssyncset.done $0x0  }
0x26: {  	[sflag:s5] =	ssyncadd.s32 $0xFFFFD8F0  }
0x27: {  	s23 =	rddreg [dreg:$0x1]  }
0x28: {  	[tilespmem:s17], [sflag:$0x7] =	stream.linear.gather [hbm4b:s23+s4], $0x80, $0x38;
	[tilespmem:$0x9200] =	vst v63  }
0x29: {  	_ =	swait.ge [sflag:s16], $0x80  }
0x2a: {  	[sflag:s16] =	ssyncset.done $0x0  }
0x2b: {  	s14 =	simm.s32 $0x40;
	[sflag:s16] =	ssyncadd.s32 $0xFFFFFF80  }
0x2c: {  	v2 =	vld [tilespmem:s14+$0xFFFFFFC0]  }
0x2d: {  	v3 =	vld [tilespmem:s14+$0x2740];
	_ =	sdelay $0x4  }
0x2e: {  	v2 =	vadd.s32 v0, v2;
	v3 =	vadd.s32 v0, v3  }
0x2f: {  	v4 =	vor.u32 v2, v3  }
0x30: {  	vm0 =	veq.s32 v4, $0x0  }
0x31: {  	s19 =	simm.s32 $0x4F20;
	[tilespmem:s14+$0xFFFFFFC0] =	vst v2;
	v2 =	vsel vm0, v1, v3  }
0x32: {  	[tilespmem:s19+$0xFFFFFFE0] =	vst v2  }
0x33: {  	v2 =	vld [tilespmem:s14+$0xFFFFFFD0]  }
0x34: {  	v3 =	vld [tilespmem:s14+$0x2750];
	_ =	sdelay $0x4  }
0x35: {  	v2 =	vadd.s32 v0, v2;
	v3 =	vadd.s32 v0, v3  }
0x36: {  	v4 =	vor.u32 v2, v3  }
0x37: {  	vm13 =	veq.s32 v4, $0x0  }
0x38: {  	[tilespmem:s14+$0xFFFFFFD0] =	vst v2;
	v2 =	vsel vm13, v1, v3  }
0x39: {  	[tilespmem:s19+$0xFFFFFFF0] =	vst v2  }
0x3a: {  	v2 =	vld [tilespmem:s14+$0xFFFFFFE0]  }
0x3b: {  	v3 =	vld [tilespmem:s14+$0x2760];
	_ =	sdelay $0x4  }
0x3c: {  	v2 =	vadd.s32 v0, v2;
	v3 =	vadd.s32 v0, v3  }
0x3d: {  	v4 =	vor.u32 v2, v3  }
0x3e: {  	vm14 =	veq.s32 v4, $0x0  }
0x3f: {  	[tilespmem:s14+$0xFFFFFFE0] =	vst v2;
	v2 =	vsel vm14, v1, v3  }
0x40: {  	[tilespmem:s19+$0x0] =	vst v2  }
0x41: {  	v2 =	vld [tilespmem:s14+$0xFFFFFFF0]  }
0x42: {  	v3 =	vld [tilespmem:s14+$0x2770];
	_ =	sdelay $0x4  }
0x43: {  	v2 =	vadd.s32 v0, v2;
	v3 =	vadd.s32 v0, v3  }
0x44: {  	v4 =	vor.u32 v2, v3  }
0x45: {  	vm15 =	veq.s32 v4, $0x0  }
0x46: {  	[tilespmem:s14+$0xFFFFFFF0] =	vst v2;
	v2 =	vsel vm15, v1, v3  }
0x47: {  	[tilespmem:s19+$0x10] =	vst v2  }
0x48: {  	v3 =	vld [tilespmem:s14+$0x0]  }
0x49: {  	s22 =	simm.s32 $0x240;
	s20 =	simm.s32 $0x4F20;
	v2 =	vld [tilespmem:s14+$0x2780]  }
.LBB2_2:
0x4a: {  	_ =	sdelay $0x1  }
0x4b: {  	p0 =	sne.s32 s22, $0x9C00  }
0x4c: {  	s19 =	sadd.s32 $0x80, s19;
	s23 =	smov.u32 s22;
	s22 =	sadd.s32 $0x140, s22;
	v3 =	vadd.s32 v0, v3  }
0x4d: {  	v2 =	vadd.s32 v0, v2;
	[tilespmem:s14+$0x0] =	vst v3  }
0x4e: {  	v3 =	vor.u32 v3, v2  }
0x4f: {  	vm0 =	veq.s32 v3, $0x0  }
0x50: {  	v2 =	vsel vm0, v1, v2  }
0x51: {  	s14 =	sshra.s32 s23, $0x2;
	[tilespmem:s20+$0x20] =	vst v2;
	s20 =	smov.u32 s19  }
0x52: {  	v2 =	vld [tilespmem:s14+$0xFFFFFFC0]  }
0x53: {  	v3 =	vld [tilespmem:s14+$0x2740];
	_ =	sdelay $0x3  }
0x54: {  	v2 =	vadd.s32 v0, v2  }
0x55: {  	v3 =	vadd.s32 v0, v3  }
0x56: {  	v4 =	vor.u32 v2, v3  }
0x57: {  	vm0 =	veq.s32 v4, $0x0;
	[tilespmem:s14+$0xFFFFFFC0] =	vst v2  }
0x58: {  	v2 =	vsel vm0, v1, v3  }
0x59: {  	[tilespmem:s19+$0xFFFFFFE0] =	vst v2  }
0x5a: {  	v2 =	vld [tilespmem:s14+$0xFFFFFFD0]  }
0x5b: {  	v3 =	vld [tilespmem:s14+$0x2750];
	_ =	sdelay $0x3  }
0x5c: {  	v2 =	vadd.s32 v0, v2  }
0x5d: {  	v3 =	vadd.s32 v0, v3  }
0x5e: {  	v4 =	vor.u32 v2, v3;
	[tilespmem:s14+$0xFFFFFFD0] =	vst v2  }
0x5f: {  	vm0 =	veq.s32 v4, $0x0  }
0x60: {  	v2 =	vsel vm0, v1, v3  }
0x61: {  	[tilespmem:s19+$0xFFFFFFF0] =	vst v2  }
0x62: {  	v2 =	vld [tilespmem:s14+$0xFFFFFFE0]  }
0x63: {  	v3 =	vld [tilespmem:s14+$0x2760];
	_ =	sdelay $0x3  }
0x64: {  	v2 =	vadd.s32 v0, v2  }
0x65: {  	v3 =	vadd.s32 v0, v3;
	[tilespmem:s14+$0xFFFFFFE0] =	vst v2  }
0x66: {  	v2 =	vor.u32 v2, v3  }
0x67: {  	vm0 =	veq.s32 v2, $0x0  }
0x68: {  	v2 =	vsel vm0, v1, v3  }
0x69: {  	[tilespmem:s19+$0x0] =	vst v2  }
0x6a: {  	v2 =	vld [tilespmem:s14+$0xFFFFFFF0]  }
0x6b: {  	v3 =	vld [tilespmem:s14+$0x2770];
	_ =	sdelay $0x3  }
0x6c: {  	v2 =	vadd.s32 v0, v2  }
0x6d: {  	v3 =	vadd.s32 v0, v3;
	[tilespmem:s14+$0xFFFFFFF0] =	vst v2  }
0x6e: {  	v2 =	vor.u32 v2, v3  }
.Ltmp0:
0x6f: {  	vm0 =	veq.s32 v2, $0x0;
	(pc) =	sbr.rel @p0 .LBB2_2-.Ltmp0, $4  }
0x70: {  	v2 =	vsel vm0, v1, v3  }
0x71: {  	[tilespmem:s19+$0x10] =	vst v2  }
0x72: {  	v3 =	vld [tilespmem:s14+$0x0]  }
0x73: {  	v2 =	vld [tilespmem:s14+$0x2780]  }
0x74: {  	_ =	sdelay $0x3  }
0x75: {  	v3 =	vadd.s32 v0, v3;
	v2 =	vadd.s32 v0, v2  }
0x76: {  	v4 =	vor.u32 v3, v2  }
0x77: {  	vm0 =	veq.s32 v4, $0x0  }
0x78: {  	[tilespmem:s14+$0x0] =	vst v3;
	v2 =	vsel vm0, v1, v2  }
0x79: {  	[tilespmem:s20+$0x20] =	vst v2  }
0x7a: {  	[hbm4b:s10+s4] =	stream.linear.scatter [tilespmem:s18], [sflag:$0x1], $0x3E80, $0x38;
	[tilespmem:$0x9200] =	vst v63  }
0x7b: {  	s19 =	simm.s32 $0x400;
	s20 =	simm.s32 $0x80  }
0x7c: {  	[hbm4b:s11+s20] =	stream.strided.scatter [tilespmem:s4], [sflag:$0x1], $0x2780, s19, s20, $0x38;
	[tilespmem:$0x9200] =	vst v63  }
0x7d: {  	[bflag:$0x0] =	sbarrier.arrive $0xFFFF  }
0x7e: {  	[spmem:s3] =	stream.indirect.scatter.add.f32 [tilespmem:s17], [sflag:$0x2], $0x1, s18, s21, $0xb8;
	[tilespmem:$0x9200] =	vst v63  }
0x7f: {  	s22 =	simm.s32 $0x4F80  }
0x80: {  	[spmem:s3] =	stream.indirect.scatter.add.f32 [tilespmem:s17], [sflag:$0x3], $0x1, s22, s21, $0xb8;
	[tilespmem:$0x9200] =	vst v63  }
0x81: {  	s23 =	simm.s32 $0x5000  }
0x82: {  	[spmem:s3] =	stream.indirect.scatter.add.f32 [tilespmem:s17], [sflag:$0x4], $0x1, s23, s21, $0xb8;
	[tilespmem:$0x9200] =	vst v63  }
0x83: {  	_ = 	snop  }
0x84: {  	[spmem:s3] =	stream.indirect.scatter.add.f32 [tilespmem:s17], [sflag:$0x5], $0x1, s24, s21, $0xb8;
	[tilespmem:$0x9200] =	vst v63  }
0x85: {  	_ = 	snop  }
0x86: {  	[spmem:s3] =	stream.indirect.scatter.add.f32 [tilespmem:s17], [sflag:$0x6], $0x1, s25, s21, $0xb8;
	[tilespmem:$0x9200] =	vst v63  }
0x87: {  	_ =	swait.ge [sflag:s26], $0x50  }
0x88: {  	[sflag:s26] =	ssyncset.done $0x0  }
0x89: {  	s19 =	simm.s32 $0x5180;
	[sflag:s26] =	ssyncadd.s32 $0xFFFFFFB0  }
0x8a: {  	[spmem:s3] =	stream.indirect.scatter.add.f32 [tilespmem:s17], [sflag:$0x2], $0x1, s19, s21, $0xb8;
	[tilespmem:$0x9200] =	vst v63  }
0x8b: {  	_ =	swait.ge [sflag:s28], $0x50  }
0x8c: {  	[sflag:s28] =	ssyncset.done $0x0  }
0x8d: {  	s20 =	simm.s32 $0x5200;
	[sflag:s28] =	ssyncadd.s32 $0xFFFFFFB0  }
0x8e: {  	[spmem:s3] =	stream.indirect.scatter.add.f32 [tilespmem:s17], [sflag:$0x3], $0x1, s20, s21, $0xb8;
	[tilespmem:$0x9200] =	vst v63  }
0x8f: {  	_ =	swait.ge [sflag:s29], $0x50  }
0x90: {  	[sflag:s29] =	ssyncset.done $0x0  }
0x91: {  	s22 =	simm.s32 $0x5280;
	[sflag:s29] =	ssyncadd.s32 $0xFFFFFFB0  }
0x92: {  	[spmem:s3] =	stream.indirect.scatter.add.f32 [tilespmem:s17], [sflag:$0x4], $0x1, s22, s21, $0xb8;
	[tilespmem:$0x9200] =	vst v63  }
0x93: {  	_ =	swait.ge [sflag:s30], $0x50  }
0x94: {  	[sflag:s30] =	ssyncset.done $0x0  }
0x95: {  	s23 =	simm.s32 $0x5300;
	[sflag:s30] =	ssyncadd.s32 $0xFFFFFFB0  }
0x96: {  	[spmem:s3] =	stream.indirect.scatter.add.f32 [tilespmem:s17], [sflag:$0x5], $0x1, s23, s21, $0xb8;
	[tilespmem:$0x9200] =	vst v63  }
0x97: {  	_ =	swait.ge [sflag:s31], $0x50  }
0x98: {  	[sflag:s31] =	ssyncset.done $0x0  }
0x99: {  	s14 =	simm.s32 $0xFFFF1A00;
	s19 =	simm.s32 $0x5380;
	[sflag:s31] =	ssyncadd.s32 $0xFFFFFFB0  }
.LBB2_4:
0x9a: {  	[spmem:s3] =	stream.indirect.scatter.add.f32 [tilespmem:s17], [sflag:$0x6], $0x1, s19, s21, $0xb8;
	[tilespmem:$0x9200] =	vst v63  }
0x9b: {  	s19 =	smov.u32 s14  }
0x9c: {  	p0 =	sne.s32 s14, $0xFFFFF600;
	s14 =	sadd.s32 $0xA00, s14;
	_ =	swait.ge [sflag:s26], $0x50  }
0x9d: {  	s19 =	sshra.s32 s19, $0x2;
	[sflag:s26] =	ssyncset.done $0x0  }
0x9e: {  	s20 =	sadd.s32 $0x8D80, s19;
	[sflag:s26] =	ssyncadd.s32 $0xFFFFFFB0  }
0x9f: {  	[spmem:s3] =	stream.indirect.scatter.add.f32 [tilespmem:s17], [sflag:$0x2], $0x1, s20, s21, $0xb8;
	[tilespmem:$0x9200] =	vst v63  }
0xa0: {  	_ =	swait.ge [sflag:s28], $0x50  }
0xa1: {  	[sflag:s28] =	ssyncset.done $0x0  }
0xa2: {  	s20 =	sadd.s32 $0x8E00, s19;
	[sflag:s28] =	ssyncadd.s32 $0xFFFFFFB0  }
0xa3: {  	[spmem:s3] =	stream.indirect.scatter.add.f32 [tilespmem:s17], [sflag:$0x3], $0x1, s20, s21, $0xb8;
	[tilespmem:$0x9200] =	vst v63  }
0xa4: {  	_ =	swait.ge [sflag:s29], $0x50  }
0xa5: {  	[sflag:s29] =	ssyncset.done $0x0  }
0xa6: {  	s20 =	sadd.s32 $0x8E80, s19;
	[sflag:s29] =	ssyncadd.s32 $0xFFFFFFB0  }
0xa7: {  	[spmem:s3] =	stream.indirect.scatter.add.f32 [tilespmem:s17], [sflag:$0x4], $0x1, s20, s21, $0xb8;
	[tilespmem:$0x9200] =	vst v63  }
0xa8: {  	_ =	swait.ge [sflag:s30], $0x50  }
0xa9: {  	[sflag:s30] =	ssyncset.done $0x0  }
.Ltmp1:
0xaa: {  	s20 =	sadd.s32 $0x8F00, s19;
	[sflag:s30] =	ssyncadd.s32 $0xFFFFFFB0;
	(pc) =	sbr.rel @p0 .LBB2_4-.Ltmp1, $4  }
0xab: {  	[spmem:s3] =	stream.indirect.scatter.add.f32 [tilespmem:s17], [sflag:$0x5], $0x1, s20, s21, $0xb8;
	[tilespmem:$0x9200] =	vst v63  }
0xac: {  	_ =	swait.ge [sflag:s31], $0x50  }
0xad: {  	[sflag:s31] =	ssyncset.done $0x0  }
0xae: {  	s19 =	sadd.s32 $0x8F80, s19;
	[sflag:s31] =	ssyncadd.s32 $0xFFFFFFB0  }
0xaf: {  	[spmem:s3] =	stream.indirect.scatter.add.f32 [tilespmem:s17], [sflag:$0x6], $0x1, s19, s21, $0xb8;
	[tilespmem:$0x9200] =	vst v63  }
0xb0: {  	_ =	swait.ge [sflag:s26], $0x50  }
0xb1: {  	[sflag:s26] =	ssyncset.done $0x0  }
0xb2: {  	[sflag:s26] =	ssyncadd.s32 $0xFFFFFFB0  }
0xb3: {  	_ =	swait.ge [sflag:s28], $0x50  }
0xb4: {  	[sflag:s28] =	ssyncset.done $0x0  }
0xb5: {  	[sflag:s28] =	ssyncadd.s32 $0xFFFFFFB0  }
0xb6: {  	_ =	swait.ge [sflag:s29], $0x50  }
0xb7: {  	[sflag:s29] =	ssyncset.done $0x0  }
0xb8: {  	[sflag:s29] =	ssyncadd.s32 $0xFFFFFFB0  }
0xb9: {  	_ =	swait.ge [sflag:s30], $0x50  }
0xba: {  	[sflag:s30] =	ssyncset.done $0x0  }
0xbb: {  	[sflag:s30] =	ssyncadd.s32 $0xFFFFFFB0  }
0xbc: {  	_ =	swait.ge [sflag:s31], $0x50  }
0xbd: {  	[sflag:s31] =	ssyncset.done $0x0  }
0xbe: {  	[sflag:s31] =	ssyncadd.s32 $0xFFFFFFB0  }
0xbf: {  	_ =	swait.ge [sflag:s5], $0x3E80  }
0xc0: {  	[sflag:s5] =	ssyncset.done $0x0  }
0xc1: {  	[sflag:s5] =	ssyncadd.s32 $0xFFFFC180  }
0xc2: {  	_ =	swait.ge [sflag:s5], $0x2780  }
0xc3: {  	s2 =	sadd.s32 $0x1, s2;
	[sflag:s5] =	ssyncset.done $0x0  }
0xc4: {  	p0 =	sne.s32 s2, s13;
	[sflag:s5] =	ssyncadd.s32 $0xFFFFD880  }
.Ltmp2:
0xc5: {  	[bflag:$0x0] =	sbarrier.arrive $0xFFFF;
	(pc) =	sbr.rel @p0 .LBB2_1-.Ltmp2, $4  }
0xc6: {  	[hbm:s12@s0], [sflag:s9] =	dma.strided [spmem:s15@s1], $0x50, s5, $0x10   }
0xc7: {  	_ =	swait.ge [sflag:s16], $0x50  }
0xc8: {  	[sflag:s16] =	ssyncset.done $0x0  }
0xc9: {  	[sflag:s16] =	ssyncadd.s32 $0xFFFFFFB0  }
0xca: {  	_ =	sfence.sel $0x180000  }
0xcb: {  	[bflag:$0x0] =	sbarrier.arrive $0xFFFF  }
0xcc: {  	_ =	strace $0x90000047  }
0xcd: {  	s0 =	stileid.u32;
	[bflag:$0x2] =	sbarrier.arrive $0xFFFF  }
0xce: {  	p0 =	sne.s32 s0, $0x0;
	s0 =	rddreg [dreg:$0x3]  }
0xcf: {  	s0 =	sadd.s32 @!p0 $0x100000, s0  }
0xd0: {  	[sflag:s0] =	ssyncadd.tile.s32 @!p0 $0x1;
	_ =	shalt  }
.Lfunc_end2:
_tile_overlayer_lowered:
.L_overlay_start_2:
0xd1: {  	(tag) =	ssettag $0x2  }
0xd2: {  	s0 =	rddreg [dreg:$0x0];
	s2 =	stileid.u32  }
0xd3: {  	s1 =	rddreg [dreg:$0x1];
	p0 =	sne.s32 s2, $0x0  }
0xd4: {  	s3 =	rddreg [dreg:$0x2];
	[bflag:$0x3] =	sbarrier.arrive $0xFFFF;
	s2 =	simm.s32 @!p0 $0x1C07  }
0xd5: {  	[timem:s3], [sflag:s2] =	dma.local @!p0 [hbm:s0], s1  }
0xd6: {  	s0 =	simm.s32 @!p0 $0x7  }
0xd7: {  	_ =	swait.ge @!p0 [sflag:s0], s1  }
0xd8: {  	s1 =	ssub.s32 @!p0 $0x0, s1;
	[sflag:s0] =	ssyncset.done @!p0 $0x0  }
0xd9: {  	[sflag:s0] =	ssyncadd.s32 @!p0 s1  }
0xda: {  	[bflag:$0x3] =	sbarrier.arrive $0xFFFF  }
0xdb: {  	_ =	shalt  }

</sc_bundles>
